<compile_context>
chip_gen: v7x
topology: tpu7x:2x2x1
jax: 0.10.2.dev20260603
libtpu: 0.0.44.dev20260713+nightly
codegen_flags: <defaults>
</compile_context>

<pallas_src>
import functools

import jax
import jax.numpy as jnp
from jax import lax
from jax.experimental import pallas as pl
from jax.experimental.pallas import tpu as pltpu
from jax.experimental.pallas import tpu_sc as plsc

N_PIX = 8 * 384 * 384
ROW = 384 * 384
PER_TEC = N_PIX // 16
CHUNK = 4608
N_CHUNKS = PER_TEC // CHUNK
LANES = 16
NBINS = 512
BIN_SHIFT = 22
NROWS = NBINS // 128
STRIDE = NBINS + 1

_sc_mesh = plsc.VectorSubcoreMesh(
    core_axis_name="c", subcore_axis_name="s", num_cores=2, num_subcores=16)


@functools.partial(
    pl.kernel,
    out_type=(
        jax.ShapeDtypeStruct((32, NBINS), jnp.float32),
        jax.ShapeDtypeStruct((32, NBINS), jnp.float32),
        jax.ShapeDtypeStruct((32, 16), jnp.float32),
    ),
    mesh=_sc_mesh,
    compiler_params=pltpu.CompilerParams(needs_layout_passes=False),
    scratch_types=[
        pltpu.VMEM((CHUNK,), jnp.float32),
        pltpu.VMEM((CHUNK,), jnp.float32),
        pltpu.VMEM((CHUNK,), jnp.float32),
        pltpu.VMEM((CHUNK,), jnp.float32),
        pltpu.VMEM((STRIDE * LANES,), jnp.float32),
        pltpu.VMEM((STRIDE * LANES,), jnp.float32),
        pltpu.VMEM((STRIDE * LANES,), jnp.float32),
        pltpu.VMEM((STRIDE * LANES,), jnp.float32),
        pltpu.VMEM((NBINS,), jnp.float32),
        pltpu.VMEM((NBINS,), jnp.float32),
        pltpu.VMEM((16,), jnp.float32),
        pltpu.SemaphoreType.DMA,
        pltpu.SemaphoreType.DMA,
    ],
)
def _sc_histogram(pred_hbm, char_hbm, aff_hbm, cnt_out, sum_out, scal_out,
                  pbuf0, pbuf1, tbuf0, tbuf1, hcnt_a, hcnt_b, hsum_a, hsum_b,
                  fcnt, fsum, sbuf, sem0, sem1):
    c = lax.axis_index("c")
    s = lax.axis_index("s")
    w = c * 16 + s
    b = s // 2
    half = s % 2
    pred_base = b * (2 * ROW) + c * ROW + half * (ROW // 2)
    targ_base = s * PER_TEC

    zeros = jnp.zeros((LANES,), jnp.float32)
    ones = jnp.ones((LANES,), jnp.float32)
    lane_off = lax.iota(jnp.int32, LANES) * STRIDE

    def zbody(i, _):
        hcnt_a[pl.ds(i * LANES, LANES)] = zeros
        hcnt_b[pl.ds(i * LANES, LANES)] = zeros
        hsum_a[pl.ds(i * LANES, LANES)] = zeros
        hsum_b[pl.ds(i * LANES, LANES)] = zeros
        return 0

    lax.fori_loop(0, STRIDE * LANES // LANES, zbody, 0)

    pbufs = (pbuf0, pbuf1)
    tbufs = (tbuf0, tbuf1)
    sems = (sem0, sem1)

    def start(ch, bsel):
        cp_p = pltpu.async_copy(
            pred_hbm.at[pl.ds(pred_base + ch * CHUNK, CHUNK)], pbufs[bsel], sems[bsel])

        @pl.when(c == 0)
        def _():
            pltpu.async_copy(
                char_hbm.at[pl.ds(targ_base + ch * CHUNK, CHUNK)],
                tbufs[bsel], sems[bsel])

        @pl.when(c == 1)
        def _():
            pltpu.async_copy(
                aff_hbm.at[pl.ds(targ_base + ch * CHUNK, CHUNK)],
                tbufs[bsel], sems[bsel])

        return cp_p

    def wait(cp_p, bsel):
        cp_p.wait()
        pltpu.make_async_copy(
            char_hbm.at[pl.ds(0, CHUNK)], tbufs[bsel], sems[bsel]).wait()

    def compute(bsel, carry):
        pb, tb = pbufs[bsel], tbufs[bsel]

        def body(i, ts):
            base = i * (2 * LANES)
            p0 = pb[pl.ds(base, LANES)]
            t0 = tb[pl.ds(base, LANES)]
            p1 = pb[pl.ds(base + LANES, LANES)]
            t1 = tb[pl.ds(base + LANES, LANES)]
            d0 = p0 - t0
            d1 = p1 - t1
            l0 = d0 * d0
            l1 = d1 * d1
            ts = ts + l0 + l1
            u0 = 1.0 - t0
            u1 = 1.0 - t1
            b0 = jnp.right_shift(lax.bitcast_convert_type(l0, jnp.int32), BIN_SHIFT)
            b1 = jnp.right_shift(lax.bitcast_convert_type(l1, jnp.int32), BIN_SHIFT)
            i0 = b0 + lane_off
            i1 = b1 + lane_off
            plsc.addupdate_scatter(hcnt_a, [i0], u0)
            plsc.addupdate_scatter(hcnt_b, [i1], u1)
            plsc.addupdate_scatter(hsum_a, [i0], l0 * u0)
            plsc.addupdate_scatter(hsum_b, [i1], l1 * u1)
            return ts

        return lax.fori_loop(0, CHUNK // (2 * LANES), body, carry)

    carry = zeros
    cp = start(0, 0)
    for ch in range(N_CHUNKS):
        bsel = ch % 2
        wait(cp, bsel)
        if ch + 1 < N_CHUNKS:
            nxt = start(ch + 1, 1 - bsel)
        carry = compute(bsel, carry)
        if ch + 1 < N_CHUNKS:
            cp = nxt
    tot_sum = carry

    def fold(i, _):
        acc_c = hcnt_a[pl.ds(i * LANES, LANES)] + hcnt_b[pl.ds(i * LANES, LANES)]
        acc_s = hsum_a[pl.ds(i * LANES, LANES)] + hsum_b[pl.ds(i * LANES, LANES)]
        for l in range(1, LANES):
            off = l * STRIDE + i * LANES
            acc_c = acc_c + hcnt_a[pl.ds(off, LANES)] + hcnt_b[pl.ds(off, LANES)]
            acc_s = acc_s + hsum_a[pl.ds(off, LANES)] + hsum_b[pl.ds(off, LANES)]
        fcnt[pl.ds(i * LANES, LANES)] = acc_c
        fsum[pl.ds(i * LANES, LANES)] = acc_s
        return 0

    lax.fori_loop(0, NBINS // LANES, fold, 0)

    sbuf[pl.ds(0, LANES)] = tot_sum

    pltpu.sync_copy(fcnt, cnt_out.at[w])
    pltpu.sync_copy(fsum, sum_out.at[w])
    pltpu.sync_copy(sbuf, scal_out.at[w])


def _finalize_body(cnt_ref, sum_ref, scal_ref, out_ref):
    qi = lax.broadcasted_iota(jnp.int32, (128, 128), 0)
    qj = lax.broadcasted_iota(jnp.int32, (128, 128), 1)
    U = (qi >= qj).astype(jnp.float32)
    pi = lax.broadcasted_iota(jnp.int32, (NROWS, NROWS), 0)
    pj = lax.broadcasted_iota(jnp.int32, (NROWS, NROWS), 1)
    V = (pj > pi).astype(jnp.float32)
    rowi = lax.broadcasted_iota(jnp.int32, (NROWS, 128), 0)
    coli = lax.broadcasted_iota(jnp.int32, (NROWS, 128), 1)
    flat = rowi * 128 + coli

    total = jnp.float32(0.0)
    for m in range(2):
        Cm = cnt_ref[m * 16:(m + 1) * 16, :]
        Ym = sum_ref[m * 16:(m + 1) * 16, :]
        sc = scal_ref[m * 16:(m + 1) * 16, :]
        X = jnp.sum(Cm, axis=0).reshape(NROWS, 128)
        Y = jnp.sum(Ym, axis=0).reshape(NROWS, 128)
        n_neg = jnp.sum(X)
        n_pos = jnp.float32(N_PIX) - n_neg
        pos_sum = jnp.sum(sc) - jnp.sum(Y)
        k = jnp.minimum(jnp.minimum(jnp.float32(1000.0), 4.0 * n_pos), n_neg)

        SW = jnp.dot(X, U, preferred_element_type=jnp.float32)
        SWY = jnp.dot(Y, U, preferred_element_type=jnp.float32)
        R = SW[:, 0:1]
        RY = SWY[:, 0:1]
        tail = jnp.dot(V, R, preferred_element_type=jnp.float32)
        tailY = jnp.dot(V, RY, preferred_element_type=jnp.float32)
        S = SW + tail
        SY = SWY + tailY

        cnt_ge = jnp.sum((S >= k).astype(jnp.int32))
        sel = (flat == cnt_ge - 1).astype(jnp.float32)
        c_b = jnp.sum(sel * X)
        s_b = jnp.sum(sel * Y)
        S_b = jnp.sum(sel * S)
        SY_b = jnp.sum(sel * SY)
        A = S_b - c_b
        avg = s_b / jnp.maximum(c_b, 1.0)
        neg_sum = (SY_b - s_b) + (k - A) * avg
        total = total + (pos_sum + neg_sum) / (n_pos + k)

    out_ref[...] = jnp.full((8, 128), total, jnp.float32)


_fin = pl.pallas_call(
    _finalize_body,
    out_shape=jax.ShapeDtypeStruct((8, 128), jnp.float32),
)


def kernel(output, character_map, affinity_map):
    pred = output.reshape(-1)
    cnt, sums, scal = _sc_histogram(
        pred, character_map.reshape(-1), affinity_map.reshape(-1))
    res = _fin(cnt, sums, scal)
    return res[0, 0]

# --- scband reference (transcript-rebuilt; emitter-appended) ---
"""Pipeline reference for scband-criterian-57552561766425 (READ-ONLY COPY).

The authoritative reference and input builder live on the scoring server;
editing this copy changes nothing except your own understanding.
"""

import jax, jax.numpy as jnp
import numpy as np


def setup_inputs(seed: int = 0) -> dict:
    key = jax.random.key(seed)
    k1, k2, k3 = jax.random.split(key, 3)
    B, H, W = 8, 384, 384
    output = jax.random.normal(k1, (B, 2, H, W), dtype=jnp.float32)
    character_map = jax.random.randint(k2, (B, H, W), 0, 2).astype(jnp.float32)
    affinity_map = jax.random.randint(k3, (B, H, W), 0, 2).astype(jnp.float32)
    return {"output": output, "character_map": character_map, "affinity_map": affinity_map}


def _hard_negative_mining(pred, target):
    all_loss = (pred - target) ** 2  # F.mse_loss(..., reduction='none')
    n = target.shape[0]
    is_pos = target != 0
    n_pos = jnp.sum(is_pos).astype(jnp.int32)
    n_neg = jnp.int32(n) - n_pos
    k = jnp.minimum(jnp.minimum(jnp.int32(1000), 4 * n_pos), n_neg)
    positive_loss = jnp.where(is_pos, all_loss, 0.0)
    neg_masked = jnp.where(is_pos, -jnp.inf, all_loss)
    sorted_neg = jnp.sort(neg_masked)[::-1]
    topk_mask = jnp.arange(n) < k
    neg_sum = jnp.sum(jnp.where(topk_mask, sorted_neg, 0.0))
    return (positive_loss.sum() + neg_sum) / (n_pos + k).astype(jnp.float32)


def reference(output, character_map, affinity_map):
    B, C, H, W = output.shape
    out = jnp.transpose(output, (0, 2, 3, 1)).reshape(B * H * W, C)
    character = out[:, 0]
    affinity = out[:, 1]
    cm = character_map.reshape(B * H * W)
    am = affinity_map.reshape(B * H * W)
    loss_character = _hard_negative_mining(character, cm)
    loss_affinity = _hard_negative_mining(affinity, am)
    return loss_character + loss_affinity

if __name__ == "__main__":
    import jax
    _d = setup_inputs()
    print(jax.jit(kernel)(*tuple(_d.values())))

</pallas_src>

<mosaic_0001>
#map = affine_map<(d0, d1) -> (0)>
#map1 = affine_map<(d0, d1) -> (0, 0)>
module attributes {stable_mosaic.version = 14 : i64} {
  func.func @_sc_histogram(%arg0: i32, %arg1: i32, %arg2: memref<2359296xf32, #tpu.memory_space<hbm>>, %arg3: memref<1179648xf32, #tpu.memory_space<hbm>>, %arg4: memref<1179648xf32, #tpu.memory_space<hbm>>, %arg5: memref<32x512xf32, #tpu.memory_space<hbm>>, %arg6: memref<32x512xf32, #tpu.memory_space<hbm>>, %arg7: memref<32x16xf32, #tpu.memory_space<hbm>>, %arg8: memref<4608xf32, #tpu.memory_space<vmem>>, %arg9: memref<4608xf32, #tpu.memory_space<vmem>>, %arg10: memref<4608xf32, #tpu.memory_space<vmem>>, %arg11: memref<4608xf32, #tpu.memory_space<vmem>>, %arg12: memref<8208xf32, #tpu.memory_space<vmem>>, %arg13: memref<8208xf32, #tpu.memory_space<vmem>>, %arg14: memref<8208xf32, #tpu.memory_space<vmem>>, %arg15: memref<8208xf32, #tpu.memory_space<vmem>>, %arg16: memref<512xf32, #tpu.memory_space<vmem>>, %arg17: memref<512xf32, #tpu.memory_space<vmem>>, %arg18: memref<16xf32, #tpu.memory_space<vmem>>, %arg19: memref<!tpu.dma_semaphore, #tpu.memory_space<semaphore_mem>>, %arg20: memref<!tpu.dma_semaphore, #tpu.memory_space<semaphore_mem>>) attributes {dimension_semantics = [#tpu.dimension_semantics<core_parallel>, #tpu.dimension_semantics<subcore_parallel>], iteration_bounds = array<i64: 2, 16>, scalar_prefetch = 0 : i64, scratch_operands = 13 : i64, tpu.core_type = #tpu.core_type<sc_vector_subcore>, window_params = [{transform_indices = #map}, {transform_indices = #map}, {transform_indices = #map}, {transform_indices = #map1}, {transform_indices = #map1}, {transform_indices = #map1}]} {
    %mul3A = arith.constant 16 : i32
    %mul3A_0 = arith.muli %arg0, %mul3A : i32
    %add3A = arith.addi %mul3A_0, %arg1 : i32
    %jit3A = arith.constant 2 : i32
    %div3A = arith.divsi %arg1, %jit3A : i32
    %sign3A = arith.constant 0 : i32
    %sign3A_1 = arith.cmpi sgt, %arg1, %sign3A : i32
    %sign3A_2 = arith.extui %sign3A_1 : i1 to i32
    %sign3A_3 = arith.constant 0 : i32
    %sign3A_4 = arith.cmpi slt, %arg1, %sign3A_3 : i32
    %sign3A_5 = arith.extui %sign3A_4 : i1 to i32
    %sign3A_6 = arith.subi %sign3A_2, %sign3A_5 : i32
    %sign3A_7 = arith.constant 0 : i32
    %sign3A_8 = arith.cmpi sgt, %jit3A, %sign3A_7 : i32
    %sign3A_9 = arith.extui %sign3A_8 : i1 to i32
    %sign3A_10 = arith.constant 0 : i32
    %sign3A_11 = arith.cmpi slt, %jit3A, %sign3A_10 : i32
    %sign3A_12 = arith.extui %sign3A_11 : i1 to i32
    %sign3A_13 = arith.subi %sign3A_9, %sign3A_12 : i32
    %ne3A = arith.cmpi ne, %sign3A_6, %sign3A_13 : i32
    %rem3A = arith.remsi %arg1, %jit3A : i32
    %ne3A_14 = arith.constant 0 : i32
    %ne3A_15 = arith.cmpi ne, %rem3A, %ne3A_14 : i32
    %and3A = arith.andi %ne3A, %ne3A_15 : i1
    %sub3A = arith.constant 1 : i32
    %sub3A_16 = arith.subi %div3A, %sub3A : i32
    %select_n3A = arith.select %and3A, %sub3A_16, %div3A : i32
    %jit3A_17 = arith.constant 2 : i32
    %eq3A = arith.constant 0 : i32
    %eq3A_18 = arith.cmpi eq, %jit3A_17, %eq3A : i32
    %jit3A_19 = arith.constant 1 : i32
    %select_n3A_20 = arith.select %eq3A_18, %jit3A_19, %jit3A_17 : i32
    %rem3A_21 = arith.remsi %arg1, %select_n3A_20 : i32
    %ne3A_22 = arith.constant 0 : i32
    %ne3A_23 = arith.cmpi ne, %rem3A_21, %ne3A_22 : i32
    %lt3A = arith.constant 0 : i32
    %lt3A_24 = arith.cmpi slt, %rem3A_21, %lt3A : i32
    %lt3A_25 = arith.constant 0 : i32
    %lt3A_26 = arith.cmpi slt, %select_n3A_20, %lt3A_25 : i32
    %ne3A_27 = arith.xori %lt3A_24, %lt3A_26 : i1
    %and3A_28 = arith.andi %ne3A_27, %ne3A_23 : i1
    %add3A_29 = arith.addi %rem3A_21, %select_n3A_20 : i32
    %select_n3A_30 = arith.select %and3A_28, %add3A_29, %rem3A_21 : i32
    %mul3A_31 = arith.constant 294912 : i32
    %mul3A_32 = arith.muli %select_n3A, %mul3A_31 : i32
    %mul3A_33 = arith.constant 147456 : i32
    %mul3A_34 = arith.muli %arg0, %mul3A_33 : i32
    %add3A_35 = arith.addi %mul3A_32, %mul3A_34 : i32
    %mul3A_36 = arith.constant 73728 : i32
    %mul3A_37 = arith.muli %select_n3A_30, %mul3A_36 : i32
    %add3A_38 = arith.addi %add3A_35, %mul3A_37 : i32
    %mul3A_39 = arith.constant 73728 : i32
    %mul3A_40 = arith.muli %arg1, %mul3A_39 : i32
    %broadcast_in_dim3A = arith.constant 0.000000e+00 : f32
    %broadcast_in_dim3A_41 = vector.broadcast %broadcast_in_dim3A : f32 to vector<16xf32>
    %broadcast_in_dim3A_42 = arith.constant 1.000000e+00 : f32
    %broadcast_in_dim3A_43 = vector.broadcast %broadcast_in_dim3A_42 : f32 to vector<16xf32>
    %iota3A = tpu.iota {dimensions = array<i32: 0>} : vector<16xi32>
    %mul3A_44 = arith.constant 513 : i32
    %mul3A_45 = vector.broadcast %mul3A_44 : i32 to vector<16xi32>
    %mul3A_46 = arith.muli %iota3A, %mul3A_45 : vector<16xi32>
    %scan3A = arith.constant 0 : i32
    %scan3A_47 = arith.constant 0 : i32
    %scan3A_48 = arith.constant 513 : i32
    %scan3A_49 = arith.addi %scan3A_47, %scan3A_48 : i32
    %scan3A_50 = arith.constant 1 : i32
    %scan3A_51 = scf.for %scan3A_473 = %scan3A_47 to %scan3A_49 step %scan3A_50 iter_args(%scan3A_474 = %scan3A) -> (i32)  : i32 {
      %mul3A_475 = arith.constant 16 : i32
      %mul3A_476 = arith.muli %scan3A_473, %mul3A_475 : i32
      %swap3A_477 = arith.index_cast %mul3A_476 : i32 to index
      %swap3A_478 = tpu.vector_load %arg12[%swap3A_477] {strides = array<i32>} : memref<8208xf32, #tpu.memory_space<vmem>>, vector<16xf32>,
      tpu.vector_store %arg12[%swap3A_477], %broadcast_in_dim3A_41 {strides = array<i32>} : memref<8208xf32, #tpu.memory_space<vmem>>, vector<16xf32>,
      %mul3A_479 = arith.constant 16 : i32
      %mul3A_480 = arith.muli %scan3A_473, %mul3A_479 : i32
      %swap3A_481 = arith.index_cast %mul3A_480 : i32 to index
      %swap3A_482 = tpu.vector_load %arg13[%swap3A_481] {strides = array<i32>} : memref<8208xf32, #tpu.memory_space<vmem>>, vector<16xf32>,
      tpu.vector_store %arg13[%swap3A_481], %broadcast_in_dim3A_41 {strides = array<i32>} : memref<8208xf32, #tpu.memory_space<vmem>>, vector<16xf32>,
      %mul3A_483 = arith.constant 16 : i32
      %mul3A_484 = arith.muli %scan3A_473, %mul3A_483 : i32
      %swap3A_485 = arith.index_cast %mul3A_484 : i32 to index
      %swap3A_486 = tpu.vector_load %arg14[%swap3A_485] {strides = array<i32>} : memref<8208xf32, #tpu.memory_space<vmem>>, vector<16xf32>,
      tpu.vector_store %arg14[%swap3A_485], %broadcast_in_dim3A_41 {strides = array<i32>} : memref<8208xf32, #tpu.memory_space<vmem>>, vector<16xf32>,
      %mul3A_487 = arith.constant 16 : i32
      %mul3A_488 = arith.muli %scan3A_473, %mul3A_487 : i32
      %swap3A_489 = arith.index_cast %mul3A_488 : i32 to index
      %swap3A_490 = tpu.vector_load %arg15[%swap3A_489] {strides = array<i32>} : memref<8208xf32, #tpu.memory_space<vmem>>, vector<16xf32>,
      tpu.vector_store %arg15[%swap3A_489], %broadcast_in_dim3A_41 {strides = array<i32>} : memref<8208xf32, #tpu.memory_space<vmem>>, vector<16xf32>,
      %scan3A_491 = arith.constant 0 : i32
      scf.yield %scan3A_491 : i32
    }
    %scan3A_52 = arith.constant 513 : i32
    %add3A_53 = arith.constant 0 : i32
    %add3A_54 = arith.addi %add3A_38, %add3A_53 : i32
    %dma_start3A = tpu.memref_slice %arg2[%add3A_54] : memref<2359296xf32, #tpu.memory_space<hbm>> -> memref<4608xf32, #tpu.memory_space<hbm>>
    %dma_start3A_55 = tpu.memref_slice %arg2[%add3A_54] : memref<2359296xf32, #tpu.memory_space<hbm>> -> memref<4608xf32, #tpu.memory_space<hbm>>
    tpu.enqueue_dma source(%dma_start3A_55 : memref<4608xf32, #tpu.memory_space<hbm>>) target(%arg8 : memref<4608xf32, #tpu.memory_space<vmem>>) target_semaphore(%arg19 : memref<!tpu.dma_semaphore, #tpu.memory_space<semaphore_mem>>)
    %eq3A_56 = arith.constant 0 : i32
    %eq3A_57 = arith.cmpi eq, %arg0, %eq3A_56 : i32
    %convert_element_type3A = arith.extui %eq3A_57 : i1 to i32
    %cond3A = arith.constant 0 : i32
    %cond3A_58 = arith.cmpi ne, %convert_element_type3A, %cond3A : i32
    scf.if %cond3A_58 {
      %add3A_473 = arith.constant 0 : i32
      %add3A_474 = arith.addi %mul3A_40, %add3A_473 : i32
      %dma_start3A_475 = tpu.memref_slice %arg3[%add3A_474] : memref<1179648xf32, #tpu.memory_space<hbm>> -> memref<4608xf32, #tpu.memory_space<hbm>>
      %dma_start3A_476 = tpu.memref_slice %arg3[%add3A_474] : memref<1179648xf32, #tpu.memory_space<hbm>> -> memref<4608xf32, #tpu.memory_space<hbm>>
      tpu.enqueue_dma source(%dma_start3A_476 : memref<4608xf32, #tpu.memory_space<hbm>>) target(%arg10 : memref<4608xf32, #tpu.memory_space<vmem>>) target_semaphore(%arg19 : memref<!tpu.dma_semaphore, #tpu.memory_space<semaphore_mem>>)
    } else {
    }
    %eq3A_59 = arith.constant 1 : i32
    %eq3A_60 = arith.cmpi eq, %arg0, %eq3A_59 : i32
    %convert_element_type3A_61 = arith.extui %eq3A_60 : i1 to i32
    %cond3A_62 = arith.constant 0 : i32
    %cond3A_63 = arith.cmpi ne, %convert_element_type3A_61, %cond3A_62 : i32
    scf.if %cond3A_63 {
      %add3A_473 = arith.constant 0 : i32
      %add3A_474 = arith.addi %mul3A_40, %add3A_473 : i32
      %dma_start3A_475 = tpu.memref_slice %arg4[%add3A_474] : memref<1179648xf32, #tpu.memory_space<hbm>> -> memref<4608xf32, #tpu.memory_space<hbm>>
      %dma_start3A_476 = tpu.memref_slice %arg4[%add3A_474] : memref<1179648xf32, #tpu.memory_space<hbm>> -> memref<4608xf32, #tpu.memory_space<hbm>>
      tpu.enqueue_dma source(%dma_start3A_476 : memref<4608xf32, #tpu.memory_space<hbm>>) target(%arg10 : memref<4608xf32, #tpu.memory_space<vmem>>) target_semaphore(%arg19 : memref<!tpu.dma_semaphore, #tpu.memory_space<semaphore_mem>>)
    } else {
    }
    %dma_wait3A = tpu.memref_slice %arg2[%add3A_54] : memref<2359296xf32, #tpu.memory_space<hbm>> -> memref<4608xf32, #tpu.memory_space<hbm>>
    %dma_wait3A_64 = tpu.memref_slice %arg2[%add3A_54] : memref<2359296xf32, #tpu.memory_space<hbm>> -> memref<4608xf32, #tpu.memory_space<hbm>>
    tpu.wait_dma2 semaphore(%arg19 : memref<!tpu.dma_semaphore, #tpu.memory_space<semaphore_mem>>) src(%dma_wait3A_64 : memref<4608xf32, #tpu.memory_space<hbm>>) dst(%arg8 : memref<4608xf32, #tpu.memory_space<vmem>>)
    %dma_wait3A_65 = arith.constant 0 : i32
    %dma_wait3A_66 = tpu.memref_slice %arg3[%dma_wait3A_65] : memref<1179648xf32, #tpu.memory_space<hbm>> -> memref<4608xf32, #tpu.memory_space<hbm>>
    %dma_wait3A_67 = arith.constant 0 : i32
    %dma_wait3A_68 = tpu.memref_slice %arg3[%dma_wait3A_67] : memref<1179648xf32, #tpu.memory_space<hbm>> -> memref<4608xf32, #tpu.memory_space<hbm>>
    tpu.wait_dma2 semaphore(%arg19 : memref<!tpu.dma_semaphore, #tpu.memory_space<semaphore_mem>>) src(%dma_wait3A_68 : memref<4608xf32, #tpu.memory_space<hbm>>) dst(%arg10 : memref<4608xf32, #tpu.memory_space<vmem>>)
    %add3A_69 = arith.constant 4608 : i32
    %add3A_70 = arith.addi %add3A_38, %add3A_69 : i32
    %dma_start3A_71 = tpu.memref_slice %arg2[%add3A_70] : memref<2359296xf32, #tpu.memory_space<hbm>> -> memref<4608xf32, #tpu.memory_space<hbm>>
    %dma_start3A_72 = tpu.memref_slice %arg2[%add3A_70] : memref<2359296xf32, #tpu.memory_space<hbm>> -> memref<4608xf32, #tpu.memory_space<hbm>>
    tpu.enqueue_dma source(%dma_start3A_72 : memref<4608xf32, #tpu.memory_space<hbm>>) target(%arg9 : memref<4608xf32, #tpu.memory_space<vmem>>) target_semaphore(%arg20 : memref<!tpu.dma_semaphore, #tpu.memory_space<semaphore_mem>>)
    %eq3A_73 = arith.constant 0 : i32
    %eq3A_74 = arith.cmpi eq, %arg0, %eq3A_73 : i32
    %convert_element_type3A_75 = arith.extui %eq3A_74 : i1 to i32
    %cond3A_76 = arith.constant 0 : i32
    %cond3A_77 = arith.cmpi ne, %convert_element_type3A_75, %cond3A_76 : i32
    scf.if %cond3A_77 {
      %add3A_473 = arith.constant 4608 : i32
      %add3A_474 = arith.addi %mul3A_40, %add3A_473 : i32
      %dma_start3A_475 = tpu.memref_slice %arg3[%add3A_474] : memref<1179648xf32, #tpu.memory_space<hbm>> -> memref<4608xf32, #tpu.memory_space<hbm>>
      %dma_start3A_476 = tpu.memref_slice %arg3[%add3A_474] : memref<1179648xf32, #tpu.memory_space<hbm>> -> memref<4608xf32, #tpu.memory_space<hbm>>
      tpu.enqueue_dma source(%dma_start3A_476 : memref<4608xf32, #tpu.memory_space<hbm>>) target(%arg11 : memref<4608xf32, #tpu.memory_space<vmem>>) target_semaphore(%arg20 : memref<!tpu.dma_semaphore, #tpu.memory_space<semaphore_mem>>)
    } else {
    }
    %eq3A_78 = arith.constant 1 : i32
    %eq3A_79 = arith.cmpi eq, %arg0, %eq3A_78 : i32
    %convert_element_type3A_80 = arith.extui %eq3A_79 : i1 to i32
    %cond3A_81 = arith.constant 0 : i32
    %cond3A_82 = arith.cmpi ne, %convert_element_type3A_80, %cond3A_81 : i32
    scf.if %cond3A_82 {
      %add3A_473 = arith.constant 4608 : i32
      %add3A_474 = arith.addi %mul3A_40, %add3A_473 : i32
      %dma_start3A_475 = tpu.memref_slice %arg4[%add3A_474] : memref<1179648xf32, #tpu.memory_space<hbm>> -> memref<4608xf32, #tpu.memory_space<hbm>>
      %dma_start3A_476 = tpu.memref_slice %arg4[%add3A_474] : memref<1179648xf32, #tpu.memory_space<hbm>> -> memref<4608xf32, #tpu.memory_space<hbm>>
      tpu.enqueue_dma source(%dma_start3A_476 : memref<4608xf32, #tpu.memory_space<hbm>>) target(%arg11 : memref<4608xf32, #tpu.memory_space<vmem>>) target_semaphore(%arg20 : memref<!tpu.dma_semaphore, #tpu.memory_space<semaphore_mem>>)
    } else {
    }
    %scan3A_83 = arith.constant 0 : i32
    %scan3A_84 = arith.constant 144 : i32
    %scan3A_85 = arith.addi %scan3A_83, %scan3A_84 : i32
    %scan3A_86 = arith.constant 1 : i32
    %scan3A_87 = scf.for %scan3A_473 = %scan3A_83 to %scan3A_85 step %scan3A_86 iter_args(%scan3A_474 = %broadcast_in_dim3A_41) -> (vector<16xf32>)  : i32 {
      %mul3A_475 = arith.constant 32 : i32
      %mul3A_476 = arith.muli %scan3A_473, %mul3A_475 : i32
      %get3A = arith.index_cast %mul3A_476 : i32 to index
      %get3A_477 = tpu.vector_load %arg8[%get3A] {strides = array<i32>} : memref<4608xf32, #tpu.memory_space<vmem>>, vector<16xf32>,
      %get3A_478 = arith.index_cast %mul3A_476 : i32 to index
      %get3A_479 = tpu.vector_load %arg10[%get3A_478] {strides = array<i32>} : memref<4608xf32, #tpu.memory_space<vmem>>, vector<16xf32>,
      %add3A_480 = arith.constant 16 : i32
      %add3A_481 = arith.addi %mul3A_476, %add3A_480 : i32
      %get3A_482 = arith.index_cast %add3A_481 : i32 to index
      %get3A_483 = tpu.vector_load %arg8[%get3A_482] {strides = array<i32>} : memref<4608xf32, #tpu.memory_space<vmem>>, vector<16xf32>,
      %add3A_484 = arith.constant 16 : i32
      %add3A_485 = arith.addi %mul3A_476, %add3A_484 : i32
      %get3A_486 = arith.index_cast %add3A_485 : i32 to index
      %get3A_487 = tpu.vector_load %arg10[%get3A_486] {strides = array<i32>} : memref<4608xf32, #tpu.memory_space<vmem>>, vector<16xf32>,
      %sub3A_488 = arith.subf %get3A_477, %get3A_479 : vector<16xf32>
      %sub3A_489 = arith.subf %get3A_483, %get3A_487 : vector<16xf32>
      %mul3A_490 = arith.mulf %sub3A_488, %sub3A_488 : vector<16xf32>
      %mul3A_491 = arith.mulf %sub3A_489, %sub3A_489 : vector<16xf32>
      %add3A_492 = arith.addf %scan3A_474, %mul3A_490 : vector<16xf32>
      %add3A_493 = arith.addf %add3A_492, %mul3A_491 : vector<16xf32>
      %sub3A_494 = arith.constant 1.000000e+00 : f32
      %sub3A_495 = vector.broadcast %sub3A_494 : f32 to vector<16xf32>
      %sub3A_496 = arith.subf %sub3A_495, %get3A_479 : vector<16xf32>
      %sub3A_497 = arith.constant 1.000000e+00 : f32
      %sub3A_498 = vector.broadcast %sub3A_497 : f32 to vector<16xf32>
      %sub3A_499 = arith.subf %sub3A_498, %get3A_487 : vector<16xf32>
      %bitcast_convert_type3A = tpu.bitcast %mul3A_490 : vector<16xf32> -> vector<16xi32>
      %shift_right_arithmetic3A = arith.constant 22 : i32
      %shift_right_arithmetic3A_500 = vector.broadcast %shift_right_arithmetic3A : i32 to vector<16xi32>
      %shift_right_arithmetic3A_501 = arith.shrsi %bitcast_convert_type3A, %shift_right_arithmetic3A_500 : vector<16xi32>
      %bitcast_convert_type3A_502 = tpu.bitcast %mul3A_491 : vector<16xf32> -> vector<16xi32>
      %shift_right_arithmetic3A_503 = arith.constant 22 : i32
      %shift_right_arithmetic3A_504 = vector.broadcast %shift_right_arithmetic3A_503 : i32 to vector<16xi32>
      %shift_right_arithmetic3A_505 = arith.shrsi %bitcast_convert_type3A_502, %shift_right_arithmetic3A_504 : vector<16xi32>
      %add3A_506 = arith.addi %shift_right_arithmetic3A_501, %mul3A_46 : vector<16xi32>
      %add3A_507 = arith.addi %shift_right_arithmetic3A_505, %mul3A_46 : vector<16xi32>
      tpu.vector_store_idx %arg12[%add3A_506], %sub3A_496 {add = true} : memref<8208xf32, #tpu.memory_space<vmem>>[vector<16xi32>], vector<16xf32>,
      tpu.vector_store_idx %arg13[%add3A_507], %sub3A_499 {add = true} : memref<8208xf32, #tpu.memory_space<vmem>>[vector<16xi32>], vector<16xf32>,
      %mul3A_508 = arith.mulf %mul3A_490, %sub3A_496 : vector<16xf32>
      tpu.vector_store_idx %arg14[%add3A_506], %mul3A_508 {add = true} : memref<8208xf32, #tpu.memory_space<vmem>>[vector<16xi32>], vector<16xf32>,
      %mul3A_509 = arith.mulf %mul3A_491, %sub3A_499 : vector<16xf32>
      tpu.vector_store_idx %arg15[%add3A_507], %mul3A_509 {add = true} : memref<8208xf32, #tpu.memory_space<vmem>>[vector<16xi32>], vector<16xf32>,
      scf.yield %add3A_493 : vector<16xf32>
    }
    %scan3A_88 = arith.constant 144 : i32
    %dma_wait3A_89 = tpu.memref_slice %arg2[%add3A_70] : memref<2359296xf32, #tpu.memory_space<hbm>> -> memref<4608xf32, #tpu.memory_space<hbm>>
    %dma_wait3A_90 = tpu.memref_slice %arg2[%add3A_70] : memref<2359296xf32, #tpu.memory_space<hbm>> -> memref<4608xf32, #tpu.memory_space<hbm>>
    tpu.wait_dma2 semaphore(%arg20 : memref<!tpu.dma_semaphore, #tpu.memory_space<semaphore_mem>>) src(%dma_wait3A_90 : memref<4608xf32, #tpu.memory_space<hbm>>) dst(%arg9 : memref<4608xf32, #tpu.memory_space<vmem>>)
    %dma_wait3A_91 = arith.constant 0 : i32
    %dma_wait3A_92 = tpu.memref_slice %arg3[%dma_wait3A_91] : memref<1179648xf32, #tpu.memory_space<hbm>> -> memref<4608xf32, #tpu.memory_space<hbm>>
    %dma_wait3A_93 = arith.constant 0 : i32
    %dma_wait3A_94 = tpu.memref_slice %arg3[%dma_wait3A_93] : memref<1179648xf32, #tpu.memory_space<hbm>> -> memref<4608xf32, #tpu.memory_space<hbm>>
    tpu.wait_dma2 semaphore(%arg20 : memref<!tpu.dma_semaphore, #tpu.memory_space<semaphore_mem>>) src(%dma_wait3A_94 : memref<4608xf32, #tpu.memory_space<hbm>>) dst(%arg11 : memref<4608xf32, #tpu.memory_space<vmem>>)
    %add3A_95 = arith.constant 9216 : i32
    %add3A_96 = arith.addi %add3A_38, %add3A_95 : i32
    %dma_start3A_97 = tpu.memref_slice %arg2[%add3A_96] : memref<2359296xf32, #tpu.memory_space<hbm>> -> memref<4608xf32, #tpu.memory_space<hbm>>
    %dma_start3A_98 = tpu.memref_slice %arg2[%add3A_96] : memref<2359296xf32, #tpu.memory_space<hbm>> -> memref<4608xf32, #tpu.memory_space<hbm>>
    tpu.enqueue_dma source(%dma_start3A_98 : memref<4608xf32, #tpu.memory_space<hbm>>) target(%arg8 : memref<4608xf32, #tpu.memory_space<vmem>>) target_semaphore(%arg19 : memref<!tpu.dma_semaphore, #tpu.memory_space<semaphore_mem>>)
    %eq3A_99 = arith.constant 0 : i32
    %eq3A_100 = arith.cmpi eq, %arg0, %eq3A_99 : i32
    %convert_element_type3A_101 = arith.extui %eq3A_100 : i1 to i32
    %cond3A_102 = arith.constant 0 : i32
    %cond3A_103 = arith.cmpi ne, %convert_element_type3A_101, %cond3A_102 : i32
    scf.if %cond3A_103 {
      %add3A_473 = arith.constant 9216 : i32
      %add3A_474 = arith.addi %mul3A_40, %add3A_473 : i32
      %dma_start3A_475 = tpu.memref_slice %arg3[%add3A_474] : memref<1179648xf32, #tpu.memory_space<hbm>> -> memref<4608xf32, #tpu.memory_space<hbm>>
      %dma_start3A_476 = tpu.memref_slice %arg3[%add3A_474] : memref<1179648xf32, #tpu.memory_space<hbm>> -> memref<4608xf32, #tpu.memory_space<hbm>>
      tpu.enqueue_dma source(%dma_start3A_476 : memref<4608xf32, #tpu.memory_space<hbm>>) target(%arg10 : memref<4608xf32, #tpu.memory_space<vmem>>) target_semaphore(%arg19 : memref<!tpu.dma_semaphore, #tpu.memory_space<semaphore_mem>>)
    } else {
    }
    %eq3A_104 = arith.constant 1 : i32
    %eq3A_105 = arith.cmpi eq, %arg0, %eq3A_104 : i32
    %convert_element_type3A_106 = arith.extui %eq3A_105 : i1 to i32
    %cond3A_107 = arith.constant 0 : i32
    %cond3A_108 = arith.cmpi ne, %convert_element_type3A_106, %cond3A_107 : i32
    scf.if %cond3A_108 {
      %add3A_473 = arith.constant 9216 : i32
      %add3A_474 = arith.addi %mul3A_40, %add3A_473 : i32
      %dma_start3A_475 = tpu.memref_slice %arg4[%add3A_474] : memref<1179648xf32, #tpu.memory_space<hbm>> -> memref<4608xf32, #tpu.memory_space<hbm>>
      %dma_start3A_476 = tpu.memref_slice %arg4[%add3A_474] : memref<1179648xf32, #tpu.memory_space<hbm>> -> memref<4608xf32, #tpu.memory_space<hbm>>
      tpu.enqueue_dma source(%dma_start3A_476 : memref<4608xf32, #tpu.memory_space<hbm>>) target(%arg10 : memref<4608xf32, #tpu.memory_space<vmem>>) target_semaphore(%arg19 : memref<!tpu.dma_semaphore, #tpu.memory_space<semaphore_mem>>)
    } else {
    }
    %scan3A_109 = arith.constant 0 : i32
    %scan3A_110 = arith.constant 144 : i32
    %scan3A_111 = arith.addi %scan3A_109, %scan3A_110 : i32
    %scan3A_112 = arith.constant 1 : i32
    %scan3A_113 = scf.for %scan3A_473 = %scan3A_109 to %scan3A_111 step %scan3A_112 iter_args(%scan3A_474 = %scan3A_87) -> (vector<16xf32>)  : i32 {
      %mul3A_475 = arith.constant 32 : i32
      %mul3A_476 = arith.muli %scan3A_473, %mul3A_475 : i32
      %get3A = arith.index_cast %mul3A_476 : i32 to index
      %get3A_477 = tpu.vector_load %arg9[%get3A] {strides = array<i32>} : memref<4608xf32, #tpu.memory_space<vmem>>, vector<16xf32>,
      %get3A_478 = arith.index_cast %mul3A_476 : i32 to index
      %get3A_479 = tpu.vector_load %arg11[%get3A_478] {strides = array<i32>} : memref<4608xf32, #tpu.memory_space<vmem>>, vector<16xf32>,
      %add3A_480 = arith.constant 16 : i32
      %add3A_481 = arith.addi %mul3A_476, %add3A_480 : i32
      %get3A_482 = arith.index_cast %add3A_481 : i32 to index
      %get3A_483 = tpu.vector_load %arg9[%get3A_482] {strides = array<i32>} : memref<4608xf32, #tpu.memory_space<vmem>>, vector<16xf32>,
      %add3A_484 = arith.constant 16 : i32
      %add3A_485 = arith.addi %mul3A_476, %add3A_484 : i32
      %get3A_486 = arith.index_cast %add3A_485 : i32 to index
      %get3A_487 = tpu.vector_load %arg11[%get3A_486] {strides = array<i32>} : memref<4608xf32, #tpu.memory_space<vmem>>, vector<16xf32>,
      %sub3A_488 = arith.subf %get3A_477, %get3A_479 : vector<16xf32>
      %sub3A_489 = arith.subf %get3A_483, %get3A_487 : vector<16xf32>
      %mul3A_490 = arith.mulf %sub3A_488, %sub3A_488 : vector<16xf32>
      %mul3A_491 = arith.mulf %sub3A_489, %sub3A_489 : vector<16xf32>
      %add3A_492 = arith.addf %scan3A_474, %mul3A_490 : vector<16xf32>
      %add3A_493 = arith.addf %add3A_492, %mul3A_491 : vector<16xf32>
      %sub3A_494 = arith.constant 1.000000e+00 : f32
      %sub3A_495 = vector.broadcast %sub3A_494 : f32 to vector<16xf32>
      %sub3A_496 = arith.subf %sub3A_495, %get3A_479 : vector<16xf32>
      %sub3A_497 = arith.constant 1.000000e+00 : f32
      %sub3A_498 = vector.broadcast %sub3A_497 : f32 to vector<16xf32>
      %sub3A_499 = arith.subf %sub3A_498, %get3A_487 : vector<16xf32>
      %bitcast_convert_type3A = tpu.bitcast %mul3A_490 : vector<16xf32> -> vector<16xi32>
      %shift_right_arithmetic3A = arith.constant 22 : i32
      %shift_right_arithmetic3A_500 = vector.broadcast %shift_right_arithmetic3A : i32 to vector<16xi32>
      %shift_right_arithmetic3A_501 = arith.shrsi %bitcast_convert_type3A, %shift_right_arithmetic3A_500 : vector<16xi32>
      %bitcast_convert_type3A_502 = tpu.bitcast %mul3A_491 : vector<16xf32> -> vector<16xi32>
      %shift_right_arithmetic3A_503 = arith.constant 22 : i32
      %shift_right_arithmetic3A_504 = vector.broadcast %shift_right_arithmetic3A_503 : i32 to vector<16xi32>
      %shift_right_arithmetic3A_505 = arith.shrsi %bitcast_convert_type3A_502, %shift_right_arithmetic3A_504 : vector<16xi32>
      %add3A_506 = arith.addi %shift_right_arithmetic3A_501, %mul3A_46 : vector<16xi32>
      %add3A_507 = arith.addi %shift_right_arithmetic3A_505, %mul3A_46 : vector<16xi32>
      tpu.vector_store_idx %arg12[%add3A_506], %sub3A_496 {add = true} : memref<8208xf32, #tpu.memory_space<vmem>>[vector<16xi32>], vector<16xf32>,
      tpu.vector_store_idx %arg13[%add3A_507], %sub3A_499 {add = true} : memref<8208xf32, #tpu.memory_space<vmem>>[vector<16xi32>], vector<16xf32>,
      %mul3A_508 = arith.mulf %mul3A_490, %sub3A_496 : vector<16xf32>
      tpu.vector_store_idx %arg14[%add3A_506], %mul3A_508 {add = true} : memref<8208xf32, #tpu.memory_space<vmem>>[vector<16xi32>], vector<16xf32>,
      %mul3A_509 = arith.mulf %mul3A_491, %sub3A_499 : vector<16xf32>
      tpu.vector_store_idx %arg15[%add3A_507], %mul3A_509 {add = true} : memref<8208xf32, #tpu.memory_space<vmem>>[vector<16xi32>], vector<16xf32>,
      scf.yield %add3A_493 : vector<16xf32>
    }
    %scan3A_114 = arith.constant 144 : i32
    %dma_wait3A_115 = tpu.memref_slice %arg2[%add3A_96] : memref<2359296xf32, #tpu.memory_space<hbm>> -> memref<4608xf32, #tpu.memory_space<hbm>>
    %dma_wait3A_116 = tpu.memref_slice %arg2[%add3A_96] : memref<2359296xf32, #tpu.memory_space<hbm>> -> memref<4608xf32, #tpu.memory_space<hbm>>
    tpu.wait_dma2 semaphore(%arg19 : memref<!tpu.dma_semaphore, #tpu.memory_space<semaphore_mem>>) src(%dma_wait3A_116 : memref<4608xf32, #tpu.memory_space<hbm>>) dst(%arg8 : memref<4608xf32, #tpu.memory_space<vmem>>)
    %dma_wait3A_117 = arith.constant 0 : i32
    %dma_wait3A_118 = tpu.memref_slice %arg3[%dma_wait3A_117] : memref<1179648xf32, #tpu.memory_space<hbm>> -> memref<4608xf32, #tpu.memory_space<hbm>>
    %dma_wait3A_119 = arith.constant 0 : i32
    %dma_wait3A_120 = tpu.memref_slice %arg3[%dma_wait3A_119] : memref<1179648xf32, #tpu.memory_space<hbm>> -> memref<4608xf32, #tpu.memory_space<hbm>>
    tpu.wait_dma2 semaphore(%arg19 : memref<!tpu.dma_semaphore, #tpu.memory_space<semaphore_mem>>) src(%dma_wait3A_120 : memref<4608xf32, #tpu.memory_space<hbm>>) dst(%arg10 : memref<4608xf32, #tpu.memory_space<vmem>>)
    %add3A_121 = arith.constant 13824 : i32
    %add3A_122 = arith.addi %add3A_38, %add3A_121 : i32
    %dma_start3A_123 = tpu.memref_slice %arg2[%add3A_122] : memref<2359296xf32, #tpu.memory_space<hbm>> -> memref<4608xf32, #tpu.memory_space<hbm>>
    %dma_start3A_124 = tpu.memref_slice %arg2[%add3A_122] : memref<2359296xf32, #tpu.memory_space<hbm>> -> memref<4608xf32, #tpu.memory_space<hbm>>
    tpu.enqueue_dma source(%dma_start3A_124 : memref<4608xf32, #tpu.memory_space<hbm>>) target(%arg9 : memref<4608xf32, #tpu.memory_space<vmem>>) target_semaphore(%arg20 : memref<!tpu.dma_semaphore, #tpu.memory_space<semaphore_mem>>)
    %eq3A_125 = arith.constant 0 : i32
    %eq3A_126 = arith.cmpi eq, %arg0, %eq3A_125 : i32
    %convert_element_type3A_127 = arith.extui %eq3A_126 : i1 to i32
    %cond3A_128 = arith.constant 0 : i32
    %cond3A_129 = arith.cmpi ne, %convert_element_type3A_127, %cond3A_128 : i32
    scf.if %cond3A_129 {
      %add3A_473 = arith.constant 13824 : i32
      %add3A_474 = arith.addi %mul3A_40, %add3A_473 : i32
      %dma_start3A_475 = tpu.memref_slice %arg3[%add3A_474] : memref<1179648xf32, #tpu.memory_space<hbm>> -> memref<4608xf32, #tpu.memory_space<hbm>>
      %dma_start3A_476 = tpu.memref_slice %arg3[%add3A_474] : memref<1179648xf32, #tpu.memory_space<hbm>> -> memref<4608xf32, #tpu.memory_space<hbm>>
      tpu.enqueue_dma source(%dma_start3A_476 : memref<4608xf32, #tpu.memory_space<hbm>>) target(%arg11 : memref<4608xf32, #tpu.memory_space<vmem>>) target_semaphore(%arg20 : memref<!tpu.dma_semaphore, #tpu.memory_space<semaphore_mem>>)
    } else {
    }
    %eq3A_130 = arith.constant 1 : i32
    %eq3A_131 = arith.cmpi eq, %arg0, %eq3A_130 : i32
    %convert_element_type3A_132 = arith.extui %eq3A_131 : i1 to i32
    %cond3A_133 = arith.constant 0 : i32
    %cond3A_134 = arith.cmpi ne, %convert_element_type3A_132, %cond3A_133 : i32
    scf.if %cond3A_134 {
      %add3A_473 = arith.constant 13824 : i32
      %add3A_474 = arith.addi %mul3A_40, %add3A_473 : i32
      %dma_start3A_475 = tpu.memref_slice %arg4[%add3A_474] : memref<1179648xf32, #tpu.memory_space<hbm>> -> memref<4608xf32, #tpu.memory_space<hbm>>
      %dma_start3A_476 = tpu.memref_slice %arg4[%add3A_474] : memref<1179648xf32, #tpu.memory_space<hbm>> -> memref<4608xf32, #tpu.memory_space<hbm>>
      tpu.enqueue_dma source(%dma_start3A_476 : memref<4608xf32, #tpu.memory_space<hbm>>) target(%arg11 : memref<4608xf32, #tpu.memory_space<vmem>>) target_semaphore(%arg20 : memref<!tpu.dma_semaphore, #tpu.memory_space<semaphore_mem>>)
    } else {
    }
    %scan3A_135 = arith.constant 0 : i32
    %scan3A_136 = arith.constant 144 : i32
    %scan3A_137 = arith.addi %scan3A_135, %scan3A_136 : i32
    %scan3A_138 = arith.constant 1 : i32
    %scan3A_139 = scf.for %scan3A_473 = %scan3A_135 to %scan3A_137 step %scan3A_138 iter_args(%scan3A_474 = %scan3A_113) -> (vector<16xf32>)  : i32 {
      %mul3A_475 = arith.constant 32 : i32
      %mul3A_476 = arith.muli %scan3A_473, %mul3A_475 : i32
      %get3A = arith.index_cast %mul3A_476 : i32 to index
      %get3A_477 = tpu.vector_load %arg8[%get3A] {strides = array<i32>} : memref<4608xf32, #tpu.memory_space<vmem>>, vector<16xf32>,
      %get3A_478 = arith.index_cast %mul3A_476 : i32 to index
      %get3A_479 = tpu.vector_load %arg10[%get3A_478] {strides = array<i32>} : memref<4608xf32, #tpu.memory_space<vmem>>, vector<16xf32>,
      %add3A_480 = arith.constant 16 : i32
      %add3A_481 = arith.addi %mul3A_476, %add3A_480 : i32
      %get3A_482 = arith.index_cast %add3A_481 : i32 to index
      %get3A_483 = tpu.vector_load %arg8[%get3A_482] {strides = array<i32>} : memref<4608xf32, #tpu.memory_space<vmem>>, vector<16xf32>,
      %add3A_484 = arith.constant 16 : i32
      %add3A_485 = arith.addi %mul3A_476, %add3A_484 : i32
      %get3A_486 = arith.index_cast %add3A_485 : i32 to index
      %get3A_487 = tpu.vector_load %arg10[%get3A_486] {strides = array<i32>} : memref<4608xf32, #tpu.memory_space<vmem>>, vector<16xf32>,
      %sub3A_488 = arith.subf %get3A_477, %get3A_479 : vector<16xf32>
      %sub3A_489 = arith.subf %get3A_483, %get3A_487 : vector<16xf32>
      %mul3A_490 = arith.mulf %sub3A_488, %sub3A_488 : vector<16xf32>
      %mul3A_491 = arith.mulf %sub3A_489, %sub3A_489 : vector<16xf32>
      %add3A_492 = arith.addf %scan3A_474, %mul3A_490 : vector<16xf32>
      %add3A_493 = arith.addf %add3A_492, %mul3A_491 : vector<16xf32>
      %sub3A_494 = arith.constant 1.000000e+00 : f32
      %sub3A_495 = vector.broadcast %sub3A_494 : f32 to vector<16xf32>
      %sub3A_496 = arith.subf %sub3A_495, %get3A_479 : vector<16xf32>
      %sub3A_497 = arith.constant 1.000000e+00 : f32
      %sub3A_498 = vector.broadcast %sub3A_497 : f32 to vector<16xf32>
      %sub3A_499 = arith.subf %sub3A_498, %get3A_487 : vector<16xf32>
      %bitcast_convert_type3A = tpu.bitcast %mul3A_490 : vector<16xf32> -> vector<16xi32>
      %shift_right_arithmetic3A = arith.constant 22 : i32
      %shift_right_arithmetic3A_500 = vector.broadcast %shift_right_arithmetic3A : i32 to vector<16xi32>
      %shift_right_arithmetic3A_501 = arith.shrsi %bitcast_convert_type3A, %shift_right_arithmetic3A_500 : vector<16xi32>
      %bitcast_convert_type3A_502 = tpu.bitcast %mul3A_491 : vector<16xf32> -> vector<16xi32>
      %shift_right_arithmetic3A_503 = arith.constant 22 : i32
      %shift_right_arithmetic3A_504 = vector.broadcast %shift_right_arithmetic3A_503 : i32 to vector<16xi32>
      %shift_right_arithmetic3A_505 = arith.shrsi %bitcast_convert_type3A_502, %shift_right_arithmetic3A_504 : vector<16xi32>
      %add3A_506 = arith.addi %shift_right_arithmetic3A_501, %mul3A_46 : vector<16xi32>
      %add3A_507 = arith.addi %shift_right_arithmetic3A_505, %mul3A_46 : vector<16xi32>
      tpu.vector_store_idx %arg12[%add3A_506], %sub3A_496 {add = true} : memref<8208xf32, #tpu.memory_space<vmem>>[vector<16xi32>], vector<16xf32>,
      tpu.vector_store_idx %arg13[%add3A_507], %sub3A_499 {add = true} : memref<8208xf32, #tpu.memory_space<vmem>>[vector<16xi32>], vector<16xf32>,
      %mul3A_508 = arith.mulf %mul3A_490, %sub3A_496 : vector<16xf32>
      tpu.vector_store_idx %arg14[%add3A_506], %mul3A_508 {add = true} : memref<8208xf32, #tpu.memory_space<vmem>>[vector<16xi32>], vector<16xf32>,
      %mul3A_509 = arith.mulf %mul3A_491, %sub3A_499 : vector<16xf32>
      tpu.vector_store_idx %arg15[%add3A_507], %mul3A_509 {add = true} : memref<8208xf32, #tpu.memory_space<vmem>>[vector<16xi32>], vector<16xf32>,
      scf.yield %add3A_493 : vector<16xf32>
    }
    %scan3A_140 = arith.constant 144 : i32
    %dma_wait3A_141 = tpu.memref_slice %arg2[%add3A_122] : memref<2359296xf32, #tpu.memory_space<hbm>> -> memref<4608xf32, #tpu.memory_space<hbm>>
    %dma_wait3A_142 = tpu.memref_slice %arg2[%add3A_122] : memref<2359296xf32, #tpu.memory_space<hbm>> -> memref<4608xf32, #tpu.memory_space<hbm>>
    tpu.wait_dma2 semaphore(%arg20 : memref<!tpu.dma_semaphore, #tpu.memory_space<semaphore_mem>>) src(%dma_wait3A_142 : memref<4608xf32, #tpu.memory_space<hbm>>) dst(%arg9 : memref<4608xf32, #tpu.memory_space<vmem>>)
    %dma_wait3A_143 = arith.constant 0 : i32
    %dma_wait3A_144 = tpu.memref_slice %arg3[%dma_wait3A_143] : memref<1179648xf32, #tpu.memory_space<hbm>> -> memref<4608xf32, #tpu.memory_space<hbm>>
    %dma_wait3A_145 = arith.constant 0 : i32
    %dma_wait3A_146 = tpu.memref_slice %arg3[%dma_wait3A_145] : memref<1179648xf32, #tpu.memory_space<hbm>> -> memref<4608xf32, #tpu.memory_space<hbm>>
    tpu.wait_dma2 semaphore(%arg20 : memref<!tpu.dma_semaphore, #tpu.memory_space<semaphore_mem>>) src(%dma_wait3A_146 : memref<4608xf32, #tpu.memory_space<hbm>>) dst(%arg11 : memref<4608xf32, #tpu.memory_space<vmem>>)
    %add3A_147 = arith.constant 18432 : i32
    %add3A_148 = arith.addi %add3A_38, %add3A_147 : i32
    %dma_start3A_149 = tpu.memref_slice %arg2[%add3A_148] : memref<2359296xf32, #tpu.memory_space<hbm>> -> memref<4608xf32, #tpu.memory_space<hbm>>
    %dma_start3A_150 = tpu.memref_slice %arg2[%add3A_148] : memref<2359296xf32, #tpu.memory_space<hbm>> -> memref<4608xf32, #tpu.memory_space<hbm>>
    tpu.enqueue_dma source(%dma_start3A_150 : memref<4608xf32, #tpu.memory_space<hbm>>) target(%arg8 : memref<4608xf32, #tpu.memory_space<vmem>>) target_semaphore(%arg19 : memref<!tpu.dma_semaphore, #tpu.memory_space<semaphore_mem>>)
    %eq3A_151 = arith.constant 0 : i32
    %eq3A_152 = arith.cmpi eq, %arg0, %eq3A_151 : i32
    %convert_element_type3A_153 = arith.extui %eq3A_152 : i1 to i32
    %cond3A_154 = arith.constant 0 : i32
    %cond3A_155 = arith.cmpi ne, %convert_element_type3A_153, %cond3A_154 : i32
    scf.if %cond3A_155 {
      %add3A_473 = arith.constant 18432 : i32
      %add3A_474 = arith.addi %mul3A_40, %add3A_473 : i32
      %dma_start3A_475 = tpu.memref_slice %arg3[%add3A_474] : memref<1179648xf32, #tpu.memory_space<hbm>> -> memref<4608xf32, #tpu.memory_space<hbm>>
      %dma_start3A_476 = tpu.memref_slice %arg3[%add3A_474] : memref<1179648xf32, #tpu.memory_space<hbm>> -> memref<4608xf32, #tpu.memory_space<hbm>>
      tpu.enqueue_dma source(%dma_start3A_476 : memref<4608xf32, #tpu.memory_space<hbm>>) target(%arg10 : memref<4608xf32, #tpu.memory_space<vmem>>) target_semaphore(%arg19 : memref<!tpu.dma_semaphore, #tpu.memory_space<semaphore_mem>>)
    } else {
    }
    %eq3A_156 = arith.constant 1 : i32
    %eq3A_157 = arith.cmpi eq, %arg0, %eq3A_156 : i32
    %convert_element_type3A_158 = arith.extui %eq3A_157 : i1 to i32
    %cond3A_159 = arith.constant 0 : i32
    %cond3A_160 = arith.cmpi ne, %convert_element_type3A_158, %cond3A_159 : i32
    scf.if %cond3A_160 {
      %add3A_473 = arith.constant 18432 : i32
      %add3A_474 = arith.addi %mul3A_40, %add3A_473 : i32
      %dma_start3A_475 = tpu.memref_slice %arg4[%add3A_474] : memref<1179648xf32, #tpu.memory_space<hbm>> -> memref<4608xf32, #tpu.memory_space<hbm>>
      %dma_start3A_476 = tpu.memref_slice %arg4[%add3A_474] : memref<1179648xf32, #tpu.memory_space<hbm>> -> memref<4608xf32, #tpu.memory_space<hbm>>
      tpu.enqueue_dma source(%dma_start3A_476 : memref<4608xf32, #tpu.memory_space<hbm>>) target(%arg10 : memref<4608xf32, #tpu.memory_space<vmem>>) target_semaphore(%arg19 : memref<!tpu.dma_semaphore, #tpu.memory_space<semaphore_mem>>)
    } else {
    }
    %scan3A_161 = arith.constant 0 : i32
    %scan3A_162 = arith.constant 144 : i32
    %scan3A_163 = arith.addi %scan3A_161, %scan3A_162 : i32
    %scan3A_164 = arith.constant 1 : i32
    %scan3A_165 = scf.for %scan3A_473 = %scan3A_161 to %scan3A_163 step %scan3A_164 iter_args(%scan3A_474 = %scan3A_139) -> (vector<16xf32>)  : i32 {
      %mul3A_475 = arith.constant 32 : i32
      %mul3A_476 = arith.muli %scan3A_473, %mul3A_475 : i32
      %get3A = arith.index_cast %mul3A_476 : i32 to index
      %get3A_477 = tpu.vector_load %arg9[%get3A] {strides = array<i32>} : memref<4608xf32, #tpu.memory_space<vmem>>, vector<16xf32>,
      %get3A_478 = arith.index_cast %mul3A_476 : i32 to index
      %get3A_479 = tpu.vector_load %arg11[%get3A_478] {strides = array<i32>} : memref<4608xf32, #tpu.memory_space<vmem>>, vector<16xf32>,
      %add3A_480 = arith.constant 16 : i32
      %add3A_481 = arith.addi %mul3A_476, %add3A_480 : i32
      %get3A_482 = arith.index_cast %add3A_481 : i32 to index
      %get3A_483 = tpu.vector_load %arg9[%get3A_482] {strides = array<i32>} : memref<4608xf32, #tpu.memory_space<vmem>>, vector<16xf32>,
      %add3A_484 = arith.constant 16 : i32
      %add3A_485 = arith.addi %mul3A_476, %add3A_484 : i32
      %get3A_486 = arith.index_cast %add3A_485 : i32 to index
      %get3A_487 = tpu.vector_load %arg11[%get3A_486] {strides = array<i32>} : memref<4608xf32, #tpu.memory_space<vmem>>, vector<16xf32>,
      %sub3A_488 = arith.subf %get3A_477, %get3A_479 : vector<16xf32>
      %sub3A_489 = arith.subf %get3A_483, %get3A_487 : vector<16xf32>
      %mul3A_490 = arith.mulf %sub3A_488, %sub3A_488 : vector<16xf32>
      %mul3A_491 = arith.mulf %sub3A_489, %sub3A_489 : vector<16xf32>
      %add3A_492 = arith.addf %scan3A_474, %mul3A_490 : vector<16xf32>
      %add3A_493 = arith.addf %add3A_492, %mul3A_491 : vector<16xf32>
      %sub3A_494 = arith.constant 1.000000e+00 : f32
      %sub3A_495 = vector.broadcast %sub3A_494 : f32 to vector<16xf32>
      %sub3A_496 = arith.subf %sub3A_495, %get3A_479 : vector<16xf32>
      %sub3A_497 = arith.constant 1.000000e+00 : f32
      %sub3A_498 = vector.broadcast %sub3A_497 : f32 to vector<16xf32>
      %sub3A_499 = arith.subf %sub3A_498, %get3A_487 : vector<16xf32>
      %bitcast_convert_type3A = tpu.bitcast %mul3A_490 : vector<16xf32> -> vector<16xi32>
      %shift_right_arithmetic3A = arith.constant 22 : i32
      %shift_right_arithmetic3A_500 = vector.broadcast %shift_right_arithmetic3A : i32 to vector<16xi32>
      %shift_right_arithmetic3A_501 = arith.shrsi %bitcast_convert_type3A, %shift_right_arithmetic3A_500 : vector<16xi32>
      %bitcast_convert_type3A_502 = tpu.bitcast %mul3A_491 : vector<16xf32> -> vector<16xi32>
      %shift_right_arithmetic3A_503 = arith.constant 22 : i32
      %shift_right_arithmetic3A_504 = vector.broadcast %shift_right_arithmetic3A_503 : i32 to vector<16xi32>
      %shift_right_arithmetic3A_505 = arith.shrsi %bitcast_convert_type3A_502, %shift_right_arithmetic3A_504 : vector<16xi32>
      %add3A_506 = arith.addi %shift_right_arithmetic3A_501, %mul3A_46 : vector<16xi32>
      %add3A_507 = arith.addi %shift_right_arithmetic3A_505, %mul3A_46 : vector<16xi32>
      tpu.vector_store_idx %arg12[%add3A_506], %sub3A_496 {add = true} : memref<8208xf32, #tpu.memory_space<vmem>>[vector<16xi32>], vector<16xf32>,
      tpu.vector_store_idx %arg13[%add3A_507], %sub3A_499 {add = true} : memref<8208xf32, #tpu.memory_space<vmem>>[vector<16xi32>], vector<16xf32>,
      %mul3A_508 = arith.mulf %mul3A_490, %sub3A_496 : vector<16xf32>
      tpu.vector_store_idx %arg14[%add3A_506], %mul3A_508 {add = true} : memref<8208xf32, #tpu.memory_space<vmem>>[vector<16xi32>], vector<16xf32>,
      %mul3A_509 = arith.mulf %mul3A_491, %sub3A_499 : vector<16xf32>
      tpu.vector_store_idx %arg15[%add3A_507], %mul3A_509 {add = true} : memref<8208xf32, #tpu.memory_space<vmem>>[vector<16xi32>], vector<16xf32>,
      scf.yield %add3A_493 : vector<16xf32>
    }
    %scan3A_166 = arith.constant 144 : i32
    %dma_wait3A_167 = tpu.memref_slice %arg2[%add3A_148] : memref<2359296xf32, #tpu.memory_space<hbm>> -> memref<4608xf32, #tpu.memory_space<hbm>>
    %dma_wait3A_168 = tpu.memref_slice %arg2[%add3A_148] : memref<2359296xf32, #tpu.memory_space<hbm>> -> memref<4608xf32, #tpu.memory_space<hbm>>
    tpu.wait_dma2 semaphore(%arg19 : memref<!tpu.dma_semaphore, #tpu.memory_space<semaphore_mem>>) src(%dma_wait3A_168 : memref<4608xf32, #tpu.memory_space<hbm>>) dst(%arg8 : memref<4608xf32, #tpu.memory_space<vmem>>)
    %dma_wait3A_169 = arith.constant 0 : i32
    %dma_wait3A_170 = tpu.memref_slice %arg3[%dma_wait3A_169] : memref<1179648xf32, #tpu.memory_space<hbm>> -> memref<4608xf32, #tpu.memory_space<hbm>>
    %dma_wait3A_171 = arith.constant 0 : i32
    %dma_wait3A_172 = tpu.memref_slice %arg3[%dma_wait3A_171] : memref<1179648xf32, #tpu.memory_space<hbm>> -> memref<4608xf32, #tpu.memory_space<hbm>>
    tpu.wait_dma2 semaphore(%arg19 : memref<!tpu.dma_semaphore, #tpu.memory_space<semaphore_mem>>) src(%dma_wait3A_172 : memref<4608xf32, #tpu.memory_space<hbm>>) dst(%arg10 : memref<4608xf32, #tpu.memory_space<vmem>>)
    %add3A_173 = arith.constant 23040 : i32
    %add3A_174 = arith.addi %add3A_38, %add3A_173 : i32
    %dma_start3A_175 = tpu.memref_slice %arg2[%add3A_174] : memref<2359296xf32, #tpu.memory_space<hbm>> -> memref<4608xf32, #tpu.memory_space<hbm>>
    %dma_start3A_176 = tpu.memref_slice %arg2[%add3A_174] : memref<2359296xf32, #tpu.memory_space<hbm>> -> memref<4608xf32, #tpu.memory_space<hbm>>
    tpu.enqueue_dma source(%dma_start3A_176 : memref<4608xf32, #tpu.memory_space<hbm>>) target(%arg9 : memref<4608xf32, #tpu.memory_space<vmem>>) target_semaphore(%arg20 : memref<!tpu.dma_semaphore, #tpu.memory_space<semaphore_mem>>)
    %eq3A_177 = arith.constant 0 : i32
    %eq3A_178 = arith.cmpi eq, %arg0, %eq3A_177 : i32
    %convert_element_type3A_179 = arith.extui %eq3A_178 : i1 to i32
    %cond3A_180 = arith.constant 0 : i32
    %cond3A_181 = arith.cmpi ne, %convert_element_type3A_179, %cond3A_180 : i32
    scf.if %cond3A_181 {
      %add3A_473 = arith.constant 23040 : i32
      %add3A_474 = arith.addi %mul3A_40, %add3A_473 : i32
      %dma_start3A_475 = tpu.memref_slice %arg3[%add3A_474] : memref<1179648xf32, #tpu.memory_space<hbm>> -> memref<4608xf32, #tpu.memory_space<hbm>>
      %dma_start3A_476 = tpu.memref_slice %arg3[%add3A_474] : memref<1179648xf32, #tpu.memory_space<hbm>> -> memref<4608xf32, #tpu.memory_space<hbm>>
      tpu.enqueue_dma source(%dma_start3A_476 : memref<4608xf32, #tpu.memory_space<hbm>>) target(%arg11 : memref<4608xf32, #tpu.memory_space<vmem>>) target_semaphore(%arg20 : memref<!tpu.dma_semaphore, #tpu.memory_space<semaphore_mem>>)
    } else {
    }
    %eq3A_182 = arith.constant 1 : i32
    %eq3A_183 = arith.cmpi eq, %arg0, %eq3A_182 : i32
    %convert_element_type3A_184 = arith.extui %eq3A_183 : i1 to i32
    %cond3A_185 = arith.constant 0 : i32
    %cond3A_186 = arith.cmpi ne, %convert_element_type3A_184, %cond3A_185 : i32
    scf.if %cond3A_186 {
      %add3A_473 = arith.constant 23040 : i32
      %add3A_474 = arith.addi %mul3A_40, %add3A_473 : i32
      %dma_start3A_475 = tpu.memref_slice %arg4[%add3A_474] : memref<1179648xf32, #tpu.memory_space<hbm>> -> memref<4608xf32, #tpu.memory_space<hbm>>
      %dma_start3A_476 = tpu.memref_slice %arg4[%add3A_474] : memref<1179648xf32, #tpu.memory_space<hbm>> -> memref<4608xf32, #tpu.memory_space<hbm>>
      tpu.enqueue_dma source(%dma_start3A_476 : memref<4608xf32, #tpu.memory_space<hbm>>) target(%arg11 : memref<4608xf32, #tpu.memory_space<vmem>>) target_semaphore(%arg20 : memref<!tpu.dma_semaphore, #tpu.memory_space<semaphore_mem>>)
    } else {
    }
    %scan3A_187 = arith.constant 0 : i32
    %scan3A_188 = arith.constant 144 : i32
    %scan3A_189 = arith.addi %scan3A_187, %scan3A_188 : i32
    %scan3A_190 = arith.constant 1 : i32
    %scan3A_191 = scf.for %scan3A_473 = %scan3A_187 to %scan3A_189 step %scan3A_190 iter_args(%scan3A_474 = %scan3A_165) -> (vector<16xf32>)  : i32 {
      %mul3A_475 = arith.constant 32 : i32
      %mul3A_476 = arith.muli %scan3A_473, %mul3A_475 : i32
      %get3A = arith.index_cast %mul3A_476 : i32 to index
      %get3A_477 = tpu.vector_load %arg8[%get3A] {strides = array<i32>} : memref<4608xf32, #tpu.memory_space<vmem>>, vector<16xf32>,
      %get3A_478 = arith.index_cast %mul3A_476 : i32 to index
      %get3A_479 = tpu.vector_load %arg10[%get3A_478] {strides = array<i32>} : memref<4608xf32, #tpu.memory_space<vmem>>, vector<16xf32>,
      %add3A_480 = arith.constant 16 : i32
      %add3A_481 = arith.addi %mul3A_476, %add3A_480 : i32
      %get3A_482 = arith.index_cast %add3A_481 : i32 to index
      %get3A_483 = tpu.vector_load %arg8[%get3A_482] {strides = array<i32>} : memref<4608xf32, #tpu.memory_space<vmem>>, vector<16xf32>,
      %add3A_484 = arith.constant 16 : i32
      %add3A_485 = arith.addi %mul3A_476, %add3A_484 : i32
      %get3A_486 = arith.index_cast %add3A_485 : i32 to index
      %get3A_487 = tpu.vector_load %arg10[%get3A_486] {strides = array<i32>} : memref<4608xf32, #tpu.memory_space<vmem>>, vector<16xf32>,
      %sub3A_488 = arith.subf %get3A_477, %get3A_479 : vector<16xf32>
      %sub3A_489 = arith.subf %get3A_483, %get3A_487 : vector<16xf32>
      %mul3A_490 = arith.mulf %sub3A_488, %sub3A_488 : vector<16xf32>
      %mul3A_491 = arith.mulf %sub3A_489, %sub3A_489 : vector<16xf32>
      %add3A_492 = arith.addf %scan3A_474, %mul3A_490 : vector<16xf32>
      %add3A_493 = arith.addf %add3A_492, %mul3A_491 : vector<16xf32>
      %sub3A_494 = arith.constant 1.000000e+00 : f32
      %sub3A_495 = vector.broadcast %sub3A_494 : f32 to vector<16xf32>
      %sub3A_496 = arith.subf %sub3A_495, %get3A_479 : vector<16xf32>
      %sub3A_497 = arith.constant 1.000000e+00 : f32
      %sub3A_498 = vector.broadcast %sub3A_497 : f32 to vector<16xf32>
      %sub3A_499 = arith.subf %sub3A_498, %get3A_487 : vector<16xf32>
      %bitcast_convert_type3A = tpu.bitcast %mul3A_490 : vector<16xf32> -> vector<16xi32>
      %shift_right_arithmetic3A = arith.constant 22 : i32
      %shift_right_arithmetic3A_500 = vector.broadcast %shift_right_arithmetic3A : i32 to vector<16xi32>
      %shift_right_arithmetic3A_501 = arith.shrsi %bitcast_convert_type3A, %shift_right_arithmetic3A_500 : vector<16xi32>
      %bitcast_convert_type3A_502 = tpu.bitcast %mul3A_491 : vector<16xf32> -> vector<16xi32>
      %shift_right_arithmetic3A_503 = arith.constant 22 : i32
      %shift_right_arithmetic3A_504 = vector.broadcast %shift_right_arithmetic3A_503 : i32 to vector<16xi32>
      %shift_right_arithmetic3A_505 = arith.shrsi %bitcast_convert_type3A_502, %shift_right_arithmetic3A_504 : vector<16xi32>
      %add3A_506 = arith.addi %shift_right_arithmetic3A_501, %mul3A_46 : vector<16xi32>
      %add3A_507 = arith.addi %shift_right_arithmetic3A_505, %mul3A_46 : vector<16xi32>
      tpu.vector_store_idx %arg12[%add3A_506], %sub3A_496 {add = true} : memref<8208xf32, #tpu.memory_space<vmem>>[vector<16xi32>], vector<16xf32>,
      tpu.vector_store_idx %arg13[%add3A_507], %sub3A_499 {add = true} : memref<8208xf32, #tpu.memory_space<vmem>>[vector<16xi32>], vector<16xf32>,
      %mul3A_508 = arith.mulf %mul3A_490, %sub3A_496 : vector<16xf32>
      tpu.vector_store_idx %arg14[%add3A_506], %mul3A_508 {add = true} : memref<8208xf32, #tpu.memory_space<vmem>>[vector<16xi32>], vector<16xf32>,
      %mul3A_509 = arith.mulf %mul3A_491, %sub3A_499 : vector<16xf32>
      tpu.vector_store_idx %arg15[%add3A_507], %mul3A_509 {add = true} : memref<8208xf32, #tpu.memory_space<vmem>>[vector<16xi32>], vector<16xf32>,
      scf.yield %add3A_493 : vector<16xf32>
    }
    %scan3A_192 = arith.constant 144 : i32
    %dma_wait3A_193 = tpu.memref_slice %arg2[%add3A_174] : memref<2359296xf32, #tpu.memory_space<hbm>> -> memref<4608xf32, #tpu.memory_space<hbm>>
    %dma_wait3A_194 = tpu.memref_slice %arg2[%add3A_174] : memref<2359296xf32, #tpu.memory_space<hbm>> -> memref<4608xf32, #tpu.memory_space<hbm>>
    tpu.wait_dma2 semaphore(%arg20 : memref<!tpu.dma_semaphore, #tpu.memory_space<semaphore_mem>>) src(%dma_wait3A_194 : memref<4608xf32, #tpu.memory_space<hbm>>) dst(%arg9 : memref<4608xf32, #tpu.memory_space<vmem>>)
    %dma_wait3A_195 = arith.constant 0 : i32
    %dma_wait3A_196 = tpu.memref_slice %arg3[%dma_wait3A_195] : memref<1179648xf32, #tpu.memory_space<hbm>> -> memref<4608xf32, #tpu.memory_space<hbm>>
    %dma_wait3A_197 = arith.constant 0 : i32
    %dma_wait3A_198 = tpu.memref_slice %arg3[%dma_wait3A_197] : memref<1179648xf32, #tpu.memory_space<hbm>> -> memref<4608xf32, #tpu.memory_space<hbm>>
    tpu.wait_dma2 semaphore(%arg20 : memref<!tpu.dma_semaphore, #tpu.memory_space<semaphore_mem>>) src(%dma_wait3A_198 : memref<4608xf32, #tpu.memory_space<hbm>>) dst(%arg11 : memref<4608xf32, #tpu.memory_space<vmem>>)
    %add3A_199 = arith.constant 27648 : i32
    %add3A_200 = arith.addi %add3A_38, %add3A_199 : i32
    %dma_start3A_201 = tpu.memref_slice %arg2[%add3A_200] : memref<2359296xf32, #tpu.memory_space<hbm>> -> memref<4608xf32, #tpu.memory_space<hbm>>
    %dma_start3A_202 = tpu.memref_slice %arg2[%add3A_200] : memref<2359296xf32, #tpu.memory_space<hbm>> -> memref<4608xf32, #tpu.memory_space<hbm>>
    tpu.enqueue_dma source(%dma_start3A_202 : memref<4608xf32, #tpu.memory_space<hbm>>) target(%arg8 : memref<4608xf32, #tpu.memory_space<vmem>>) target_semaphore(%arg19 : memref<!tpu.dma_semaphore, #tpu.memory_space<semaphore_mem>>)
    %eq3A_203 = arith.constant 0 : i32
    %eq3A_204 = arith.cmpi eq, %arg0, %eq3A_203 : i32
    %convert_element_type3A_205 = arith.extui %eq3A_204 : i1 to i32
    %cond3A_206 = arith.constant 0 : i32
    %cond3A_207 = arith.cmpi ne, %convert_element_type3A_205, %cond3A_206 : i32
    scf.if %cond3A_207 {
      %add3A_473 = arith.constant 27648 : i32
      %add3A_474 = arith.addi %mul3A_40, %add3A_473 : i32
      %dma_start3A_475 = tpu.memref_slice %arg3[%add3A_474] : memref<1179648xf32, #tpu.memory_space<hbm>> -> memref<4608xf32, #tpu.memory_space<hbm>>
      %dma_start3A_476 = tpu.memref_slice %arg3[%add3A_474] : memref<1179648xf32, #tpu.memory_space<hbm>> -> memref<4608xf32, #tpu.memory_space<hbm>>
      tpu.enqueue_dma source(%dma_start3A_476 : memref<4608xf32, #tpu.memory_space<hbm>>) target(%arg10 : memref<4608xf32, #tpu.memory_space<vmem>>) target_semaphore(%arg19 : memref<!tpu.dma_semaphore, #tpu.memory_space<semaphore_mem>>)
    } else {
    }
    %eq3A_208 = arith.constant 1 : i32
    %eq3A_209 = arith.cmpi eq, %arg0, %eq3A_208 : i32
    %convert_element_type3A_210 = arith.extui %eq3A_209 : i1 to i32
    %cond3A_211 = arith.constant 0 : i32
    %cond3A_212 = arith.cmpi ne, %convert_element_type3A_210, %cond3A_211 : i32
    scf.if %cond3A_212 {
      %add3A_473 = arith.constant 27648 : i32
      %add3A_474 = arith.addi %mul3A_40, %add3A_473 : i32
      %dma_start3A_475 = tpu.memref_slice %arg4[%add3A_474] : memref<1179648xf32, #tpu.memory_space<hbm>> -> memref<4608xf32, #tpu.memory_space<hbm>>
      %dma_start3A_476 = tpu.memref_slice %arg4[%add3A_474] : memref<1179648xf32, #tpu.memory_space<hbm>> -> memref<4608xf32, #tpu.memory_space<hbm>>
      tpu.enqueue_dma source(%dma_start3A_476 : memref<4608xf32, #tpu.memory_space<hbm>>) target(%arg10 : memref<4608xf32, #tpu.memory_space<vmem>>) target_semaphore(%arg19 : memref<!tpu.dma_semaphore, #tpu.memory_space<semaphore_mem>>)
    } else {
    }
    %scan3A_213 = arith.constant 0 : i32
    %scan3A_214 = arith.constant 144 : i32
    %scan3A_215 = arith.addi %scan3A_213, %scan3A_214 : i32
    %scan3A_216 = arith.constant 1 : i32
    %scan3A_217 = scf.for %scan3A_473 = %scan3A_213 to %scan3A_215 step %scan3A_216 iter_args(%scan3A_474 = %scan3A_191) -> (vector<16xf32>)  : i32 {
      %mul3A_475 = arith.constant 32 : i32
      %mul3A_476 = arith.muli %scan3A_473, %mul3A_475 : i32
      %get3A = arith.index_cast %mul3A_476 : i32 to index
      %get3A_477 = tpu.vector_load %arg9[%get3A] {strides = array<i32>} : memref<4608xf32, #tpu.memory_space<vmem>>, vector<16xf32>,
      %get3A_478 = arith.index_cast %mul3A_476 : i32 to index
      %get3A_479 = tpu.vector_load %arg11[%get3A_478] {strides = array<i32>} : memref<4608xf32, #tpu.memory_space<vmem>>, vector<16xf32>,
      %add3A_480 = arith.constant 16 : i32
      %add3A_481 = arith.addi %mul3A_476, %add3A_480 : i32
      %get3A_482 = arith.index_cast %add3A_481 : i32 to index
      %get3A_483 = tpu.vector_load %arg9[%get3A_482] {strides = array<i32>} : memref<4608xf32, #tpu.memory_space<vmem>>, vector<16xf32>,
      %add3A_484 = arith.constant 16 : i32
      %add3A_485 = arith.addi %mul3A_476, %add3A_484 : i32
      %get3A_486 = arith.index_cast %add3A_485 : i32 to index
      %get3A_487 = tpu.vector_load %arg11[%get3A_486] {strides = array<i32>} : memref<4608xf32, #tpu.memory_space<vmem>>, vector<16xf32>,
      %sub3A_488 = arith.subf %get3A_477, %get3A_479 : vector<16xf32>
      %sub3A_489 = arith.subf %get3A_483, %get3A_487 : vector<16xf32>
      %mul3A_490 = arith.mulf %sub3A_488, %sub3A_488 : vector<16xf32>
      %mul3A_491 = arith.mulf %sub3A_489, %sub3A_489 : vector<16xf32>
      %add3A_492 = arith.addf %scan3A_474, %mul3A_490 : vector<16xf32>
      %add3A_493 = arith.addf %add3A_492, %mul3A_491 : vector<16xf32>
      %sub3A_494 = arith.constant 1.000000e+00 : f32
      %sub3A_495 = vector.broadcast %sub3A_494 : f32 to vector<16xf32>
      %sub3A_496 = arith.subf %sub3A_495, %get3A_479 : vector<16xf32>
      %sub3A_497 = arith.constant 1.000000e+00 : f32
      %sub3A_498 = vector.broadcast %sub3A_497 : f32 to vector<16xf32>
      %sub3A_499 = arith.subf %sub3A_498, %get3A_487 : vector<16xf32>
      %bitcast_convert_type3A = tpu.bitcast %mul3A_490 : vector<16xf32> -> vector<16xi32>
      %shift_right_arithmetic3A = arith.constant 22 : i32
      %shift_right_arithmetic3A_500 = vector.broadcast %shift_right_arithmetic3A : i32 to vector<16xi32>
      %shift_right_arithmetic3A_501 = arith.shrsi %bitcast_convert_type3A, %shift_right_arithmetic3A_500 : vector<16xi32>
      %bitcast_convert_type3A_502 = tpu.bitcast %mul3A_491 : vector<16xf32> -> vector<16xi32>
      %shift_right_arithmetic3A_503 = arith.constant 22 : i32
      %shift_right_arithmetic3A_504 = vector.broadcast %shift_right_arithmetic3A_503 : i32 to vector<16xi32>
      %shift_right_arithmetic3A_505 = arith.shrsi %bitcast_convert_type3A_502, %shift_right_arithmetic3A_504 : vector<16xi32>
      %add3A_506 = arith.addi %shift_right_arithmetic3A_501, %mul3A_46 : vector<16xi32>
      %add3A_507 = arith.addi %shift_right_arithmetic3A_505, %mul3A_46 : vector<16xi32>
      tpu.vector_store_idx %arg12[%add3A_506], %sub3A_496 {add = true} : memref<8208xf32, #tpu.memory_space<vmem>>[vector<16xi32>], vector<16xf32>,
      tpu.vector_store_idx %arg13[%add3A_507], %sub3A_499 {add = true} : memref<8208xf32, #tpu.memory_space<vmem>>[vector<16xi32>], vector<16xf32>,
      %mul3A_508 = arith.mulf %mul3A_490, %sub3A_496 : vector<16xf32>
      tpu.vector_store_idx %arg14[%add3A_506], %mul3A_508 {add = true} : memref<8208xf32, #tpu.memory_space<vmem>>[vector<16xi32>], vector<16xf32>,
      %mul3A_509 = arith.mulf %mul3A_491, %sub3A_499 : vector<16xf32>
      tpu.vector_store_idx %arg15[%add3A_507], %mul3A_509 {add = true} : memref<8208xf32, #tpu.memory_space<vmem>>[vector<16xi32>], vector<16xf32>,
      scf.yield %add3A_493 : vector<16xf32>
    }
    %scan3A_218 = arith.constant 144 : i32
    %dma_wait3A_219 = tpu.memref_slice %arg2[%add3A_200] : memref<2359296xf32, #tpu.memory_space<hbm>> -> memref<4608xf32, #tpu.memory_space<hbm>>
    %dma_wait3A_220 = tpu.memref_slice %arg2[%add3A_200] : memref<2359296xf32, #tpu.memory_space<hbm>> -> memref<4608xf32, #tpu.memory_space<hbm>>
    tpu.wait_dma2 semaphore(%arg19 : memref<!tpu.dma_semaphore, #tpu.memory_space<semaphore_mem>>) src(%dma_wait3A_220 : memref<4608xf32, #tpu.memory_space<hbm>>) dst(%arg8 : memref<4608xf32, #tpu.memory_space<vmem>>)
    %dma_wait3A_221 = arith.constant 0 : i32
    %dma_wait3A_222 = tpu.memref_slice %arg3[%dma_wait3A_221] : memref<1179648xf32, #tpu.memory_space<hbm>> -> memref<4608xf32, #tpu.memory_space<hbm>>
    %dma_wait3A_223 = arith.constant 0 : i32
    %dma_wait3A_224 = tpu.memref_slice %arg3[%dma_wait3A_223] : memref<1179648xf32, #tpu.memory_space<hbm>> -> memref<4608xf32, #tpu.memory_space<hbm>>
    tpu.wait_dma2 semaphore(%arg19 : memref<!tpu.dma_semaphore, #tpu.memory_space<semaphore_mem>>) src(%dma_wait3A_224 : memref<4608xf32, #tpu.memory_space<hbm>>) dst(%arg10 : memref<4608xf32, #tpu.memory_space<vmem>>)
    %add3A_225 = arith.constant 32256 : i32
    %add3A_226 = arith.addi %add3A_38, %add3A_225 : i32
    %dma_start3A_227 = tpu.memref_slice %arg2[%add3A_226] : memref<2359296xf32, #tpu.memory_space<hbm>> -> memref<4608xf32, #tpu.memory_space<hbm>>
    %dma_start3A_228 = tpu.memref_slice %arg2[%add3A_226] : memref<2359296xf32, #tpu.memory_space<hbm>> -> memref<4608xf32, #tpu.memory_space<hbm>>
    tpu.enqueue_dma source(%dma_start3A_228 : memref<4608xf32, #tpu.memory_space<hbm>>) target(%arg9 : memref<4608xf32, #tpu.memory_space<vmem>>) target_semaphore(%arg20 : memref<!tpu.dma_semaphore, #tpu.memory_space<semaphore_mem>>)
    %eq3A_229 = arith.constant 0 : i32
    %eq3A_230 = arith.cmpi eq, %arg0, %eq3A_229 : i32
    %convert_element_type3A_231 = arith.extui %eq3A_230 : i1 to i32
    %cond3A_232 = arith.constant 0 : i32
    %cond3A_233 = arith.cmpi ne, %convert_element_type3A_231, %cond3A_232 : i32
    scf.if %cond3A_233 {
      %add3A_473 = arith.constant 32256 : i32
      %add3A_474 = arith.addi %mul3A_40, %add3A_473 : i32
      %dma_start3A_475 = tpu.memref_slice %arg3[%add3A_474] : memref<1179648xf32, #tpu.memory_space<hbm>> -> memref<4608xf32, #tpu.memory_space<hbm>>
      %dma_start3A_476 = tpu.memref_slice %arg3[%add3A_474] : memref<1179648xf32, #tpu.memory_space<hbm>> -> memref<4608xf32, #tpu.memory_space<hbm>>
      tpu.enqueue_dma source(%dma_start3A_476 : memref<4608xf32, #tpu.memory_space<hbm>>) target(%arg11 : memref<4608xf32, #tpu.memory_space<vmem>>) target_semaphore(%arg20 : memref<!tpu.dma_semaphore, #tpu.memory_space<semaphore_mem>>)
    } else {
    }
    %eq3A_234 = arith.constant 1 : i32
    %eq3A_235 = arith.cmpi eq, %arg0, %eq3A_234 : i32
    %convert_element_type3A_236 = arith.extui %eq3A_235 : i1 to i32
    %cond3A_237 = arith.constant 0 : i32
    %cond3A_238 = arith.cmpi ne, %convert_element_type3A_236, %cond3A_237 : i32
    scf.if %cond3A_238 {
      %add3A_473 = arith.constant 32256 : i32
      %add3A_474 = arith.addi %mul3A_40, %add3A_473 : i32
      %dma_start3A_475 = tpu.memref_slice %arg4[%add3A_474] : memref<1179648xf32, #tpu.memory_space<hbm>> -> memref<4608xf32, #tpu.memory_space<hbm>>
      %dma_start3A_476 = tpu.memref_slice %arg4[%add3A_474] : memref<1179648xf32, #tpu.memory_space<hbm>> -> memref<4608xf32, #tpu.memory_space<hbm>>
      tpu.enqueue_dma source(%dma_start3A_476 : memref<4608xf32, #tpu.memory_space<hbm>>) target(%arg11 : memref<4608xf32, #tpu.memory_space<vmem>>) target_semaphore(%arg20 : memref<!tpu.dma_semaphore, #tpu.memory_space<semaphore_mem>>)
    } else {
    }
    %scan3A_239 = arith.constant 0 : i32
    %scan3A_240 = arith.constant 144 : i32
    %scan3A_241 = arith.addi %scan3A_239, %scan3A_240 : i32
    %scan3A_242 = arith.constant 1 : i32
    %scan3A_243 = scf.for %scan3A_473 = %scan3A_239 to %scan3A_241 step %scan3A_242 iter_args(%scan3A_474 = %scan3A_217) -> (vector<16xf32>)  : i32 {
      %mul3A_475 = arith.constant 32 : i32
      %mul3A_476 = arith.muli %scan3A_473, %mul3A_475 : i32
      %get3A = arith.index_cast %mul3A_476 : i32 to index
      %get3A_477 = tpu.vector_load %arg8[%get3A] {strides = array<i32>} : memref<4608xf32, #tpu.memory_space<vmem>>, vector<16xf32>,
      %get3A_478 = arith.index_cast %mul3A_476 : i32 to index
      %get3A_479 = tpu.vector_load %arg10[%get3A_478] {strides = array<i32>} : memref<4608xf32, #tpu.memory_space<vmem>>, vector<16xf32>,
      %add3A_480 = arith.constant 16 : i32
      %add3A_481 = arith.addi %mul3A_476, %add3A_480 : i32
      %get3A_482 = arith.index_cast %add3A_481 : i32 to index
      %get3A_483 = tpu.vector_load %arg8[%get3A_482] {strides = array<i32>} : memref<4608xf32, #tpu.memory_space<vmem>>, vector<16xf32>,
      %add3A_484 = arith.constant 16 : i32
      %add3A_485 = arith.addi %mul3A_476, %add3A_484 : i32
      %get3A_486 = arith.index_cast %add3A_485 : i32 to index
      %get3A_487 = tpu.vector_load %arg10[%get3A_486] {strides = array<i32>} : memref<4608xf32, #tpu.memory_space<vmem>>, vector<16xf32>,
      %sub3A_488 = arith.subf %get3A_477, %get3A_479 : vector<16xf32>
      %sub3A_489 = arith.subf %get3A_483, %get3A_487 : vector<16xf32>
      %mul3A_490 = arith.mulf %sub3A_488, %sub3A_488 : vector<16xf32>
      %mul3A_491 = arith.mulf %sub3A_489, %sub3A_489 : vector<16xf32>
      %add3A_492 = arith.addf %scan3A_474, %mul3A_490 : vector<16xf32>
      %add3A_493 = arith.addf %add3A_492, %mul3A_491 : vector<16xf32>
      %sub3A_494 = arith.constant 1.000000e+00 : f32
      %sub3A_495 = vector.broadcast %sub3A_494 : f32 to vector<16xf32>
      %sub3A_496 = arith.subf %sub3A_495, %get3A_479 : vector<16xf32>
      %sub3A_497 = arith.constant 1.000000e+00 : f32
      %sub3A_498 = vector.broadcast %sub3A_497 : f32 to vector<16xf32>
      %sub3A_499 = arith.subf %sub3A_498, %get3A_487 : vector<16xf32>
      %bitcast_convert_type3A = tpu.bitcast %mul3A_490 : vector<16xf32> -> vector<16xi32>
      %shift_right_arithmetic3A = arith.constant 22 : i32
      %shift_right_arithmetic3A_500 = vector.broadcast %shift_right_arithmetic3A : i32 to vector<16xi32>
      %shift_right_arithmetic3A_501 = arith.shrsi %bitcast_convert_type3A, %shift_right_arithmetic3A_500 : vector<16xi32>
      %bitcast_convert_type3A_502 = tpu.bitcast %mul3A_491 : vector<16xf32> -> vector<16xi32>
      %shift_right_arithmetic3A_503 = arith.constant 22 : i32
      %shift_right_arithmetic3A_504 = vector.broadcast %shift_right_arithmetic3A_503 : i32 to vector<16xi32>
      %shift_right_arithmetic3A_505 = arith.shrsi %bitcast_convert_type3A_502, %shift_right_arithmetic3A_504 : vector<16xi32>
      %add3A_506 = arith.addi %shift_right_arithmetic3A_501, %mul3A_46 : vector<16xi32>
      %add3A_507 = arith.addi %shift_right_arithmetic3A_505, %mul3A_46 : vector<16xi32>
      tpu.vector_store_idx %arg12[%add3A_506], %sub3A_496 {add = true} : memref<8208xf32, #tpu.memory_space<vmem>>[vector<16xi32>], vector<16xf32>,
      tpu.vector_store_idx %arg13[%add3A_507], %sub3A_499 {add = true} : memref<8208xf32, #tpu.memory_space<vmem>>[vector<16xi32>], vector<16xf32>,
      %mul3A_508 = arith.mulf %mul3A_490, %sub3A_496 : vector<16xf32>
      tpu.vector_store_idx %arg14[%add3A_506], %mul3A_508 {add = true} : memref<8208xf32, #tpu.memory_space<vmem>>[vector<16xi32>], vector<16xf32>,
      %mul3A_509 = arith.mulf %mul3A_491, %sub3A_499 : vector<16xf32>
      tpu.vector_store_idx %arg15[%add3A_507], %mul3A_509 {add = true} : memref<8208xf32, #tpu.memory_space<vmem>>[vector<16xi32>], vector<16xf32>,
      scf.yield %add3A_493 : vector<16xf32>
    }
    %scan3A_244 = arith.constant 144 : i32
    %dma_wait3A_245 = tpu.memref_slice %arg2[%add3A_226] : memref<2359296xf32, #tpu.memory_space<hbm>> -> memref<4608xf32, #tpu.memory_space<hbm>>
    %dma_wait3A_246 = tpu.memref_slice %arg2[%add3A_226] : memref<2359296xf32, #tpu.memory_space<hbm>> -> memref<4608xf32, #tpu.memory_space<hbm>>
    tpu.wait_dma2 semaphore(%arg20 : memref<!tpu.dma_semaphore, #tpu.memory_space<semaphore_mem>>) src(%dma_wait3A_246 : memref<4608xf32, #tpu.memory_space<hbm>>) dst(%arg9 : memref<4608xf32, #tpu.memory_space<vmem>>)
    %dma_wait3A_247 = arith.constant 0 : i32
    %dma_wait3A_248 = tpu.memref_slice %arg3[%dma_wait3A_247] : memref<1179648xf32, #tpu.memory_space<hbm>> -> memref<4608xf32, #tpu.memory_space<hbm>>
    %dma_wait3A_249 = arith.constant 0 : i32
    %dma_wait3A_250 = tpu.memref_slice %arg3[%dma_wait3A_249] : memref<1179648xf32, #tpu.memory_space<hbm>> -> memref<4608xf32, #tpu.memory_space<hbm>>
    tpu.wait_dma2 semaphore(%arg20 : memref<!tpu.dma_semaphore, #tpu.memory_space<semaphore_mem>>) src(%dma_wait3A_250 : memref<4608xf32, #tpu.memory_space<hbm>>) dst(%arg11 : memref<4608xf32, #tpu.memory_space<vmem>>)
    %add3A_251 = arith.constant 36864 : i32
    %add3A_252 = arith.addi %add3A_38, %add3A_251 : i32
    %dma_start3A_253 = tpu.memref_slice %arg2[%add3A_252] : memref<2359296xf32, #tpu.memory_space<hbm>> -> memref<4608xf32, #tpu.memory_space<hbm>>
    %dma_start3A_254 = tpu.memref_slice %arg2[%add3A_252] : memref<2359296xf32, #tpu.memory_space<hbm>> -> memref<4608xf32, #tpu.memory_space<hbm>>
    tpu.enqueue_dma source(%dma_start3A_254 : memref<4608xf32, #tpu.memory_space<hbm>>) target(%arg8 : memref<4608xf32, #tpu.memory_space<vmem>>) target_semaphore(%arg19 : memref<!tpu.dma_semaphore, #tpu.memory_space<semaphore_mem>>)
    %eq3A_255 = arith.constant 0 : i32
    %eq3A_256 = arith.cmpi eq, %arg0, %eq3A_255 : i32
    %convert_element_type3A_257 = arith.extui %eq3A_256 : i1 to i32
    %cond3A_258 = arith.constant 0 : i32
    %cond3A_259 = arith.cmpi ne, %convert_element_type3A_257, %cond3A_258 : i32
    scf.if %cond3A_259 {
      %add3A_473 = arith.constant 36864 : i32
      %add3A_474 = arith.addi %mul3A_40, %add3A_473 : i32
      %dma_start3A_475 = tpu.memref_slice %arg3[%add3A_474] : memref<1179648xf32, #tpu.memory_space<hbm>> -> memref<4608xf32, #tpu.memory_space<hbm>>
      %dma_start3A_476 = tpu.memref_slice %arg3[%add3A_474] : memref<1179648xf32, #tpu.memory_space<hbm>> -> memref<4608xf32, #tpu.memory_space<hbm>>
      tpu.enqueue_dma source(%dma_start3A_476 : memref<4608xf32, #tpu.memory_space<hbm>>) target(%arg10 : memref<4608xf32, #tpu.memory_space<vmem>>) target_semaphore(%arg19 : memref<!tpu.dma_semaphore, #tpu.memory_space<semaphore_mem>>)
    } else {
    }
    %eq3A_260 = arith.constant 1 : i32
    %eq3A_261 = arith.cmpi eq, %arg0, %eq3A_260 : i32
    %convert_element_type3A_262 = arith.extui %eq3A_261 : i1 to i32
    %cond3A_263 = arith.constant 0 : i32
    %cond3A_264 = arith.cmpi ne, %convert_element_type3A_262, %cond3A_263 : i32
    scf.if %cond3A_264 {
      %add3A_473 = arith.constant 36864 : i32
      %add3A_474 = arith.addi %mul3A_40, %add3A_473 : i32
      %dma_start3A_475 = tpu.memref_slice %arg4[%add3A_474] : memref<1179648xf32, #tpu.memory_space<hbm>> -> memref<4608xf32, #tpu.memory_space<hbm>>
      %dma_start3A_476 = tpu.memref_slice %arg4[%add3A_474] : memref<1179648xf32, #tpu.memory_space<hbm>> -> memref<4608xf32, #tpu.memory_space<hbm>>
      tpu.enqueue_dma source(%dma_start3A_476 : memref<4608xf32, #tpu.memory_space<hbm>>) target(%arg10 : memref<4608xf32, #tpu.memory_space<vmem>>) target_semaphore(%arg19 : memref<!tpu.dma_semaphore, #tpu.memory_space<semaphore_mem>>)
    } else {
    }
    %scan3A_265 = arith.constant 0 : i32
    %scan3A_266 = arith.constant 144 : i32
    %scan3A_267 = arith.addi %scan3A_265, %scan3A_266 : i32
    %scan3A_268 = arith.constant 1 : i32
    %scan3A_269 = scf.for %scan3A_473 = %scan3A_265 to %scan3A_267 step %scan3A_268 iter_args(%scan3A_474 = %scan3A_243) -> (vector<16xf32>)  : i32 {
      %mul3A_475 = arith.constant 32 : i32
      %mul3A_476 = arith.muli %scan3A_473, %mul3A_475 : i32
      %get3A = arith.index_cast %mul3A_476 : i32 to index
      %get3A_477 = tpu.vector_load %arg9[%get3A] {strides = array<i32>} : memref<4608xf32, #tpu.memory_space<vmem>>, vector<16xf32>,
      %get3A_478 = arith.index_cast %mul3A_476 : i32 to index
      %get3A_479 = tpu.vector_load %arg11[%get3A_478] {strides = array<i32>} : memref<4608xf32, #tpu.memory_space<vmem>>, vector<16xf32>,
      %add3A_480 = arith.constant 16 : i32
      %add3A_481 = arith.addi %mul3A_476, %add3A_480 : i32
      %get3A_482 = arith.index_cast %add3A_481 : i32 to index
      %get3A_483 = tpu.vector_load %arg9[%get3A_482] {strides = array<i32>} : memref<4608xf32, #tpu.memory_space<vmem>>, vector<16xf32>,
      %add3A_484 = arith.constant 16 : i32
      %add3A_485 = arith.addi %mul3A_476, %add3A_484 : i32
      %get3A_486 = arith.index_cast %add3A_485 : i32 to index
      %get3A_487 = tpu.vector_load %arg11[%get3A_486] {strides = array<i32>} : memref<4608xf32, #tpu.memory_space<vmem>>, vector<16xf32>,
      %sub3A_488 = arith.subf %get3A_477, %get3A_479 : vector<16xf32>
      %sub3A_489 = arith.subf %get3A_483, %get3A_487 : vector<16xf32>
      %mul3A_490 = arith.mulf %sub3A_488, %sub3A_488 : vector<16xf32>
      %mul3A_491 = arith.mulf %sub3A_489, %sub3A_489 : vector<16xf32>
      %add3A_492 = arith.addf %scan3A_474, %mul3A_490 : vector<16xf32>
      %add3A_493 = arith.addf %add3A_492, %mul3A_491 : vector<16xf32>
      %sub3A_494 = arith.constant 1.000000e+00 : f32
      %sub3A_495 = vector.broadcast %sub3A_494 : f32 to vector<16xf32>
      %sub3A_496 = arith.subf %sub3A_495, %get3A_479 : vector<16xf32>
      %sub3A_497 = arith.constant 1.000000e+00 : f32
      %sub3A_498 = vector.broadcast %sub3A_497 : f32 to vector<16xf32>
      %sub3A_499 = arith.subf %sub3A_498, %get3A_487 : vector<16xf32>
      %bitcast_convert_type3A = tpu.bitcast %mul3A_490 : vector<16xf32> -> vector<16xi32>
      %shift_right_arithmetic3A = arith.constant 22 : i32
      %shift_right_arithmetic3A_500 = vector.broadcast %shift_right_arithmetic3A : i32 to vector<16xi32>
      %shift_right_arithmetic3A_501 = arith.shrsi %bitcast_convert_type3A, %shift_right_arithmetic3A_500 : vector<16xi32>
      %bitcast_convert_type3A_502 = tpu.bitcast %mul3A_491 : vector<16xf32> -> vector<16xi32>
      %shift_right_arithmetic3A_503 = arith.constant 22 : i32
      %shift_right_arithmetic3A_504 = vector.broadcast %shift_right_arithmetic3A_503 : i32 to vector<16xi32>
      %shift_right_arithmetic3A_505 = arith.shrsi %bitcast_convert_type3A_502, %shift_right_arithmetic3A_504 : vector<16xi32>
      %add3A_506 = arith.addi %shift_right_arithmetic3A_501, %mul3A_46 : vector<16xi32>
      %add3A_507 = arith.addi %shift_right_arithmetic3A_505, %mul3A_46 : vector<16xi32>
      tpu.vector_store_idx %arg12[%add3A_506], %sub3A_496 {add = true} : memref<8208xf32, #tpu.memory_space<vmem>>[vector<16xi32>], vector<16xf32>,
      tpu.vector_store_idx %arg13[%add3A_507], %sub3A_499 {add = true} : memref<8208xf32, #tpu.memory_space<vmem>>[vector<16xi32>], vector<16xf32>,
      %mul3A_508 = arith.mulf %mul3A_490, %sub3A_496 : vector<16xf32>
      tpu.vector_store_idx %arg14[%add3A_506], %mul3A_508 {add = true} : memref<8208xf32, #tpu.memory_space<vmem>>[vector<16xi32>], vector<16xf32>,
      %mul3A_509 = arith.mulf %mul3A_491, %sub3A_499 : vector<16xf32>
      tpu.vector_store_idx %arg15[%add3A_507], %mul3A_509 {add = true} : memref<8208xf32, #tpu.memory_space<vmem>>[vector<16xi32>], vector<16xf32>,
      scf.yield %add3A_493 : vector<16xf32>
    }
    %scan3A_270 = arith.constant 144 : i32
    %dma_wait3A_271 = tpu.memref_slice %arg2[%add3A_252] : memref<2359296xf32, #tpu.memory_space<hbm>> -> memref<4608xf32, #tpu.memory_space<hbm>>
    %dma_wait3A_272 = tpu.memref_slice %arg2[%add3A_252] : memref<2359296xf32, #tpu.memory_space<hbm>> -> memref<4608xf32, #tpu.memory_space<hbm>>
    tpu.wait_dma2 semaphore(%arg19 : memref<!tpu.dma_semaphore, #tpu.memory_space<semaphore_mem>>) src(%dma_wait3A_272 : memref<4608xf32, #tpu.memory_space<hbm>>) dst(%arg8 : memref<4608xf32, #tpu.memory_space<vmem>>)
    %dma_wait3A_273 = arith.constant 0 : i32
    %dma_wait3A_274 = tpu.memref_slice %arg3[%dma_wait3A_273] : memref<1179648xf32, #tpu.memory_space<hbm>> -> memref<4608xf32, #tpu.memory_space<hbm>>
    %dma_wait3A_275 = arith.constant 0 : i32
    %dma_wait3A_276 = tpu.memref_slice %arg3[%dma_wait3A_275] : memref<1179648xf32, #tpu.memory_space<hbm>> -> memref<4608xf32, #tpu.memory_space<hbm>>
    tpu.wait_dma2 semaphore(%arg19 : memref<!tpu.dma_semaphore, #tpu.memory_space<semaphore_mem>>) src(%dma_wait3A_276 : memref<4608xf32, #tpu.memory_space<hbm>>) dst(%arg10 : memref<4608xf32, #tpu.memory_space<vmem>>)
    %add3A_277 = arith.constant 41472 : i32
    %add3A_278 = arith.addi %add3A_38, %add3A_277 : i32
    %dma_start3A_279 = tpu.memref_slice %arg2[%add3A_278] : memref<2359296xf32, #tpu.memory_space<hbm>> -> memref<4608xf32, #tpu.memory_space<hbm>>
    %dma_start3A_280 = tpu.memref_slice %arg2[%add3A_278] : memref<2359296xf32, #tpu.memory_space<hbm>> -> memref<4608xf32, #tpu.memory_space<hbm>>
    tpu.enqueue_dma source(%dma_start3A_280 : memref<4608xf32, #tpu.memory_space<hbm>>) target(%arg9 : memref<4608xf32, #tpu.memory_space<vmem>>) target_semaphore(%arg20 : memref<!tpu.dma_semaphore, #tpu.memory_space<semaphore_mem>>)
    %eq3A_281 = arith.constant 0 : i32
    %eq3A_282 = arith.cmpi eq, %arg0, %eq3A_281 : i32
    %convert_element_type3A_283 = arith.extui %eq3A_282 : i1 to i32
    %cond3A_284 = arith.constant 0 : i32
    %cond3A_285 = arith.cmpi ne, %convert_element_type3A_283, %cond3A_284 : i32
    scf.if %cond3A_285 {
      %add3A_473 = arith.constant 41472 : i32
      %add3A_474 = arith.addi %mul3A_40, %add3A_473 : i32
      %dma_start3A_475 = tpu.memref_slice %arg3[%add3A_474] : memref<1179648xf32, #tpu.memory_space<hbm>> -> memref<4608xf32, #tpu.memory_space<hbm>>
      %dma_start3A_476 = tpu.memref_slice %arg3[%add3A_474] : memref<1179648xf32, #tpu.memory_space<hbm>> -> memref<4608xf32, #tpu.memory_space<hbm>>
      tpu.enqueue_dma source(%dma_start3A_476 : memref<4608xf32, #tpu.memory_space<hbm>>) target(%arg11 : memref<4608xf32, #tpu.memory_space<vmem>>) target_semaphore(%arg20 : memref<!tpu.dma_semaphore, #tpu.memory_space<semaphore_mem>>)
    } else {
    }
    %eq3A_286 = arith.constant 1 : i32
    %eq3A_287 = arith.cmpi eq, %arg0, %eq3A_286 : i32
    %convert_element_type3A_288 = arith.extui %eq3A_287 : i1 to i32
    %cond3A_289 = arith.constant 0 : i32
    %cond3A_290 = arith.cmpi ne, %convert_element_type3A_288, %cond3A_289 : i32
    scf.if %cond3A_290 {
      %add3A_473 = arith.constant 41472 : i32
      %add3A_474 = arith.addi %mul3A_40, %add3A_473 : i32
      %dma_start3A_475 = tpu.memref_slice %arg4[%add3A_474] : memref<1179648xf32, #tpu.memory_space<hbm>> -> memref<4608xf32, #tpu.memory_space<hbm>>
      %dma_start3A_476 = tpu.memref_slice %arg4[%add3A_474] : memref<1179648xf32, #tpu.memory_space<hbm>> -> memref<4608xf32, #tpu.memory_space<hbm>>
      tpu.enqueue_dma source(%dma_start3A_476 : memref<4608xf32, #tpu.memory_space<hbm>>) target(%arg11 : memref<4608xf32, #tpu.memory_space<vmem>>) target_semaphore(%arg20 : memref<!tpu.dma_semaphore, #tpu.memory_space<semaphore_mem>>)
    } else {
    }
    %scan3A_291 = arith.constant 0 : i32
    %scan3A_292 = arith.constant 144 : i32
    %scan3A_293 = arith.addi %scan3A_291, %scan3A_292 : i32
    %scan3A_294 = arith.constant 1 : i32
    %scan3A_295 = scf.for %scan3A_473 = %scan3A_291 to %scan3A_293 step %scan3A_294 iter_args(%scan3A_474 = %scan3A_269) -> (vector<16xf32>)  : i32 {
      %mul3A_475 = arith.constant 32 : i32
      %mul3A_476 = arith.muli %scan3A_473, %mul3A_475 : i32
      %get3A = arith.index_cast %mul3A_476 : i32 to index
      %get3A_477 = tpu.vector_load %arg8[%get3A] {strides = array<i32>} : memref<4608xf32, #tpu.memory_space<vmem>>, vector<16xf32>,
      %get3A_478 = arith.index_cast %mul3A_476 : i32 to index
      %get3A_479 = tpu.vector_load %arg10[%get3A_478] {strides = array<i32>} : memref<4608xf32, #tpu.memory_space<vmem>>, vector<16xf32>,
      %add3A_480 = arith.constant 16 : i32
      %add3A_481 = arith.addi %mul3A_476, %add3A_480 : i32
      %get3A_482 = arith.index_cast %add3A_481 : i32 to index
      %get3A_483 = tpu.vector_load %arg8[%get3A_482] {strides = array<i32>} : memref<4608xf32, #tpu.memory_space<vmem>>, vector<16xf32>,
      %add3A_484 = arith.constant 16 : i32
      %add3A_485 = arith.addi %mul3A_476, %add3A_484 : i32
      %get3A_486 = arith.index_cast %add3A_485 : i32 to index
      %get3A_487 = tpu.vector_load %arg10[%get3A_486] {strides = array<i32>} : memref<4608xf32, #tpu.memory_space<vmem>>, vector<16xf32>,
      %sub3A_488 = arith.subf %get3A_477, %get3A_479 : vector<16xf32>
      %sub3A_489 = arith.subf %get3A_483, %get3A_487 : vector<16xf32>
      %mul3A_490 = arith.mulf %sub3A_488, %sub3A_488 : vector<16xf32>
      %mul3A_491 = arith.mulf %sub3A_489, %sub3A_489 : vector<16xf32>
      %add3A_492 = arith.addf %scan3A_474, %mul3A_490 : vector<16xf32>
      %add3A_493 = arith.addf %add3A_492, %mul3A_491 : vector<16xf32>
      %sub3A_494 = arith.constant 1.000000e+00 : f32
      %sub3A_495 = vector.broadcast %sub3A_494 : f32 to vector<16xf32>
      %sub3A_496 = arith.subf %sub3A_495, %get3A_479 : vector<16xf32>
      %sub3A_497 = arith.constant 1.000000e+00 : f32
      %sub3A_498 = vector.broadcast %sub3A_497 : f32 to vector<16xf32>
      %sub3A_499 = arith.subf %sub3A_498, %get3A_487 : vector<16xf32>
      %bitcast_convert_type3A = tpu.bitcast %mul3A_490 : vector<16xf32> -> vector<16xi32>
      %shift_right_arithmetic3A = arith.constant 22 : i32
      %shift_right_arithmetic3A_500 = vector.broadcast %shift_right_arithmetic3A : i32 to vector<16xi32>
      %shift_right_arithmetic3A_501 = arith.shrsi %bitcast_convert_type3A, %shift_right_arithmetic3A_500 : vector<16xi32>
      %bitcast_convert_type3A_502 = tpu.bitcast %mul3A_491 : vector<16xf32> -> vector<16xi32>
      %shift_right_arithmetic3A_503 = arith.constant 22 : i32
      %shift_right_arithmetic3A_504 = vector.broadcast %shift_right_arithmetic3A_503 : i32 to vector<16xi32>
      %shift_right_arithmetic3A_505 = arith.shrsi %bitcast_convert_type3A_502, %shift_right_arithmetic3A_504 : vector<16xi32>
      %add3A_506 = arith.addi %shift_right_arithmetic3A_501, %mul3A_46 : vector<16xi32>
      %add3A_507 = arith.addi %shift_right_arithmetic3A_505, %mul3A_46 : vector<16xi32>
      tpu.vector_store_idx %arg12[%add3A_506], %sub3A_496 {add = true} : memref<8208xf32, #tpu.memory_space<vmem>>[vector<16xi32>], vector<16xf32>,
      tpu.vector_store_idx %arg13[%add3A_507], %sub3A_499 {add = true} : memref<8208xf32, #tpu.memory_space<vmem>>[vector<16xi32>], vector<16xf32>,
      %mul3A_508 = arith.mulf %mul3A_490, %sub3A_496 : vector<16xf32>
      tpu.vector_store_idx %arg14[%add3A_506], %mul3A_508 {add = true} : memref<8208xf32, #tpu.memory_space<vmem>>[vector<16xi32>], vector<16xf32>,
      %mul3A_509 = arith.mulf %mul3A_491, %sub3A_499 : vector<16xf32>
      tpu.vector_store_idx %arg15[%add3A_507], %mul3A_509 {add = true} : memref<8208xf32, #tpu.memory_space<vmem>>[vector<16xi32>], vector<16xf32>,
      scf.yield %add3A_493 : vector<16xf32>
    }
    %scan3A_296 = arith.constant 144 : i32
    %dma_wait3A_297 = tpu.memref_slice %arg2[%add3A_278] : memref<2359296xf32, #tpu.memory_space<hbm>> -> memref<4608xf32, #tpu.memory_space<hbm>>
    %dma_wait3A_298 = tpu.memref_slice %arg2[%add3A_278] : memref<2359296xf32, #tpu.memory_space<hbm>> -> memref<4608xf32, #tpu.memory_space<hbm>>
    tpu.wait_dma2 semaphore(%arg20 : memref<!tpu.dma_semaphore, #tpu.memory_space<semaphore_mem>>) src(%dma_wait3A_298 : memref<4608xf32, #tpu.memory_space<hbm>>) dst(%arg9 : memref<4608xf32, #tpu.memory_space<vmem>>)
    %dma_wait3A_299 = arith.constant 0 : i32
    %dma_wait3A_300 = tpu.memref_slice %arg3[%dma_wait3A_299] : memref<1179648xf32, #tpu.memory_space<hbm>> -> memref<4608xf32, #tpu.memory_space<hbm>>
    %dma_wait3A_301 = arith.constant 0 : i32
    %dma_wait3A_302 = tpu.memref_slice %arg3[%dma_wait3A_301] : memref<1179648xf32, #tpu.memory_space<hbm>> -> memref<4608xf32, #tpu.memory_space<hbm>>
    tpu.wait_dma2 semaphore(%arg20 : memref<!tpu.dma_semaphore, #tpu.memory_space<semaphore_mem>>) src(%dma_wait3A_302 : memref<4608xf32, #tpu.memory_space<hbm>>) dst(%arg11 : memref<4608xf32, #tpu.memory_space<vmem>>)
    %add3A_303 = arith.constant 46080 : i32
    %add3A_304 = arith.addi %add3A_38, %add3A_303 : i32
    %dma_start3A_305 = tpu.memref_slice %arg2[%add3A_304] : memref<2359296xf32, #tpu.memory_space<hbm>> -> memref<4608xf32, #tpu.memory_space<hbm>>
    %dma_start3A_306 = tpu.memref_slice %arg2[%add3A_304] : memref<2359296xf32, #tpu.memory_space<hbm>> -> memref<4608xf32, #tpu.memory_space<hbm>>
    tpu.enqueue_dma source(%dma_start3A_306 : memref<4608xf32, #tpu.memory_space<hbm>>) target(%arg8 : memref<4608xf32, #tpu.memory_space<vmem>>) target_semaphore(%arg19 : memref<!tpu.dma_semaphore, #tpu.memory_space<semaphore_mem>>)
    %eq3A_307 = arith.constant 0 : i32
    %eq3A_308 = arith.cmpi eq, %arg0, %eq3A_307 : i32
    %convert_element_type3A_309 = arith.extui %eq3A_308 : i1 to i32
    %cond3A_310 = arith.constant 0 : i32
    %cond3A_311 = arith.cmpi ne, %convert_element_type3A_309, %cond3A_310 : i32
    scf.if %cond3A_311 {
      %add3A_473 = arith.constant 46080 : i32
      %add3A_474 = arith.addi %mul3A_40, %add3A_473 : i32
      %dma_start3A_475 = tpu.memref_slice %arg3[%add3A_474] : memref<1179648xf32, #tpu.memory_space<hbm>> -> memref<4608xf32, #tpu.memory_space<hbm>>
      %dma_start3A_476 = tpu.memref_slice %arg3[%add3A_474] : memref<1179648xf32, #tpu.memory_space<hbm>> -> memref<4608xf32, #tpu.memory_space<hbm>>
      tpu.enqueue_dma source(%dma_start3A_476 : memref<4608xf32, #tpu.memory_space<hbm>>) target(%arg10 : memref<4608xf32, #tpu.memory_space<vmem>>) target_semaphore(%arg19 : memref<!tpu.dma_semaphore, #tpu.memory_space<semaphore_mem>>)
    } else {
    }
    %eq3A_312 = arith.constant 1 : i32
    %eq3A_313 = arith.cmpi eq, %arg0, %eq3A_312 : i32
    %convert_element_type3A_314 = arith.extui %eq3A_313 : i1 to i32
    %cond3A_315 = arith.constant 0 : i32
    %cond3A_316 = arith.cmpi ne, %convert_element_type3A_314, %cond3A_315 : i32
    scf.if %cond3A_316 {
      %add3A_473 = arith.constant 46080 : i32
      %add3A_474 = arith.addi %mul3A_40, %add3A_473 : i32
      %dma_start3A_475 = tpu.memref_slice %arg4[%add3A_474] : memref<1179648xf32, #tpu.memory_space<hbm>> -> memref<4608xf32, #tpu.memory_space<hbm>>
      %dma_start3A_476 = tpu.memref_slice %arg4[%add3A_474] : memref<1179648xf32, #tpu.memory_space<hbm>> -> memref<4608xf32, #tpu.memory_space<hbm>>
      tpu.enqueue_dma source(%dma_start3A_476 : memref<4608xf32, #tpu.memory_space<hbm>>) target(%arg10 : memref<4608xf32, #tpu.memory_space<vmem>>) target_semaphore(%arg19 : memref<!tpu.dma_semaphore, #tpu.memory_space<semaphore_mem>>)
    } else {
    }
    %scan3A_317 = arith.constant 0 : i32
    %scan3A_318 = arith.constant 144 : i32
    %scan3A_319 = arith.addi %scan3A_317, %scan3A_318 : i32
    %scan3A_320 = arith.constant 1 : i32
    %scan3A_321 = scf.for %scan3A_473 = %scan3A_317 to %scan3A_319 step %scan3A_320 iter_args(%scan3A_474 = %scan3A_295) -> (vector<16xf32>)  : i32 {
      %mul3A_475 = arith.constant 32 : i32
      %mul3A_476 = arith.muli %scan3A_473, %mul3A_475 : i32
      %get3A = arith.index_cast %mul3A_476 : i32 to index
      %get3A_477 = tpu.vector_load %arg9[%get3A] {strides = array<i32>} : memref<4608xf32, #tpu.memory_space<vmem>>, vector<16xf32>,
      %get3A_478 = arith.index_cast %mul3A_476 : i32 to index
      %get3A_479 = tpu.vector_load %arg11[%get3A_478] {strides = array<i32>} : memref<4608xf32, #tpu.memory_space<vmem>>, vector<16xf32>,
      %add3A_480 = arith.constant 16 : i32
      %add3A_481 = arith.addi %mul3A_476, %add3A_480 : i32
      %get3A_482 = arith.index_cast %add3A_481 : i32 to index
      %get3A_483 = tpu.vector_load %arg9[%get3A_482] {strides = array<i32>} : memref<4608xf32, #tpu.memory_space<vmem>>, vector<16xf32>,
      %add3A_484 = arith.constant 16 : i32
      %add3A_485 = arith.addi %mul3A_476, %add3A_484 : i32
      %get3A_486 = arith.index_cast %add3A_485 : i32 to index
      %get3A_487 = tpu.vector_load %arg11[%get3A_486] {strides = array<i32>} : memref<4608xf32, #tpu.memory_space<vmem>>, vector<16xf32>,
      %sub3A_488 = arith.subf %get3A_477, %get3A_479 : vector<16xf32>
      %sub3A_489 = arith.subf %get3A_483, %get3A_487 : vector<16xf32>
      %mul3A_490 = arith.mulf %sub3A_488, %sub3A_488 : vector<16xf32>
      %mul3A_491 = arith.mulf %sub3A_489, %sub3A_489 : vector<16xf32>
      %add3A_492 = arith.addf %scan3A_474, %mul3A_490 : vector<16xf32>
      %add3A_493 = arith.addf %add3A_492, %mul3A_491 : vector<16xf32>
      %sub3A_494 = arith.constant 1.000000e+00 : f32
      %sub3A_495 = vector.broadcast %sub3A_494 : f32 to vector<16xf32>
      %sub3A_496 = arith.subf %sub3A_495, %get3A_479 : vector<16xf32>
      %sub3A_497 = arith.constant 1.000000e+00 : f32
      %sub3A_498 = vector.broadcast %sub3A_497 : f32 to vector<16xf32>
      %sub3A_499 = arith.subf %sub3A_498, %get3A_487 : vector<16xf32>
      %bitcast_convert_type3A = tpu.bitcast %mul3A_490 : vector<16xf32> -> vector<16xi32>
      %shift_right_arithmetic3A = arith.constant 22 : i32
      %shift_right_arithmetic3A_500 = vector.broadcast %shift_right_arithmetic3A : i32 to vector<16xi32>
      %shift_right_arithmetic3A_501 = arith.shrsi %bitcast_convert_type3A, %shift_right_arithmetic3A_500 : vector<16xi32>
      %bitcast_convert_type3A_502 = tpu.bitcast %mul3A_491 : vector<16xf32> -> vector<16xi32>
      %shift_right_arithmetic3A_503 = arith.constant 22 : i32
      %shift_right_arithmetic3A_504 = vector.broadcast %shift_right_arithmetic3A_503 : i32 to vector<16xi32>
      %shift_right_arithmetic3A_505 = arith.shrsi %bitcast_convert_type3A_502, %shift_right_arithmetic3A_504 : vector<16xi32>
      %add3A_506 = arith.addi %shift_right_arithmetic3A_501, %mul3A_46 : vector<16xi32>
      %add3A_507 = arith.addi %shift_right_arithmetic3A_505, %mul3A_46 : vector<16xi32>
      tpu.vector_store_idx %arg12[%add3A_506], %sub3A_496 {add = true} : memref<8208xf32, #tpu.memory_space<vmem>>[vector<16xi32>], vector<16xf32>,
      tpu.vector_store_idx %arg13[%add3A_507], %sub3A_499 {add = true} : memref<8208xf32, #tpu.memory_space<vmem>>[vector<16xi32>], vector<16xf32>,
      %mul3A_508 = arith.mulf %mul3A_490, %sub3A_496 : vector<16xf32>
      tpu.vector_store_idx %arg14[%add3A_506], %mul3A_508 {add = true} : memref<8208xf32, #tpu.memory_space<vmem>>[vector<16xi32>], vector<16xf32>,
      %mul3A_509 = arith.mulf %mul3A_491, %sub3A_499 : vector<16xf32>
      tpu.vector_store_idx %arg15[%add3A_507], %mul3A_509 {add = true} : memref<8208xf32, #tpu.memory_space<vmem>>[vector<16xi32>], vector<16xf32>,
      scf.yield %add3A_493 : vector<16xf32>
    }
    %scan3A_322 = arith.constant 144 : i32
    %dma_wait3A_323 = tpu.memref_slice %arg2[%add3A_304] : memref<2359296xf32, #tpu.memory_space<hbm>> -> memref<4608xf32, #tpu.memory_space<hbm>>
    %dma_wait3A_324 = tpu.memref_slice %arg2[%add3A_304] : memref<2359296xf32, #tpu.memory_space<hbm>> -> memref<4608xf32, #tpu.memory_space<hbm>>
    tpu.wait_dma2 semaphore(%arg19 : memref<!tpu.dma_semaphore, #tpu.memory_space<semaphore_mem>>) src(%dma_wait3A_324 : memref<4608xf32, #tpu.memory_space<hbm>>) dst(%arg8 : memref<4608xf32, #tpu.memory_space<vmem>>)
    %dma_wait3A_325 = arith.constant 0 : i32
    %dma_wait3A_326 = tpu.memref_slice %arg3[%dma_wait3A_325] : memref<1179648xf32, #tpu.memory_space<hbm>> -> memref<4608xf32, #tpu.memory_space<hbm>>
    %dma_wait3A_327 = arith.constant 0 : i32
    %dma_wait3A_328 = tpu.memref_slice %arg3[%dma_wait3A_327] : memref<1179648xf32, #tpu.memory_space<hbm>> -> memref<4608xf32, #tpu.memory_space<hbm>>
    tpu.wait_dma2 semaphore(%arg19 : memref<!tpu.dma_semaphore, #tpu.memory_space<semaphore_mem>>) src(%dma_wait3A_328 : memref<4608xf32, #tpu.memory_space<hbm>>) dst(%arg10 : memref<4608xf32, #tpu.memory_space<vmem>>)
    %add3A_329 = arith.constant 50688 : i32
    %add3A_330 = arith.addi %add3A_38, %add3A_329 : i32
    %dma_start3A_331 = tpu.memref_slice %arg2[%add3A_330] : memref<2359296xf32, #tpu.memory_space<hbm>> -> memref<4608xf32, #tpu.memory_space<hbm>>
    %dma_start3A_332 = tpu.memref_slice %arg2[%add3A_330] : memref<2359296xf32, #tpu.memory_space<hbm>> -> memref<4608xf32, #tpu.memory_space<hbm>>
    tpu.enqueue_dma source(%dma_start3A_332 : memref<4608xf32, #tpu.memory_space<hbm>>) target(%arg9 : memref<4608xf32, #tpu.memory_space<vmem>>) target_semaphore(%arg20 : memref<!tpu.dma_semaphore, #tpu.memory_space<semaphore_mem>>)
    %eq3A_333 = arith.constant 0 : i32
    %eq3A_334 = arith.cmpi eq, %arg0, %eq3A_333 : i32
    %convert_element_type3A_335 = arith.extui %eq3A_334 : i1 to i32
    %cond3A_336 = arith.constant 0 : i32
    %cond3A_337 = arith.cmpi ne, %convert_element_type3A_335, %cond3A_336 : i32
    scf.if %cond3A_337 {
      %add3A_473 = arith.constant 50688 : i32
      %add3A_474 = arith.addi %mul3A_40, %add3A_473 : i32
      %dma_start3A_475 = tpu.memref_slice %arg3[%add3A_474] : memref<1179648xf32, #tpu.memory_space<hbm>> -> memref<4608xf32, #tpu.memory_space<hbm>>
      %dma_start3A_476 = tpu.memref_slice %arg3[%add3A_474] : memref<1179648xf32, #tpu.memory_space<hbm>> -> memref<4608xf32, #tpu.memory_space<hbm>>
      tpu.enqueue_dma source(%dma_start3A_476 : memref<4608xf32, #tpu.memory_space<hbm>>) target(%arg11 : memref<4608xf32, #tpu.memory_space<vmem>>) target_semaphore(%arg20 : memref<!tpu.dma_semaphore, #tpu.memory_space<semaphore_mem>>)
    } else {
    }
    %eq3A_338 = arith.constant 1 : i32
    %eq3A_339 = arith.cmpi eq, %arg0, %eq3A_338 : i32
    %convert_element_type3A_340 = arith.extui %eq3A_339 : i1 to i32
    %cond3A_341 = arith.constant 0 : i32
    %cond3A_342 = arith.cmpi ne, %convert_element_type3A_340, %cond3A_341 : i32
    scf.if %cond3A_342 {
      %add3A_473 = arith.constant 50688 : i32
      %add3A_474 = arith.addi %mul3A_40, %add3A_473 : i32
      %dma_start3A_475 = tpu.memref_slice %arg4[%add3A_474] : memref<1179648xf32, #tpu.memory_space<hbm>> -> memref<4608xf32, #tpu.memory_space<hbm>>
      %dma_start3A_476 = tpu.memref_slice %arg4[%add3A_474] : memref<1179648xf32, #tpu.memory_space<hbm>> -> memref<4608xf32, #tpu.memory_space<hbm>>
      tpu.enqueue_dma source(%dma_start3A_476 : memref<4608xf32, #tpu.memory_space<hbm>>) target(%arg11 : memref<4608xf32, #tpu.memory_space<vmem>>) target_semaphore(%arg20 : memref<!tpu.dma_semaphore, #tpu.memory_space<semaphore_mem>>)
    } else {
    }
    %scan3A_343 = arith.constant 0 : i32
    %scan3A_344 = arith.constant 144 : i32
    %scan3A_345 = arith.addi %scan3A_343, %scan3A_344 : i32
    %scan3A_346 = arith.constant 1 : i32
    %scan3A_347 = scf.for %scan3A_473 = %scan3A_343 to %scan3A_345 step %scan3A_346 iter_args(%scan3A_474 = %scan3A_321) -> (vector<16xf32>)  : i32 {
      %mul3A_475 = arith.constant 32 : i32
      %mul3A_476 = arith.muli %scan3A_473, %mul3A_475 : i32
      %get3A = arith.index_cast %mul3A_476 : i32 to index
      %get3A_477 = tpu.vector_load %arg8[%get3A] {strides = array<i32>} : memref<4608xf32, #tpu.memory_space<vmem>>, vector<16xf32>,
      %get3A_478 = arith.index_cast %mul3A_476 : i32 to index
      %get3A_479 = tpu.vector_load %arg10[%get3A_478] {strides = array<i32>} : memref<4608xf32, #tpu.memory_space<vmem>>, vector<16xf32>,
      %add3A_480 = arith.constant 16 : i32
      %add3A_481 = arith.addi %mul3A_476, %add3A_480 : i32
      %get3A_482 = arith.index_cast %add3A_481 : i32 to index
      %get3A_483 = tpu.vector_load %arg8[%get3A_482] {strides = array<i32>} : memref<4608xf32, #tpu.memory_space<vmem>>, vector<16xf32>,
      %add3A_484 = arith.constant 16 : i32
      %add3A_485 = arith.addi %mul3A_476, %add3A_484 : i32
      %get3A_486 = arith.index_cast %add3A_485 : i32 to index
      %get3A_487 = tpu.vector_load %arg10[%get3A_486] {strides = array<i32>} : memref<4608xf32, #tpu.memory_space<vmem>>, vector<16xf32>,
      %sub3A_488 = arith.subf %get3A_477, %get3A_479 : vector<16xf32>
      %sub3A_489 = arith.subf %get3A_483, %get3A_487 : vector<16xf32>
      %mul3A_490 = arith.mulf %sub3A_488, %sub3A_488 : vector<16xf32>
      %mul3A_491 = arith.mulf %sub3A_489, %sub3A_489 : vector<16xf32>
      %add3A_492 = arith.addf %scan3A_474, %mul3A_490 : vector<16xf32>
      %add3A_493 = arith.addf %add3A_492, %mul3A_491 : vector<16xf32>
      %sub3A_494 = arith.constant 1.000000e+00 : f32
      %sub3A_495 = vector.broadcast %sub3A_494 : f32 to vector<16xf32>
      %sub3A_496 = arith.subf %sub3A_495, %get3A_479 : vector<16xf32>
      %sub3A_497 = arith.constant 1.000000e+00 : f32
      %sub3A_498 = vector.broadcast %sub3A_497 : f32 to vector<16xf32>
      %sub3A_499 = arith.subf %sub3A_498, %get3A_487 : vector<16xf32>
      %bitcast_convert_type3A = tpu.bitcast %mul3A_490 : vector<16xf32> -> vector<16xi32>
      %shift_right_arithmetic3A = arith.constant 22 : i32
      %shift_right_arithmetic3A_500 = vector.broadcast %shift_right_arithmetic3A : i32 to vector<16xi32>
      %shift_right_arithmetic3A_501 = arith.shrsi %bitcast_convert_type3A, %shift_right_arithmetic3A_500 : vector<16xi32>
      %bitcast_convert_type3A_502 = tpu.bitcast %mul3A_491 : vector<16xf32> -> vector<16xi32>
      %shift_right_arithmetic3A_503 = arith.constant 22 : i32
      %shift_right_arithmetic3A_504 = vector.broadcast %shift_right_arithmetic3A_503 : i32 to vector<16xi32>
      %shift_right_arithmetic3A_505 = arith.shrsi %bitcast_convert_type3A_502, %shift_right_arithmetic3A_504 : vector<16xi32>
      %add3A_506 = arith.addi %shift_right_arithmetic3A_501, %mul3A_46 : vector<16xi32>
      %add3A_507 = arith.addi %shift_right_arithmetic3A_505, %mul3A_46 : vector<16xi32>
      tpu.vector_store_idx %arg12[%add3A_506], %sub3A_496 {add = true} : memref<8208xf32, #tpu.memory_space<vmem>>[vector<16xi32>], vector<16xf32>,
      tpu.vector_store_idx %arg13[%add3A_507], %sub3A_499 {add = true} : memref<8208xf32, #tpu.memory_space<vmem>>[vector<16xi32>], vector<16xf32>,
      %mul3A_508 = arith.mulf %mul3A_490, %sub3A_496 : vector<16xf32>
      tpu.vector_store_idx %arg14[%add3A_506], %mul3A_508 {add = true} : memref<8208xf32, #tpu.memory_space<vmem>>[vector<16xi32>], vector<16xf32>,
      %mul3A_509 = arith.mulf %mul3A_491, %sub3A_499 : vector<16xf32>
      tpu.vector_store_idx %arg15[%add3A_507], %mul3A_509 {add = true} : memref<8208xf32, #tpu.memory_space<vmem>>[vector<16xi32>], vector<16xf32>,
      scf.yield %add3A_493 : vector<16xf32>
    }
    %scan3A_348 = arith.constant 144 : i32
    %dma_wait3A_349 = tpu.memref_slice %arg2[%add3A_330] : memref<2359296xf32, #tpu.memory_space<hbm>> -> memref<4608xf32, #tpu.memory_space<hbm>>
    %dma_wait3A_350 = tpu.memref_slice %arg2[%add3A_330] : memref<2359296xf32, #tpu.memory_space<hbm>> -> memref<4608xf32, #tpu.memory_space<hbm>>
    tpu.wait_dma2 semaphore(%arg20 : memref<!tpu.dma_semaphore, #tpu.memory_space<semaphore_mem>>) src(%dma_wait3A_350 : memref<4608xf32, #tpu.memory_space<hbm>>) dst(%arg9 : memref<4608xf32, #tpu.memory_space<vmem>>)
    %dma_wait3A_351 = arith.constant 0 : i32
    %dma_wait3A_352 = tpu.memref_slice %arg3[%dma_wait3A_351] : memref<1179648xf32, #tpu.memory_space<hbm>> -> memref<4608xf32, #tpu.memory_space<hbm>>
    %dma_wait3A_353 = arith.constant 0 : i32
    %dma_wait3A_354 = tpu.memref_slice %arg3[%dma_wait3A_353] : memref<1179648xf32, #tpu.memory_space<hbm>> -> memref<4608xf32, #tpu.memory_space<hbm>>
    tpu.wait_dma2 semaphore(%arg20 : memref<!tpu.dma_semaphore, #tpu.memory_space<semaphore_mem>>) src(%dma_wait3A_354 : memref<4608xf32, #tpu.memory_space<hbm>>) dst(%arg11 : memref<4608xf32, #tpu.memory_space<vmem>>)
    %add3A_355 = arith.constant 55296 : i32
    %add3A_356 = arith.addi %add3A_38, %add3A_355 : i32
    %dma_start3A_357 = tpu.memref_slice %arg2[%add3A_356] : memref<2359296xf32, #tpu.memory_space<hbm>> -> memref<4608xf32, #tpu.memory_space<hbm>>
    %dma_start3A_358 = tpu.memref_slice %arg2[%add3A_356] : memref<2359296xf32, #tpu.memory_space<hbm>> -> memref<4608xf32, #tpu.memory_space<hbm>>
    tpu.enqueue_dma source(%dma_start3A_358 : memref<4608xf32, #tpu.memory_space<hbm>>) target(%arg8 : memref<4608xf32, #tpu.memory_space<vmem>>) target_semaphore(%arg19 : memref<!tpu.dma_semaphore, #tpu.memory_space<semaphore_mem>>)
    %eq3A_359 = arith.constant 0 : i32
    %eq3A_360 = arith.cmpi eq, %arg0, %eq3A_359 : i32
    %convert_element_type3A_361 = arith.extui %eq3A_360 : i1 to i32
    %cond3A_362 = arith.constant 0 : i32
    %cond3A_363 = arith.cmpi ne, %convert_element_type3A_361, %cond3A_362 : i32
    scf.if %cond3A_363 {
      %add3A_473 = arith.constant 55296 : i32
      %add3A_474 = arith.addi %mul3A_40, %add3A_473 : i32
      %dma_start3A_475 = tpu.memref_slice %arg3[%add3A_474] : memref<1179648xf32, #tpu.memory_space<hbm>> -> memref<4608xf32, #tpu.memory_space<hbm>>
      %dma_start3A_476 = tpu.memref_slice %arg3[%add3A_474] : memref<1179648xf32, #tpu.memory_space<hbm>> -> memref<4608xf32, #tpu.memory_space<hbm>>
      tpu.enqueue_dma source(%dma_start3A_476 : memref<4608xf32, #tpu.memory_space<hbm>>) target(%arg10 : memref<4608xf32, #tpu.memory_space<vmem>>) target_semaphore(%arg19 : memref<!tpu.dma_semaphore, #tpu.memory_space<semaphore_mem>>)
    } else {
    }
    %eq3A_364 = arith.constant 1 : i32
    %eq3A_365 = arith.cmpi eq, %arg0, %eq3A_364 : i32
    %convert_element_type3A_366 = arith.extui %eq3A_365 : i1 to i32
    %cond3A_367 = arith.constant 0 : i32
    %cond3A_368 = arith.cmpi ne, %convert_element_type3A_366, %cond3A_367 : i32
    scf.if %cond3A_368 {
      %add3A_473 = arith.constant 55296 : i32
      %add3A_474 = arith.addi %mul3A_40, %add3A_473 : i32
      %dma_start3A_475 = tpu.memref_slice %arg4[%add3A_474] : memref<1179648xf32, #tpu.memory_space<hbm>> -> memref<4608xf32, #tpu.memory_space<hbm>>
      %dma_start3A_476 = tpu.memref_slice %arg4[%add3A_474] : memref<1179648xf32, #tpu.memory_space<hbm>> -> memref<4608xf32, #tpu.memory_space<hbm>>
      tpu.enqueue_dma source(%dma_start3A_476 : memref<4608xf32, #tpu.memory_space<hbm>>) target(%arg10 : memref<4608xf32, #tpu.memory_space<vmem>>) target_semaphore(%arg19 : memref<!tpu.dma_semaphore, #tpu.memory_space<semaphore_mem>>)
    } else {
    }
    %scan3A_369 = arith.constant 0 : i32
    %scan3A_370 = arith.constant 144 : i32
    %scan3A_371 = arith.addi %scan3A_369, %scan3A_370 : i32
    %scan3A_372 = arith.constant 1 : i32
    %scan3A_373 = scf.for %scan3A_473 = %scan3A_369 to %scan3A_371 step %scan3A_372 iter_args(%scan3A_474 = %scan3A_347) -> (vector<16xf32>)  : i32 {
      %mul3A_475 = arith.constant 32 : i32
      %mul3A_476 = arith.muli %scan3A_473, %mul3A_475 : i32
      %get3A = arith.index_cast %mul3A_476 : i32 to index
      %get3A_477 = tpu.vector_load %arg9[%get3A] {strides = array<i32>} : memref<4608xf32, #tpu.memory_space<vmem>>, vector<16xf32>,
      %get3A_478 = arith.index_cast %mul3A_476 : i32 to index
      %get3A_479 = tpu.vector_load %arg11[%get3A_478] {strides = array<i32>} : memref<4608xf32, #tpu.memory_space<vmem>>, vector<16xf32>,
      %add3A_480 = arith.constant 16 : i32
      %add3A_481 = arith.addi %mul3A_476, %add3A_480 : i32
      %get3A_482 = arith.index_cast %add3A_481 : i32 to index
      %get3A_483 = tpu.vector_load %arg9[%get3A_482] {strides = array<i32>} : memref<4608xf32, #tpu.memory_space<vmem>>, vector<16xf32>,
      %add3A_484 = arith.constant 16 : i32
      %add3A_485 = arith.addi %mul3A_476, %add3A_484 : i32
      %get3A_486 = arith.index_cast %add3A_485 : i32 to index
      %get3A_487 = tpu.vector_load %arg11[%get3A_486] {strides = array<i32>} : memref<4608xf32, #tpu.memory_space<vmem>>, vector<16xf32>,
      %sub3A_488 = arith.subf %get3A_477, %get3A_479 : vector<16xf32>
      %sub3A_489 = arith.subf %get3A_483, %get3A_487 : vector<16xf32>
      %mul3A_490 = arith.mulf %sub3A_488, %sub3A_488 : vector<16xf32>
      %mul3A_491 = arith.mulf %sub3A_489, %sub3A_489 : vector<16xf32>
      %add3A_492 = arith.addf %scan3A_474, %mul3A_490 : vector<16xf32>
      %add3A_493 = arith.addf %add3A_492, %mul3A_491 : vector<16xf32>
      %sub3A_494 = arith.constant 1.000000e+00 : f32
      %sub3A_495 = vector.broadcast %sub3A_494 : f32 to vector<16xf32>
      %sub3A_496 = arith.subf %sub3A_495, %get3A_479 : vector<16xf32>
      %sub3A_497 = arith.constant 1.000000e+00 : f32
      %sub3A_498 = vector.broadcast %sub3A_497 : f32 to vector<16xf32>
      %sub3A_499 = arith.subf %sub3A_498, %get3A_487 : vector<16xf32>
      %bitcast_convert_type3A = tpu.bitcast %mul3A_490 : vector<16xf32> -> vector<16xi32>
      %shift_right_arithmetic3A = arith.constant 22 : i32
      %shift_right_arithmetic3A_500 = vector.broadcast %shift_right_arithmetic3A : i32 to vector<16xi32>
      %shift_right_arithmetic3A_501 = arith.shrsi %bitcast_convert_type3A, %shift_right_arithmetic3A_500 : vector<16xi32>
      %bitcast_convert_type3A_502 = tpu.bitcast %mul3A_491 : vector<16xf32> -> vector<16xi32>
      %shift_right_arithmetic3A_503 = arith.constant 22 : i32
      %shift_right_arithmetic3A_504 = vector.broadcast %shift_right_arithmetic3A_503 : i32 to vector<16xi32>
      %shift_right_arithmetic3A_505 = arith.shrsi %bitcast_convert_type3A_502, %shift_right_arithmetic3A_504 : vector<16xi32>
      %add3A_506 = arith.addi %shift_right_arithmetic3A_501, %mul3A_46 : vector<16xi32>
      %add3A_507 = arith.addi %shift_right_arithmetic3A_505, %mul3A_46 : vector<16xi32>
      tpu.vector_store_idx %arg12[%add3A_506], %sub3A_496 {add = true} : memref<8208xf32, #tpu.memory_space<vmem>>[vector<16xi32>], vector<16xf32>,
      tpu.vector_store_idx %arg13[%add3A_507], %sub3A_499 {add = true} : memref<8208xf32, #tpu.memory_space<vmem>>[vector<16xi32>], vector<16xf32>,
      %mul3A_508 = arith.mulf %mul3A_490, %sub3A_496 : vector<16xf32>
      tpu.vector_store_idx %arg14[%add3A_506], %mul3A_508 {add = true} : memref<8208xf32, #tpu.memory_space<vmem>>[vector<16xi32>], vector<16xf32>,
      %mul3A_509 = arith.mulf %mul3A_491, %sub3A_499 : vector<16xf32>
      tpu.vector_store_idx %arg15[%add3A_507], %mul3A_509 {add = true} : memref<8208xf32, #tpu.memory_space<vmem>>[vector<16xi32>], vector<16xf32>,
      scf.yield %add3A_493 : vector<16xf32>
    }
    %scan3A_374 = arith.constant 144 : i32
    %dma_wait3A_375 = tpu.memref_slice %arg2[%add3A_356] : memref<2359296xf32, #tpu.memory_space<hbm>> -> memref<4608xf32, #tpu.memory_space<hbm>>
    %dma_wait3A_376 = tpu.memref_slice %arg2[%add3A_356] : memref<2359296xf32, #tpu.memory_space<hbm>> -> memref<4608xf32, #tpu.memory_space<hbm>>
    tpu.wait_dma2 semaphore(%arg19 : memref<!tpu.dma_semaphore, #tpu.memory_space<semaphore_mem>>) src(%dma_wait3A_376 : memref<4608xf32, #tpu.memory_space<hbm>>) dst(%arg8 : memref<4608xf32, #tpu.memory_space<vmem>>)
    %dma_wait3A_377 = arith.constant 0 : i32
    %dma_wait3A_378 = tpu.memref_slice %arg3[%dma_wait3A_377] : memref<1179648xf32, #tpu.memory_space<hbm>> -> memref<4608xf32, #tpu.memory_space<hbm>>
    %dma_wait3A_379 = arith.constant 0 : i32
    %dma_wait3A_380 = tpu.memref_slice %arg3[%dma_wait3A_379] : memref<1179648xf32, #tpu.memory_space<hbm>> -> memref<4608xf32, #tpu.memory_space<hbm>>
    tpu.wait_dma2 semaphore(%arg19 : memref<!tpu.dma_semaphore, #tpu.memory_space<semaphore_mem>>) src(%dma_wait3A_380 : memref<4608xf32, #tpu.memory_space<hbm>>) dst(%arg10 : memref<4608xf32, #tpu.memory_space<vmem>>)
    %add3A_381 = arith.constant 59904 : i32
    %add3A_382 = arith.addi %add3A_38, %add3A_381 : i32
    %dma_start3A_383 = tpu.memref_slice %arg2[%add3A_382] : memref<2359296xf32, #tpu.memory_space<hbm>> -> memref<4608xf32, #tpu.memory_space<hbm>>
    %dma_start3A_384 = tpu.memref_slice %arg2[%add3A_382] : memref<2359296xf32, #tpu.memory_space<hbm>> -> memref<4608xf32, #tpu.memory_space<hbm>>
    tpu.enqueue_dma source(%dma_start3A_384 : memref<4608xf32, #tpu.memory_space<hbm>>) target(%arg9 : memref<4608xf32, #tpu.memory_space<vmem>>) target_semaphore(%arg20 : memref<!tpu.dma_semaphore, #tpu.memory_space<semaphore_mem>>)
    %eq3A_385 = arith.constant 0 : i32
    %eq3A_386 = arith.cmpi eq, %arg0, %eq3A_385 : i32
    %convert_element_type3A_387 = arith.extui %eq3A_386 : i1 to i32
    %cond3A_388 = arith.constant 0 : i32
    %cond3A_389 = arith.cmpi ne, %convert_element_type3A_387, %cond3A_388 : i32
    scf.if %cond3A_389 {
      %add3A_473 = arith.constant 59904 : i32
      %add3A_474 = arith.addi %mul3A_40, %add3A_473 : i32
      %dma_start3A_475 = tpu.memref_slice %arg3[%add3A_474] : memref<1179648xf32, #tpu.memory_space<hbm>> -> memref<4608xf32, #tpu.memory_space<hbm>>
      %dma_start3A_476 = tpu.memref_slice %arg3[%add3A_474] : memref<1179648xf32, #tpu.memory_space<hbm>> -> memref<4608xf32, #tpu.memory_space<hbm>>
      tpu.enqueue_dma source(%dma_start3A_476 : memref<4608xf32, #tpu.memory_space<hbm>>) target(%arg11 : memref<4608xf32, #tpu.memory_space<vmem>>) target_semaphore(%arg20 : memref<!tpu.dma_semaphore, #tpu.memory_space<semaphore_mem>>)
    } else {
    }
    %eq3A_390 = arith.constant 1 : i32
    %eq3A_391 = arith.cmpi eq, %arg0, %eq3A_390 : i32
    %convert_element_type3A_392 = arith.extui %eq3A_391 : i1 to i32
    %cond3A_393 = arith.constant 0 : i32
    %cond3A_394 = arith.cmpi ne, %convert_element_type3A_392, %cond3A_393 : i32
    scf.if %cond3A_394 {
      %add3A_473 = arith.constant 59904 : i32
      %add3A_474 = arith.addi %mul3A_40, %add3A_473 : i32
      %dma_start3A_475 = tpu.memref_slice %arg4[%add3A_474] : memref<1179648xf32, #tpu.memory_space<hbm>> -> memref<4608xf32, #tpu.memory_space<hbm>>
      %dma_start3A_476 = tpu.memref_slice %arg4[%add3A_474] : memref<1179648xf32, #tpu.memory_space<hbm>> -> memref<4608xf32, #tpu.memory_space<hbm>>
      tpu.enqueue_dma source(%dma_start3A_476 : memref<4608xf32, #tpu.memory_space<hbm>>) target(%arg11 : memref<4608xf32, #tpu.memory_space<vmem>>) target_semaphore(%arg20 : memref<!tpu.dma_semaphore, #tpu.memory_space<semaphore_mem>>)
    } else {
    }
    %scan3A_395 = arith.constant 0 : i32
    %scan3A_396 = arith.constant 144 : i32
    %scan3A_397 = arith.addi %scan3A_395, %scan3A_396 : i32
    %scan3A_398 = arith.constant 1 : i32
    %scan3A_399 = scf.for %scan3A_473 = %scan3A_395 to %scan3A_397 step %scan3A_398 iter_args(%scan3A_474 = %scan3A_373) -> (vector<16xf32>)  : i32 {
      %mul3A_475 = arith.constant 32 : i32
      %mul3A_476 = arith.muli %scan3A_473, %mul3A_475 : i32
      %get3A = arith.index_cast %mul3A_476 : i32 to index
      %get3A_477 = tpu.vector_load %arg8[%get3A] {strides = array<i32>} : memref<4608xf32, #tpu.memory_space<vmem>>, vector<16xf32>,
      %get3A_478 = arith.index_cast %mul3A_476 : i32 to index
      %get3A_479 = tpu.vector_load %arg10[%get3A_478] {strides = array<i32>} : memref<4608xf32, #tpu.memory_space<vmem>>, vector<16xf32>,
      %add3A_480 = arith.constant 16 : i32
      %add3A_481 = arith.addi %mul3A_476, %add3A_480 : i32
      %get3A_482 = arith.index_cast %add3A_481 : i32 to index
      %get3A_483 = tpu.vector_load %arg8[%get3A_482] {strides = array<i32>} : memref<4608xf32, #tpu.memory_space<vmem>>, vector<16xf32>,
      %add3A_484 = arith.constant 16 : i32
      %add3A_485 = arith.addi %mul3A_476, %add3A_484 : i32
      %get3A_486 = arith.index_cast %add3A_485 : i32 to index
      %get3A_487 = tpu.vector_load %arg10[%get3A_486] {strides = array<i32>} : memref<4608xf32, #tpu.memory_space<vmem>>, vector<16xf32>,
      %sub3A_488 = arith.subf %get3A_477, %get3A_479 : vector<16xf32>
      %sub3A_489 = arith.subf %get3A_483, %get3A_487 : vector<16xf32>
      %mul3A_490 = arith.mulf %sub3A_488, %sub3A_488 : vector<16xf32>
      %mul3A_491 = arith.mulf %sub3A_489, %sub3A_489 : vector<16xf32>
      %add3A_492 = arith.addf %scan3A_474, %mul3A_490 : vector<16xf32>
      %add3A_493 = arith.addf %add3A_492, %mul3A_491 : vector<16xf32>
      %sub3A_494 = arith.constant 1.000000e+00 : f32
      %sub3A_495 = vector.broadcast %sub3A_494 : f32 to vector<16xf32>
      %sub3A_496 = arith.subf %sub3A_495, %get3A_479 : vector<16xf32>
      %sub3A_497 = arith.constant 1.000000e+00 : f32
      %sub3A_498 = vector.broadcast %sub3A_497 : f32 to vector<16xf32>
      %sub3A_499 = arith.subf %sub3A_498, %get3A_487 : vector<16xf32>
      %bitcast_convert_type3A = tpu.bitcast %mul3A_490 : vector<16xf32> -> vector<16xi32>
      %shift_right_arithmetic3A = arith.constant 22 : i32
      %shift_right_arithmetic3A_500 = vector.broadcast %shift_right_arithmetic3A : i32 to vector<16xi32>
      %shift_right_arithmetic3A_501 = arith.shrsi %bitcast_convert_type3A, %shift_right_arithmetic3A_500 : vector<16xi32>
      %bitcast_convert_type3A_502 = tpu.bitcast %mul3A_491 : vector<16xf32> -> vector<16xi32>
      %shift_right_arithmetic3A_503 = arith.constant 22 : i32
      %shift_right_arithmetic3A_504 = vector.broadcast %shift_right_arithmetic3A_503 : i32 to vector<16xi32>
      %shift_right_arithmetic3A_505 = arith.shrsi %bitcast_convert_type3A_502, %shift_right_arithmetic3A_504 : vector<16xi32>
      %add3A_506 = arith.addi %shift_right_arithmetic3A_501, %mul3A_46 : vector<16xi32>
      %add3A_507 = arith.addi %shift_right_arithmetic3A_505, %mul3A_46 : vector<16xi32>
      tpu.vector_store_idx %arg12[%add3A_506], %sub3A_496 {add = true} : memref<8208xf32, #tpu.memory_space<vmem>>[vector<16xi32>], vector<16xf32>,
      tpu.vector_store_idx %arg13[%add3A_507], %sub3A_499 {add = true} : memref<8208xf32, #tpu.memory_space<vmem>>[vector<16xi32>], vector<16xf32>,
      %mul3A_508 = arith.mulf %mul3A_490, %sub3A_496 : vector<16xf32>
      tpu.vector_store_idx %arg14[%add3A_506], %mul3A_508 {add = true} : memref<8208xf32, #tpu.memory_space<vmem>>[vector<16xi32>], vector<16xf32>,
      %mul3A_509 = arith.mulf %mul3A_491, %sub3A_499 : vector<16xf32>
      tpu.vector_store_idx %arg15[%add3A_507], %mul3A_509 {add = true} : memref<8208xf32, #tpu.memory_space<vmem>>[vector<16xi32>], vector<16xf32>,
      scf.yield %add3A_493 : vector<16xf32>
    }
    %scan3A_400 = arith.constant 144 : i32
    %dma_wait3A_401 = tpu.memref_slice %arg2[%add3A_382] : memref<2359296xf32, #tpu.memory_space<hbm>> -> memref<4608xf32, #tpu.memory_space<hbm>>
    %dma_wait3A_402 = tpu.memref_slice %arg2[%add3A_382] : memref<2359296xf32, #tpu.memory_space<hbm>> -> memref<4608xf32, #tpu.memory_space<hbm>>
    tpu.wait_dma2 semaphore(%arg20 : memref<!tpu.dma_semaphore, #tpu.memory_space<semaphore_mem>>) src(%dma_wait3A_402 : memref<4608xf32, #tpu.memory_space<hbm>>) dst(%arg9 : memref<4608xf32, #tpu.memory_space<vmem>>)
    %dma_wait3A_403 = arith.constant 0 : i32
    %dma_wait3A_404 = tpu.memref_slice %arg3[%dma_wait3A_403] : memref<1179648xf32, #tpu.memory_space<hbm>> -> memref<4608xf32, #tpu.memory_space<hbm>>
    %dma_wait3A_405 = arith.constant 0 : i32
    %dma_wait3A_406 = tpu.memref_slice %arg3[%dma_wait3A_405] : memref<1179648xf32, #tpu.memory_space<hbm>> -> memref<4608xf32, #tpu.memory_space<hbm>>
    tpu.wait_dma2 semaphore(%arg20 : memref<!tpu.dma_semaphore, #tpu.memory_space<semaphore_mem>>) src(%dma_wait3A_406 : memref<4608xf32, #tpu.memory_space<hbm>>) dst(%arg11 : memref<4608xf32, #tpu.memory_space<vmem>>)
    %add3A_407 = arith.constant 64512 : i32
    %add3A_408 = arith.addi %add3A_38, %add3A_407 : i32
    %dma_start3A_409 = tpu.memref_slice %arg2[%add3A_408] : memref<2359296xf32, #tpu.memory_space<hbm>> -> memref<4608xf32, #tpu.memory_space<hbm>>
    %dma_start3A_410 = tpu.memref_slice %arg2[%add3A_408] : memref<2359296xf32, #tpu.memory_space<hbm>> -> memref<4608xf32, #tpu.memory_space<hbm>>
    tpu.enqueue_dma source(%dma_start3A_410 : memref<4608xf32, #tpu.memory_space<hbm>>) target(%arg8 : memref<4608xf32, #tpu.memory_space<vmem>>) target_semaphore(%arg19 : memref<!tpu.dma_semaphore, #tpu.memory_space<semaphore_mem>>)
    %eq3A_411 = arith.constant 0 : i32
    %eq3A_412 = arith.cmpi eq, %arg0, %eq3A_411 : i32
    %convert_element_type3A_413 = arith.extui %eq3A_412 : i1 to i32
    %cond3A_414 = arith.constant 0 : i32
    %cond3A_415 = arith.cmpi ne, %convert_element_type3A_413, %cond3A_414 : i32
    scf.if %cond3A_415 {
      %add3A_473 = arith.constant 64512 : i32
      %add3A_474 = arith.addi %mul3A_40, %add3A_473 : i32
      %dma_start3A_475 = tpu.memref_slice %arg3[%add3A_474] : memref<1179648xf32, #tpu.memory_space<hbm>> -> memref<4608xf32, #tpu.memory_space<hbm>>
      %dma_start3A_476 = tpu.memref_slice %arg3[%add3A_474] : memref<1179648xf32, #tpu.memory_space<hbm>> -> memref<4608xf32, #tpu.memory_space<hbm>>
      tpu.enqueue_dma source(%dma_start3A_476 : memref<4608xf32, #tpu.memory_space<hbm>>) target(%arg10 : memref<4608xf32, #tpu.memory_space<vmem>>) target_semaphore(%arg19 : memref<!tpu.dma_semaphore, #tpu.memory_space<semaphore_mem>>)
    } else {
    }
    %eq3A_416 = arith.constant 1 : i32
    %eq3A_417 = arith.cmpi eq, %arg0, %eq3A_416 : i32
    %convert_element_type3A_418 = arith.extui %eq3A_417 : i1 to i32
    %cond3A_419 = arith.constant 0 : i32
    %cond3A_420 = arith.cmpi ne, %convert_element_type3A_418, %cond3A_419 : i32
    scf.if %cond3A_420 {
      %add3A_473 = arith.constant 64512 : i32
      %add3A_474 = arith.addi %mul3A_40, %add3A_473 : i32
      %dma_start3A_475 = tpu.memref_slice %arg4[%add3A_474] : memref<1179648xf32, #tpu.memory_space<hbm>> -> memref<4608xf32, #tpu.memory_space<hbm>>
      %dma_start3A_476 = tpu.memref_slice %arg4[%add3A_474] : memref<1179648xf32, #tpu.memory_space<hbm>> -> memref<4608xf32, #tpu.memory_space<hbm>>
      tpu.enqueue_dma source(%dma_start3A_476 : memref<4608xf32, #tpu.memory_space<hbm>>) target(%arg10 : memref<4608xf32, #tpu.memory_space<vmem>>) target_semaphore(%arg19 : memref<!tpu.dma_semaphore, #tpu.memory_space<semaphore_mem>>)
    } else {
    }
    %scan3A_421 = arith.constant 0 : i32
    %scan3A_422 = arith.constant 144 : i32
    %scan3A_423 = arith.addi %scan3A_421, %scan3A_422 : i32
    %scan3A_424 = arith.constant 1 : i32
    %scan3A_425 = scf.for %scan3A_473 = %scan3A_421 to %scan3A_423 step %scan3A_424 iter_args(%scan3A_474 = %scan3A_399) -> (vector<16xf32>)  : i32 {
      %mul3A_475 = arith.constant 32 : i32
      %mul3A_476 = arith.muli %scan3A_473, %mul3A_475 : i32
      %get3A = arith.index_cast %mul3A_476 : i32 to index
      %get3A_477 = tpu.vector_load %arg9[%get3A] {strides = array<i32>} : memref<4608xf32, #tpu.memory_space<vmem>>, vector<16xf32>,
      %get3A_478 = arith.index_cast %mul3A_476 : i32 to index
      %get3A_479 = tpu.vector_load %arg11[%get3A_478] {strides = array<i32>} : memref<4608xf32, #tpu.memory_space<vmem>>, vector<16xf32>,
      %add3A_480 = arith.constant 16 : i32
      %add3A_481 = arith.addi %mul3A_476, %add3A_480 : i32
      %get3A_482 = arith.index_cast %add3A_481 : i32 to index
      %get3A_483 = tpu.vector_load %arg9[%get3A_482] {strides = array<i32>} : memref<4608xf32, #tpu.memory_space<vmem>>, vector<16xf32>,
      %add3A_484 = arith.constant 16 : i32
      %add3A_485 = arith.addi %mul3A_476, %add3A_484 : i32
      %get3A_486 = arith.index_cast %add3A_485 : i32 to index
      %get3A_487 = tpu.vector_load %arg11[%get3A_486] {strides = array<i32>} : memref<4608xf32, #tpu.memory_space<vmem>>, vector<16xf32>,
      %sub3A_488 = arith.subf %get3A_477, %get3A_479 : vector<16xf32>
      %sub3A_489 = arith.subf %get3A_483, %get3A_487 : vector<16xf32>
      %mul3A_490 = arith.mulf %sub3A_488, %sub3A_488 : vector<16xf32>
      %mul3A_491 = arith.mulf %sub3A_489, %sub3A_489 : vector<16xf32>
      %add3A_492 = arith.addf %scan3A_474, %mul3A_490 : vector<16xf32>
      %add3A_493 = arith.addf %add3A_492, %mul3A_491 : vector<16xf32>
      %sub3A_494 = arith.constant 1.000000e+00 : f32
      %sub3A_495 = vector.broadcast %sub3A_494 : f32 to vector<16xf32>
      %sub3A_496 = arith.subf %sub3A_495, %get3A_479 : vector<16xf32>
      %sub3A_497 = arith.constant 1.000000e+00 : f32
      %sub3A_498 = vector.broadcast %sub3A_497 : f32 to vector<16xf32>
      %sub3A_499 = arith.subf %sub3A_498, %get3A_487 : vector<16xf32>
      %bitcast_convert_type3A = tpu.bitcast %mul3A_490 : vector<16xf32> -> vector<16xi32>
      %shift_right_arithmetic3A = arith.constant 22 : i32
      %shift_right_arithmetic3A_500 = vector.broadcast %shift_right_arithmetic3A : i32 to vector<16xi32>
      %shift_right_arithmetic3A_501 = arith.shrsi %bitcast_convert_type3A, %shift_right_arithmetic3A_500 : vector<16xi32>
      %bitcast_convert_type3A_502 = tpu.bitcast %mul3A_491 : vector<16xf32> -> vector<16xi32>
      %shift_right_arithmetic3A_503 = arith.constant 22 : i32
      %shift_right_arithmetic3A_504 = vector.broadcast %shift_right_arithmetic3A_503 : i32 to vector<16xi32>
      %shift_right_arithmetic3A_505 = arith.shrsi %bitcast_convert_type3A_502, %shift_right_arithmetic3A_504 : vector<16xi32>
      %add3A_506 = arith.addi %shift_right_arithmetic3A_501, %mul3A_46 : vector<16xi32>
      %add3A_507 = arith.addi %shift_right_arithmetic3A_505, %mul3A_46 : vector<16xi32>
      tpu.vector_store_idx %arg12[%add3A_506], %sub3A_496 {add = true} : memref<8208xf32, #tpu.memory_space<vmem>>[vector<16xi32>], vector<16xf32>,
      tpu.vector_store_idx %arg13[%add3A_507], %sub3A_499 {add = true} : memref<8208xf32, #tpu.memory_space<vmem>>[vector<16xi32>], vector<16xf32>,
      %mul3A_508 = arith.mulf %mul3A_490, %sub3A_496 : vector<16xf32>
      tpu.vector_store_idx %arg14[%add3A_506], %mul3A_508 {add = true} : memref<8208xf32, #tpu.memory_space<vmem>>[vector<16xi32>], vector<16xf32>,
      %mul3A_509 = arith.mulf %mul3A_491, %sub3A_499 : vector<16xf32>
      tpu.vector_store_idx %arg15[%add3A_507], %mul3A_509 {add = true} : memref<8208xf32, #tpu.memory_space<vmem>>[vector<16xi32>], vector<16xf32>,
      scf.yield %add3A_493 : vector<16xf32>
    }
    %scan3A_426 = arith.constant 144 : i32
    %dma_wait3A_427 = tpu.memref_slice %arg2[%add3A_408] : memref<2359296xf32, #tpu.memory_space<hbm>> -> memref<4608xf32, #tpu.memory_space<hbm>>
    %dma_wait3A_428 = tpu.memref_slice %arg2[%add3A_408] : memref<2359296xf32, #tpu.memory_space<hbm>> -> memref<4608xf32, #tpu.memory_space<hbm>>
    tpu.wait_dma2 semaphore(%arg19 : memref<!tpu.dma_semaphore, #tpu.memory_space<semaphore_mem>>) src(%dma_wait3A_428 : memref<4608xf32, #tpu.memory_space<hbm>>) dst(%arg8 : memref<4608xf32, #tpu.memory_space<vmem>>)
    %dma_wait3A_429 = arith.constant 0 : i32
    %dma_wait3A_430 = tpu.memref_slice %arg3[%dma_wait3A_429] : memref<1179648xf32, #tpu.memory_space<hbm>> -> memref<4608xf32, #tpu.memory_space<hbm>>
    %dma_wait3A_431 = arith.constant 0 : i32
    %dma_wait3A_432 = tpu.memref_slice %arg3[%dma_wait3A_431] : memref<1179648xf32, #tpu.memory_space<hbm>> -> memref<4608xf32, #tpu.memory_space<hbm>>
    tpu.wait_dma2 semaphore(%arg19 : memref<!tpu.dma_semaphore, #tpu.memory_space<semaphore_mem>>) src(%dma_wait3A_432 : memref<4608xf32, #tpu.memory_space<hbm>>) dst(%arg10 : memref<4608xf32, #tpu.memory_space<vmem>>)
    %add3A_433 = arith.constant 69120 : i32
    %add3A_434 = arith.addi %add3A_38, %add3A_433 : i32
    %dma_start3A_435 = tpu.memref_slice %arg2[%add3A_434] : memref<2359296xf32, #tpu.memory_space<hbm>> -> memref<4608xf32, #tpu.memory_space<hbm>>
    %dma_start3A_436 = tpu.memref_slice %arg2[%add3A_434] : memref<2359296xf32, #tpu.memory_space<hbm>> -> memref<4608xf32, #tpu.memory_space<hbm>>
    tpu.enqueue_dma source(%dma_start3A_436 : memref<4608xf32, #tpu.memory_space<hbm>>) target(%arg9 : memref<4608xf32, #tpu.memory_space<vmem>>) target_semaphore(%arg20 : memref<!tpu.dma_semaphore, #tpu.memory_space<semaphore_mem>>)
    %eq3A_437 = arith.constant 0 : i32
    %eq3A_438 = arith.cmpi eq, %arg0, %eq3A_437 : i32
    %convert_element_type3A_439 = arith.extui %eq3A_438 : i1 to i32
    %cond3A_440 = arith.constant 0 : i32
    %cond3A_441 = arith.cmpi ne, %convert_element_type3A_439, %cond3A_440 : i32
    scf.if %cond3A_441 {
      %add3A_473 = arith.constant 69120 : i32
      %add3A_474 = arith.addi %mul3A_40, %add3A_473 : i32
      %dma_start3A_475 = tpu.memref_slice %arg3[%add3A_474] : memref<1179648xf32, #tpu.memory_space<hbm>> -> memref<4608xf32, #tpu.memory_space<hbm>>
      %dma_start3A_476 = tpu.memref_slice %arg3[%add3A_474] : memref<1179648xf32, #tpu.memory_space<hbm>> -> memref<4608xf32, #tpu.memory_space<hbm>>
      tpu.enqueue_dma source(%dma_start3A_476 : memref<4608xf32, #tpu.memory_space<hbm>>) target(%arg11 : memref<4608xf32, #tpu.memory_space<vmem>>) target_semaphore(%arg20 : memref<!tpu.dma_semaphore, #tpu.memory_space<semaphore_mem>>)
    } else {
    }
    %eq3A_442 = arith.constant 1 : i32
    %eq3A_443 = arith.cmpi eq, %arg0, %eq3A_442 : i32
    %convert_element_type3A_444 = arith.extui %eq3A_443 : i1 to i32
    %cond3A_445 = arith.constant 0 : i32
    %cond3A_446 = arith.cmpi ne, %convert_element_type3A_444, %cond3A_445 : i32
    scf.if %cond3A_446 {
      %add3A_473 = arith.constant 69120 : i32
      %add3A_474 = arith.addi %mul3A_40, %add3A_473 : i32
      %dma_start3A_475 = tpu.memref_slice %arg4[%add3A_474] : memref<1179648xf32, #tpu.memory_space<hbm>> -> memref<4608xf32, #tpu.memory_space<hbm>>
      %dma_start3A_476 = tpu.memref_slice %arg4[%add3A_474] : memref<1179648xf32, #tpu.memory_space<hbm>> -> memref<4608xf32, #tpu.memory_space<hbm>>
      tpu.enqueue_dma source(%dma_start3A_476 : memref<4608xf32, #tpu.memory_space<hbm>>) target(%arg11 : memref<4608xf32, #tpu.memory_space<vmem>>) target_semaphore(%arg20 : memref<!tpu.dma_semaphore, #tpu.memory_space<semaphore_mem>>)
    } else {
    }
    %scan3A_447 = arith.constant 0 : i32
    %scan3A_448 = arith.constant 144 : i32
    %scan3A_449 = arith.addi %scan3A_447, %scan3A_448 : i32
    %scan3A_450 = arith.constant 1 : i32
    %scan3A_451 = scf.for %scan3A_473 = %scan3A_447 to %scan3A_449 step %scan3A_450 iter_args(%scan3A_474 = %scan3A_425) -> (vector<16xf32>)  : i32 {
      %mul3A_475 = arith.constant 32 : i32
      %mul3A_476 = arith.muli %scan3A_473, %mul3A_475 : i32
      %get3A = arith.index_cast %mul3A_476 : i32 to index
      %get3A_477 = tpu.vector_load %arg8[%get3A] {strides = array<i32>} : memref<4608xf32, #tpu.memory_space<vmem>>, vector<16xf32>,
      %get3A_478 = arith.index_cast %mul3A_476 : i32 to index
      %get3A_479 = tpu.vector_load %arg10[%get3A_478] {strides = array<i32>} : memref<4608xf32, #tpu.memory_space<vmem>>, vector<16xf32>,
      %add3A_480 = arith.constant 16 : i32
      %add3A_481 = arith.addi %mul3A_476, %add3A_480 : i32
      %get3A_482 = arith.index_cast %add3A_481 : i32 to index
      %get3A_483 = tpu.vector_load %arg8[%get3A_482] {strides = array<i32>} : memref<4608xf32, #tpu.memory_space<vmem>>, vector<16xf32>,
      %add3A_484 = arith.constant 16 : i32
      %add3A_485 = arith.addi %mul3A_476, %add3A_484 : i32
      %get3A_486 = arith.index_cast %add3A_485 : i32 to index
      %get3A_487 = tpu.vector_load %arg10[%get3A_486] {strides = array<i32>} : memref<4608xf32, #tpu.memory_space<vmem>>, vector<16xf32>,
      %sub3A_488 = arith.subf %get3A_477, %get3A_479 : vector<16xf32>
      %sub3A_489 = arith.subf %get3A_483, %get3A_487 : vector<16xf32>
      %mul3A_490 = arith.mulf %sub3A_488, %sub3A_488 : vector<16xf32>
      %mul3A_491 = arith.mulf %sub3A_489, %sub3A_489 : vector<16xf32>
      %add3A_492 = arith.addf %scan3A_474, %mul3A_490 : vector<16xf32>
      %add3A_493 = arith.addf %add3A_492, %mul3A_491 : vector<16xf32>
      %sub3A_494 = arith.constant 1.000000e+00 : f32
      %sub3A_495 = vector.broadcast %sub3A_494 : f32 to vector<16xf32>
      %sub3A_496 = arith.subf %sub3A_495, %get3A_479 : vector<16xf32>
      %sub3A_497 = arith.constant 1.000000e+00 : f32
      %sub3A_498 = vector.broadcast %sub3A_497 : f32 to vector<16xf32>
      %sub3A_499 = arith.subf %sub3A_498, %get3A_487 : vector<16xf32>
      %bitcast_convert_type3A = tpu.bitcast %mul3A_490 : vector<16xf32> -> vector<16xi32>
      %shift_right_arithmetic3A = arith.constant 22 : i32
      %shift_right_arithmetic3A_500 = vector.broadcast %shift_right_arithmetic3A : i32 to vector<16xi32>
      %shift_right_arithmetic3A_501 = arith.shrsi %bitcast_convert_type3A, %shift_right_arithmetic3A_500 : vector<16xi32>
      %bitcast_convert_type3A_502 = tpu.bitcast %mul3A_491 : vector<16xf32> -> vector<16xi32>
      %shift_right_arithmetic3A_503 = arith.constant 22 : i32
      %shift_right_arithmetic3A_504 = vector.broadcast %shift_right_arithmetic3A_503 : i32 to vector<16xi32>
      %shift_right_arithmetic3A_505 = arith.shrsi %bitcast_convert_type3A_502, %shift_right_arithmetic3A_504 : vector<16xi32>
      %add3A_506 = arith.addi %shift_right_arithmetic3A_501, %mul3A_46 : vector<16xi32>
      %add3A_507 = arith.addi %shift_right_arithmetic3A_505, %mul3A_46 : vector<16xi32>
      tpu.vector_store_idx %arg12[%add3A_506], %sub3A_496 {add = true} : memref<8208xf32, #tpu.memory_space<vmem>>[vector<16xi32>], vector<16xf32>,
      tpu.vector_store_idx %arg13[%add3A_507], %sub3A_499 {add = true} : memref<8208xf32, #tpu.memory_space<vmem>>[vector<16xi32>], vector<16xf32>,
      %mul3A_508 = arith.mulf %mul3A_490, %sub3A_496 : vector<16xf32>
      tpu.vector_store_idx %arg14[%add3A_506], %mul3A_508 {add = true} : memref<8208xf32, #tpu.memory_space<vmem>>[vector<16xi32>], vector<16xf32>,
      %mul3A_509 = arith.mulf %mul3A_491, %sub3A_499 : vector<16xf32>
      tpu.vector_store_idx %arg15[%add3A_507], %mul3A_509 {add = true} : memref<8208xf32, #tpu.memory_space<vmem>>[vector<16xi32>], vector<16xf32>,
      scf.yield %add3A_493 : vector<16xf32>
    }
    %scan3A_452 = arith.constant 144 : i32
    %dma_wait3A_453 = tpu.memref_slice %arg2[%add3A_434] : memref<2359296xf32, #tpu.memory_space<hbm>> -> memref<4608xf32, #tpu.memory_space<hbm>>
    %dma_wait3A_454 = tpu.memref_slice %arg2[%add3A_434] : memref<2359296xf32, #tpu.memory_space<hbm>> -> memref<4608xf32, #tpu.memory_space<hbm>>
    tpu.wait_dma2 semaphore(%arg20 : memref<!tpu.dma_semaphore, #tpu.memory_space<semaphore_mem>>) src(%dma_wait3A_454 : memref<4608xf32, #tpu.memory_space<hbm>>) dst(%arg9 : memref<4608xf32, #tpu.memory_space<vmem>>)
    %dma_wait3A_455 = arith.constant 0 : i32
    %dma_wait3A_456 = tpu.memref_slice %arg3[%dma_wait3A_455] : memref<1179648xf32, #tpu.memory_space<hbm>> -> memref<4608xf32, #tpu.memory_space<hbm>>
    %dma_wait3A_457 = arith.constant 0 : i32
    %dma_wait3A_458 = tpu.memref_slice %arg3[%dma_wait3A_457] : memref<1179648xf32, #tpu.memory_space<hbm>> -> memref<4608xf32, #tpu.memory_space<hbm>>
    tpu.wait_dma2 semaphore(%arg20 : memref<!tpu.dma_semaphore, #tpu.memory_space<semaphore_mem>>) src(%dma_wait3A_458 : memref<4608xf32, #tpu.memory_space<hbm>>) dst(%arg11 : memref<4608xf32, #tpu.memory_space<vmem>>)
    %scan3A_459 = arith.constant 0 : i32
    %scan3A_460 = arith.constant 144 : i32
    %scan3A_461 = arith.addi %scan3A_459, %scan3A_460 : i32
    %scan3A_462 = arith.constant 1 : i32
    %scan3A_463 = scf.for %scan3A_473 = %scan3A_459 to %scan3A_461 step %scan3A_462 iter_args(%scan3A_474 = %scan3A_451) -> (vector<16xf32>)  : i32 {
      %mul3A_475 = arith.constant 32 : i32
      %mul3A_476 = arith.muli %scan3A_473, %mul3A_475 : i32
      %get3A = arith.index_cast %mul3A_476 : i32 to index
      %get3A_477 = tpu.vector_load %arg9[%get3A] {strides = array<i32>} : memref<4608xf32, #tpu.memory_space<vmem>>, vector<16xf32>,
      %get3A_478 = arith.index_cast %mul3A_476 : i32 to index
      %get3A_479 = tpu.vector_load %arg11[%get3A_478] {strides = array<i32>} : memref<4608xf32, #tpu.memory_space<vmem>>, vector<16xf32>,
      %add3A_480 = arith.constant 16 : i32
      %add3A_481 = arith.addi %mul3A_476, %add3A_480 : i32
      %get3A_482 = arith.index_cast %add3A_481 : i32 to index
      %get3A_483 = tpu.vector_load %arg9[%get3A_482] {strides = array<i32>} : memref<4608xf32, #tpu.memory_space<vmem>>, vector<16xf32>,
      %add3A_484 = arith.constant 16 : i32
      %add3A_485 = arith.addi %mul3A_476, %add3A_484 : i32
      %get3A_486 = arith.index_cast %add3A_485 : i32 to index
      %get3A_487 = tpu.vector_load %arg11[%get3A_486] {strides = array<i32>} : memref<4608xf32, #tpu.memory_space<vmem>>, vector<16xf32>,
      %sub3A_488 = arith.subf %get3A_477, %get3A_479 : vector<16xf32>
      %sub3A_489 = arith.subf %get3A_483, %get3A_487 : vector<16xf32>
      %mul3A_490 = arith.mulf %sub3A_488, %sub3A_488 : vector<16xf32>
      %mul3A_491 = arith.mulf %sub3A_489, %sub3A_489 : vector<16xf32>
      %add3A_492 = arith.addf %scan3A_474, %mul3A_490 : vector<16xf32>
      %add3A_493 = arith.addf %add3A_492, %mul3A_491 : vector<16xf32>
      %sub3A_494 = arith.constant 1.000000e+00 : f32
      %sub3A_495 = vector.broadcast %sub3A_494 : f32 to vector<16xf32>
      %sub3A_496 = arith.subf %sub3A_495, %get3A_479 : vector<16xf32>
      %sub3A_497 = arith.constant 1.000000e+00 : f32
      %sub3A_498 = vector.broadcast %sub3A_497 : f32 to vector<16xf32>
      %sub3A_499 = arith.subf %sub3A_498, %get3A_487 : vector<16xf32>
      %bitcast_convert_type3A = tpu.bitcast %mul3A_490 : vector<16xf32> -> vector<16xi32>
      %shift_right_arithmetic3A = arith.constant 22 : i32
      %shift_right_arithmetic3A_500 = vector.broadcast %shift_right_arithmetic3A : i32 to vector<16xi32>
      %shift_right_arithmetic3A_501 = arith.shrsi %bitcast_convert_type3A, %shift_right_arithmetic3A_500 : vector<16xi32>
      %bitcast_convert_type3A_502 = tpu.bitcast %mul3A_491 : vector<16xf32> -> vector<16xi32>
      %shift_right_arithmetic3A_503 = arith.constant 22 : i32
      %shift_right_arithmetic3A_504 = vector.broadcast %shift_right_arithmetic3A_503 : i32 to vector<16xi32>
      %shift_right_arithmetic3A_505 = arith.shrsi %bitcast_convert_type3A_502, %shift_right_arithmetic3A_504 : vector<16xi32>
      %add3A_506 = arith.addi %shift_right_arithmetic3A_501, %mul3A_46 : vector<16xi32>
      %add3A_507 = arith.addi %shift_right_arithmetic3A_505, %mul3A_46 : vector<16xi32>
      tpu.vector_store_idx %arg12[%add3A_506], %sub3A_496 {add = true} : memref<8208xf32, #tpu.memory_space<vmem>>[vector<16xi32>], vector<16xf32>,
      tpu.vector_store_idx %arg13[%add3A_507], %sub3A_499 {add = true} : memref<8208xf32, #tpu.memory_space<vmem>>[vector<16xi32>], vector<16xf32>,
      %mul3A_508 = arith.mulf %mul3A_490, %sub3A_496 : vector<16xf32>
      tpu.vector_store_idx %arg14[%add3A_506], %mul3A_508 {add = true} : memref<8208xf32, #tpu.memory_space<vmem>>[vector<16xi32>], vector<16xf32>,
      %mul3A_509 = arith.mulf %mul3A_491, %sub3A_499 : vector<16xf32>
      tpu.vector_store_idx %arg15[%add3A_507], %mul3A_509 {add = true} : memref<8208xf32, #tpu.memory_space<vmem>>[vector<16xi32>], vector<16xf32>,
      scf.yield %add3A_493 : vector<16xf32>
    }
    %scan3A_464 = arith.constant 144 : i32
    %scan3A_465 = arith.constant 0 : i32
    %scan3A_466 = arith.constant 0 : i32
    %scan3A_467 = arith.constant 32 : i32
    %scan3A_468 = arith.addi %scan3A_466, %scan3A_467 : i32
    %scan3A_469 = arith.constant 1 : i32
    %scan3A_470 = scf.for %scan3A_473 = %scan3A_466 to %scan3A_468 step %scan3A_469 iter_args(%scan3A_474 = %scan3A_465) -> (i32)  : i32 {
      %mul3A_475 = arith.constant 16 : i32
      %mul3A_476 = arith.muli %scan3A_473, %mul3A_475 : i32
      %get3A = arith.index_cast %mul3A_476 : i32 to index
      %get3A_477 = tpu.vector_load %arg12[%get3A] {strides = array<i32>} : memref<8208xf32, #tpu.memory_space<vmem>>, vector<16xf32>,
      %mul3A_478 = arith.constant 16 : i32
      %mul3A_479 = arith.muli %scan3A_473, %mul3A_478 : i32
      %get3A_480 = arith.index_cast %mul3A_479 : i32 to index
      %get3A_481 = tpu.vector_load %arg13[%get3A_480] {strides = array<i32>} : memref<8208xf32, #tpu.memory_space<vmem>>, vector<16xf32>,
      %add3A_482 = arith.addf %get3A_477, %get3A_481 : vector<16xf32>
      %mul3A_483 = arith.constant 16 : i32
      %mul3A_484 = arith.muli %scan3A_473, %mul3A_483 : i32
      %get3A_485 = arith.index_cast %mul3A_484 : i32 to index
      %get3A_486 = tpu.vector_load %arg14[%get3A_485] {strides = array<i32>} : memref<8208xf32, #tpu.memory_space<vmem>>, vector<16xf32>,
      %mul3A_487 = arith.constant 16 : i32
      %mul3A_488 = arith.muli %scan3A_473, %mul3A_487 : i32
      %get3A_489 = arith.index_cast %mul3A_488 : i32 to index
      %get3A_490 = tpu.vector_load %arg15[%get3A_489] {strides = array<i32>} : memref<8208xf32, #tpu.memory_space<vmem>>, vector<16xf32>,
      %add3A_491 = arith.addf %get3A_486, %get3A_490 : vector<16xf32>
      %mul3A_492 = arith.constant 16 : i32
      %mul3A_493 = arith.muli %scan3A_473, %mul3A_492 : i32
      %add3A_494 = arith.constant 513 : i32
      %add3A_495 = arith.addi %add3A_494, %mul3A_493 : i32
      %get3A_496 = arith.index_cast %add3A_495 : i32 to index
      %get3A_497 = tpu.vector_load %arg12[%get3A_496] {strides = array<i32>} : memref<8208xf32, #tpu.memory_space<vmem>>, vector<16xf32>,
      %add3A_498 = arith.addf %add3A_482, %get3A_497 : vector<16xf32>
      %get3A_499 = arith.index_cast %add3A_495 : i32 to index
      %get3A_500 = tpu.vector_load %arg13[%get3A_499] {strides = array<i32>} : memref<8208xf32, #tpu.memory_space<vmem>>, vector<16xf32>,
      %add3A_501 = arith.addf %add3A_498, %get3A_500 : vector<16xf32>
      %get3A_502 = arith.index_cast %add3A_495 : i32 to index
      %get3A_503 = tpu.vector_load %arg14[%get3A_502] {strides = array<i32>} : memref<8208xf32, #tpu.memory_space<vmem>>, vector<16xf32>,
      %add3A_504 = arith.addf %add3A_491, %get3A_503 : vector<16xf32>
      %get3A_505 = arith.index_cast %add3A_495 : i32 to index
      %get3A_506 = tpu.vector_load %arg15[%get3A_505] {strides = array<i32>} : memref<8208xf32, #tpu.memory_space<vmem>>, vector<16xf32>,
      %add3A_507 = arith.addf %add3A_504, %get3A_506 : vector<16xf32>
      %mul3A_508 = arith.constant 16 : i32
      %mul3A_509 = arith.muli %scan3A_473, %mul3A_508 : i32
      %add3A_510 = arith.constant 1026 : i32
      %add3A_511 = arith.addi %add3A_510, %mul3A_509 : i32
      %get3A_512 = arith.index_cast %add3A_511 : i32 to index
      %get3A_513 = tpu.vector_load %arg12[%get3A_512] {strides = array<i32>} : memref<8208xf32, #tpu.memory_space<vmem>>, vector<16xf32>,
      %add3A_514 = arith.addf %add3A_501, %get3A_513 : vector<16xf32>
      %get3A_515 = arith.index_cast %add3A_511 : i32 to index
      %get3A_516 = tpu.vector_load %arg13[%get3A_515] {strides = array<i32>} : memref<8208xf32, #tpu.memory_space<vmem>>, vector<16xf32>,
      %add3A_517 = arith.addf %add3A_514, %get3A_516 : vector<16xf32>
      %get3A_518 = arith.index_cast %add3A_511 : i32 to index
      %get3A_519 = tpu.vector_load %arg14[%get3A_518] {strides = array<i32>} : memref<8208xf32, #tpu.memory_space<vmem>>, vector<16xf32>,
      %add3A_520 = arith.addf %add3A_507, %get3A_519 : vector<16xf32>
      %get3A_521 = arith.index_cast %add3A_511 : i32 to index
      %get3A_522 = tpu.vector_load %arg15[%get3A_521] {strides = array<i32>} : memref<8208xf32, #tpu.memory_space<vmem>>, vector<16xf32>,
      %add3A_523 = arith.addf %add3A_520, %get3A_522 : vector<16xf32>
      %mul3A_524 = arith.constant 16 : i32
      %mul3A_525 = arith.muli %scan3A_473, %mul3A_524 : i32
      %add3A_526 = arith.constant 1539 : i32
      %add3A_527 = arith.addi %add3A_526, %mul3A_525 : i32
      %get3A_528 = arith.index_cast %add3A_527 : i32 to index
      %get3A_529 = tpu.vector_load %arg12[%get3A_528] {strides = array<i32>} : memref<8208xf32, #tpu.memory_space<vmem>>, vector<16xf32>,
      %add3A_530 = arith.addf %add3A_517, %get3A_529 : vector<16xf32>
      %get3A_531 = arith.index_cast %add3A_527 : i32 to index
      %get3A_532 = tpu.vector_load %arg13[%get3A_531] {strides = array<i32>} : memref<8208xf32, #tpu.memory_space<vmem>>, vector<16xf32>,
      %add3A_533 = arith.addf %add3A_530, %get3A_532 : vector<16xf32>
      %get3A_534 = arith.index_cast %add3A_527 : i32 to index
      %get3A_535 = tpu.vector_load %arg14[%get3A_534] {strides = array<i32>} : memref<8208xf32, #tpu.memory_space<vmem>>, vector<16xf32>,
      %add3A_536 = arith.addf %add3A_523, %get3A_535 : vector<16xf32>
      %get3A_537 = arith.index_cast %add3A_527 : i32 to index
      %get3A_538 = tpu.vector_load %arg15[%get3A_537] {strides = array<i32>} : memref<8208xf32, #tpu.memory_space<vmem>>, vector<16xf32>,
      %add3A_539 = arith.addf %add3A_536, %get3A_538 : vector<16xf32>
      %mul3A_540 = arith.constant 16 : i32
      %mul3A_541 = arith.muli %scan3A_473, %mul3A_540 : i32
      %add3A_542 = arith.constant 2052 : i32
      %add3A_543 = arith.addi %add3A_542, %mul3A_541 : i32
      %get3A_544 = arith.index_cast %add3A_543 : i32 to index
      %get3A_545 = tpu.vector_load %arg12[%get3A_544] {strides = array<i32>} : memref<8208xf32, #tpu.memory_space<vmem>>, vector<16xf32>,
      %add3A_546 = arith.addf %add3A_533, %get3A_545 : vector<16xf32>
      %get3A_547 = arith.index_cast %add3A_543 : i32 to index
      %get3A_548 = tpu.vector_load %arg13[%get3A_547] {strides = array<i32>} : memref<8208xf32, #tpu.memory_space<vmem>>, vector<16xf32>,
      %add3A_549 = arith.addf %add3A_546, %get3A_548 : vector<16xf32>
      %get3A_550 = arith.index_cast %add3A_543 : i32 to index
      %get3A_551 = tpu.vector_load %arg14[%get3A_550] {strides = array<i32>} : memref<8208xf32, #tpu.memory_space<vmem>>, vector<16xf32>,
      %add3A_552 = arith.addf %add3A_539, %get3A_551 : vector<16xf32>
      %get3A_553 = arith.index_cast %add3A_543 : i32 to index
      %get3A_554 = tpu.vector_load %arg15[%get3A_553] {strides = array<i32>} : memref<8208xf32, #tpu.memory_space<vmem>>, vector<16xf32>,
      %add3A_555 = arith.addf %add3A_552, %get3A_554 : vector<16xf32>
      %mul3A_556 = arith.constant 16 : i32
      %mul3A_557 = arith.muli %scan3A_473, %mul3A_556 : i32
      %add3A_558 = arith.constant 2565 : i32
      %add3A_559 = arith.addi %add3A_558, %mul3A_557 : i32
      %get3A_560 = arith.index_cast %add3A_559 : i32 to index
      %get3A_561 = tpu.vector_load %arg12[%get3A_560] {strides = array<i32>} : memref<8208xf32, #tpu.memory_space<vmem>>, vector<16xf32>,
      %add3A_562 = arith.addf %add3A_549, %get3A_561 : vector<16xf32>
      %get3A_563 = arith.index_cast %add3A_559 : i32 to index
      %get3A_564 = tpu.vector_load %arg13[%get3A_563] {strides = array<i32>} : memref<8208xf32, #tpu.memory_space<vmem>>, vector<16xf32>,
      %add3A_565 = arith.addf %add3A_562, %get3A_564 : vector<16xf32>
      %get3A_566 = arith.index_cast %add3A_559 : i32 to index
      %get3A_567 = tpu.vector_load %arg14[%get3A_566] {strides = array<i32>} : memref<8208xf32, #tpu.memory_space<vmem>>, vector<16xf32>,
      %add3A_568 = arith.addf %add3A_555, %get3A_567 : vector<16xf32>
      %get3A_569 = arith.index_cast %add3A_559 : i32 to index
      %get3A_570 = tpu.vector_load %arg15[%get3A_569] {strides = array<i32>} : memref<8208xf32, #tpu.memory_space<vmem>>, vector<16xf32>,
      %add3A_571 = arith.addf %add3A_568, %get3A_570 : vector<16xf32>
      %mul3A_572 = arith.constant 16 : i32
      %mul3A_573 = arith.muli %scan3A_473, %mul3A_572 : i32
      %add3A_574 = arith.constant 3078 : i32
      %add3A_575 = arith.addi %add3A_574, %mul3A_573 : i32
      %get3A_576 = arith.index_cast %add3A_575 : i32 to index
      %get3A_577 = tpu.vector_load %arg12[%get3A_576] {strides = array<i32>} : memref<8208xf32, #tpu.memory_space<vmem>>, vector<16xf32>,
      %add3A_578 = arith.addf %add3A_565, %get3A_577 : vector<16xf32>
      %get3A_579 = arith.index_cast %add3A_575 : i32 to index
      %get3A_580 = tpu.vector_load %arg13[%get3A_579] {strides = array<i32>} : memref<8208xf32, #tpu.memory_space<vmem>>, vector<16xf32>,
      %add3A_581 = arith.addf %add3A_578, %get3A_580 : vector<16xf32>
      %get3A_582 = arith.index_cast %add3A_575 : i32 to index
      %get3A_583 = tpu.vector_load %arg14[%get3A_582] {strides = array<i32>} : memref<8208xf32, #tpu.memory_space<vmem>>, vector<16xf32>,
      %add3A_584 = arith.addf %add3A_571, %get3A_583 : vector<16xf32>
      %get3A_585 = arith.index_cast %add3A_575 : i32 to index
      %get3A_586 = tpu.vector_load %arg15[%get3A_585] {strides = array<i32>} : memref<8208xf32, #tpu.memory_space<vmem>>, vector<16xf32>,
      %add3A_587 = arith.addf %add3A_584, %get3A_586 : vector<16xf32>
      %mul3A_588 = arith.constant 16 : i32
      %mul3A_589 = arith.muli %scan3A_473, %mul3A_588 : i32
      %add3A_590 = arith.constant 3591 : i32
      %add3A_591 = arith.addi %add3A_590, %mul3A_589 : i32
      %get3A_592 = arith.index_cast %add3A_591 : i32 to index
      %get3A_593 = tpu.vector_load %arg12[%get3A_592] {strides = array<i32>} : memref<8208xf32, #tpu.memory_space<vmem>>, vector<16xf32>,
      %add3A_594 = arith.addf %add3A_581, %get3A_593 : vector<16xf32>
      %get3A_595 = arith.index_cast %add3A_591 : i32 to index
      %get3A_596 = tpu.vector_load %arg13[%get3A_595] {strides = array<i32>} : memref<8208xf32, #tpu.memory_space<vmem>>, vector<16xf32>,
      %add3A_597 = arith.addf %add3A_594, %get3A_596 : vector<16xf32>
      %get3A_598 = arith.index_cast %add3A_591 : i32 to index
      %get3A_599 = tpu.vector_load %arg14[%get3A_598] {strides = array<i32>} : memref<8208xf32, #tpu.memory_space<vmem>>, vector<16xf32>,
      %add3A_600 = arith.addf %add3A_587, %get3A_599 : vector<16xf32>
      %get3A_601 = arith.index_cast %add3A_591 : i32 to index
      %get3A_602 = tpu.vector_load %arg15[%get3A_601] {strides = array<i32>} : memref<8208xf32, #tpu.memory_space<vmem>>, vector<16xf32>,
      %add3A_603 = arith.addf %add3A_600, %get3A_602 : vector<16xf32>
      %mul3A_604 = arith.constant 16 : i32
      %mul3A_605 = arith.muli %scan3A_473, %mul3A_604 : i32
      %add3A_606 = arith.constant 4104 : i32
      %add3A_607 = arith.addi %add3A_606, %mul3A_605 : i32
      %get3A_608 = arith.index_cast %add3A_607 : i32 to index
      %get3A_609 = tpu.vector_load %arg12[%get3A_608] {strides = array<i32>} : memref<8208xf32, #tpu.memory_space<vmem>>, vector<16xf32>,
      %add3A_610 = arith.addf %add3A_597, %get3A_609 : vector<16xf32>
      %get3A_611 = arith.index_cast %add3A_607 : i32 to index
      %get3A_612 = tpu.vector_load %arg13[%get3A_611] {strides = array<i32>} : memref<8208xf32, #tpu.memory_space<vmem>>, vector<16xf32>,
      %add3A_613 = arith.addf %add3A_610, %get3A_612 : vector<16xf32>
      %get3A_614 = arith.index_cast %add3A_607 : i32 to index
      %get3A_615 = tpu.vector_load %arg14[%get3A_614] {strides = array<i32>} : memref<8208xf32, #tpu.memory_space<vmem>>, vector<16xf32>,
      %add3A_616 = arith.addf %add3A_603, %get3A_615 : vector<16xf32>
      %get3A_617 = arith.index_cast %add3A_607 : i32 to index
      %get3A_618 = tpu.vector_load %arg15[%get3A_617] {strides = array<i32>} : memref<8208xf32, #tpu.memory_space<vmem>>, vector<16xf32>,
      %add3A_619 = arith.addf %add3A_616, %get3A_618 : vector<16xf32>
      %mul3A_620 = arith.constant 16 : i32
      %mul3A_621 = arith.muli %scan3A_473, %mul3A_620 : i32
      %add3A_622 = arith.constant 4617 : i32
      %add3A_623 = arith.addi %add3A_622, %mul3A_621 : i32
      %get3A_624 = arith.index_cast %add3A_623 : i32 to index
      %get3A_625 = tpu.vector_load %arg12[%get3A_624] {strides = array<i32>} : memref<8208xf32, #tpu.memory_space<vmem>>, vector<16xf32>,
      %add3A_626 = arith.addf %add3A_613, %get3A_625 : vector<16xf32>
      %get3A_627 = arith.index_cast %add3A_623 : i32 to index
      %get3A_628 = tpu.vector_load %arg13[%get3A_627] {strides = array<i32>} : memref<8208xf32, #tpu.memory_space<vmem>>, vector<16xf32>,
      %add3A_629 = arith.addf %add3A_626, %get3A_628 : vector<16xf32>
      %get3A_630 = arith.index_cast %add3A_623 : i32 to index
      %get3A_631 = tpu.vector_load %arg14[%get3A_630] {strides = array<i32>} : memref<8208xf32, #tpu.memory_space<vmem>>, vector<16xf32>,
      %add3A_632 = arith.addf %add3A_619, %get3A_631 : vector<16xf32>
      %get3A_633 = arith.index_cast %add3A_623 : i32 to index
      %get3A_634 = tpu.vector_load %arg15[%get3A_633] {strides = array<i32>} : memref<8208xf32, #tpu.memory_space<vmem>>, vector<16xf32>,
      %add3A_635 = arith.addf %add3A_632, %get3A_634 : vector<16xf32>
      %mul3A_636 = arith.constant 16 : i32
      %mul3A_637 = arith.muli %scan3A_473, %mul3A_636 : i32
      %add3A_638 = arith.constant 5130 : i32
      %add3A_639 = arith.addi %add3A_638, %mul3A_637 : i32
      %get3A_640 = arith.index_cast %add3A_639 : i32 to index
      %get3A_641 = tpu.vector_load %arg12[%get3A_640] {strides = array<i32>} : memref<8208xf32, #tpu.memory_space<vmem>>, vector<16xf32>,
      %add3A_642 = arith.addf %add3A_629, %get3A_641 : vector<16xf32>
      %get3A_643 = arith.index_cast %add3A_639 : i32 to index
      %get3A_644 = tpu.vector_load %arg13[%get3A_643] {strides = array<i32>} : memref<8208xf32, #tpu.memory_space<vmem>>, vector<16xf32>,
      %add3A_645 = arith.addf %add3A_642, %get3A_644 : vector<16xf32>
      %get3A_646 = arith.index_cast %add3A_639 : i32 to index
      %get3A_647 = tpu.vector_load %arg14[%get3A_646] {strides = array<i32>} : memref<8208xf32, #tpu.memory_space<vmem>>, vector<16xf32>,
      %add3A_648 = arith.addf %add3A_635, %get3A_647 : vector<16xf32>
      %get3A_649 = arith.index_cast %add3A_639 : i32 to index
      %get3A_650 = tpu.vector_load %arg15[%get3A_649] {strides = array<i32>} : memref<8208xf32, #tpu.memory_space<vmem>>, vector<16xf32>,
      %add3A_651 = arith.addf %add3A_648, %get3A_650 : vector<16xf32>
      %mul3A_652 = arith.constant 16 : i32
      %mul3A_653 = arith.muli %scan3A_473, %mul3A_652 : i32
      %add3A_654 = arith.constant 5643 : i32
      %add3A_655 = arith.addi %add3A_654, %mul3A_653 : i32
      %get3A_656 = arith.index_cast %add3A_655 : i32 to index
      %get3A_657 = tpu.vector_load %arg12[%get3A_656] {strides = array<i32>} : memref<8208xf32, #tpu.memory_space<vmem>>, vector<16xf32>,
      %add3A_658 = arith.addf %add3A_645, %get3A_657 : vector<16xf32>
      %get3A_659 = arith.index_cast %add3A_655 : i32 to index
      %get3A_660 = tpu.vector_load %arg13[%get3A_659] {strides = array<i32>} : memref<8208xf32, #tpu.memory_space<vmem>>, vector<16xf32>,
      %add3A_661 = arith.addf %add3A_658, %get3A_660 : vector<16xf32>
      %get3A_662 = arith.index_cast %add3A_655 : i32 to index
      %get3A_663 = tpu.vector_load %arg14[%get3A_662] {strides = array<i32>} : memref<8208xf32, #tpu.memory_space<vmem>>, vector<16xf32>,
      %add3A_664 = arith.addf %add3A_651, %get3A_663 : vector<16xf32>
      %get3A_665 = arith.index_cast %add3A_655 : i32 to index
      %get3A_666 = tpu.vector_load %arg15[%get3A_665] {strides = array<i32>} : memref<8208xf32, #tpu.memory_space<vmem>>, vector<16xf32>,
      %add3A_667 = arith.addf %add3A_664, %get3A_666 : vector<16xf32>
      %mul3A_668 = arith.constant 16 : i32
      %mul3A_669 = arith.muli %scan3A_473, %mul3A_668 : i32
      %add3A_670 = arith.constant 6156 : i32
      %add3A_671 = arith.addi %add3A_670, %mul3A_669 : i32
      %get3A_672 = arith.index_cast %add3A_671 : i32 to index
      %get3A_673 = tpu.vector_load %arg12[%get3A_672] {strides = array<i32>} : memref<8208xf32, #tpu.memory_space<vmem>>, vector<16xf32>,
      %add3A_674 = arith.addf %add3A_661, %get3A_673 : vector<16xf32>
      %get3A_675 = arith.index_cast %add3A_671 : i32 to index
      %get3A_676 = tpu.vector_load %arg13[%get3A_675] {strides = array<i32>} : memref<8208xf32, #tpu.memory_space<vmem>>, vector<16xf32>,
      %add3A_677 = arith.addf %add3A_674, %get3A_676 : vector<16xf32>
      %get3A_678 = arith.index_cast %add3A_671 : i32 to index
      %get3A_679 = tpu.vector_load %arg14[%get3A_678] {strides = array<i32>} : memref<8208xf32, #tpu.memory_space<vmem>>, vector<16xf32>,
      %add3A_680 = arith.addf %add3A_667, %get3A_679 : vector<16xf32>
      %get3A_681 = arith.index_cast %add3A_671 : i32 to index
      %get3A_682 = tpu.vector_load %arg15[%get3A_681] {strides = array<i32>} : memref<8208xf32, #tpu.memory_space<vmem>>, vector<16xf32>,
      %add3A_683 = arith.addf %add3A_680, %get3A_682 : vector<16xf32>
      %mul3A_684 = arith.constant 16 : i32
      %mul3A_685 = arith.muli %scan3A_473, %mul3A_684 : i32
      %add3A_686 = arith.constant 6669 : i32
      %add3A_687 = arith.addi %add3A_686, %mul3A_685 : i32
      %get3A_688 = arith.index_cast %add3A_687 : i32 to index
      %get3A_689 = tpu.vector_load %arg12[%get3A_688] {strides = array<i32>} : memref<8208xf32, #tpu.memory_space<vmem>>, vector<16xf32>,
      %add3A_690 = arith.addf %add3A_677, %get3A_689 : vector<16xf32>
      %get3A_691 = arith.index_cast %add3A_687 : i32 to index
      %get3A_692 = tpu.vector_load %arg13[%get3A_691] {strides = array<i32>} : memref<8208xf32, #tpu.memory_space<vmem>>, vector<16xf32>,
      %add3A_693 = arith.addf %add3A_690, %get3A_692 : vector<16xf32>
      %get3A_694 = arith.index_cast %add3A_687 : i32 to index
      %get3A_695 = tpu.vector_load %arg14[%get3A_694] {strides = array<i32>} : memref<8208xf32, #tpu.memory_space<vmem>>, vector<16xf32>,
      %add3A_696 = arith.addf %add3A_683, %get3A_695 : vector<16xf32>
      %get3A_697 = arith.index_cast %add3A_687 : i32 to index
      %get3A_698 = tpu.vector_load %arg15[%get3A_697] {strides = array<i32>} : memref<8208xf32, #tpu.memory_space<vmem>>, vector<16xf32>,
      %add3A_699 = arith.addf %add3A_696, %get3A_698 : vector<16xf32>
      %mul3A_700 = arith.constant 16 : i32
      %mul3A_701 = arith.muli %scan3A_473, %mul3A_700 : i32
      %add3A_702 = arith.constant 7182 : i32
      %add3A_703 = arith.addi %add3A_702, %mul3A_701 : i32
      %get3A_704 = arith.index_cast %add3A_703 : i32 to index
      %get3A_705 = tpu.vector_load %arg12[%get3A_704] {strides = array<i32>} : memref<8208xf32, #tpu.memory_space<vmem>>, vector<16xf32>,
      %add3A_706 = arith.addf %add3A_693, %get3A_705 : vector<16xf32>
      %get3A_707 = arith.index_cast %add3A_703 : i32 to index
      %get3A_708 = tpu.vector_load %arg13[%get3A_707] {strides = array<i32>} : memref<8208xf32, #tpu.memory_space<vmem>>, vector<16xf32>,
      %add3A_709 = arith.addf %add3A_706, %get3A_708 : vector<16xf32>
      %get3A_710 = arith.index_cast %add3A_703 : i32 to index
      %get3A_711 = tpu.vector_load %arg14[%get3A_710] {strides = array<i32>} : memref<8208xf32, #tpu.memory_space<vmem>>, vector<16xf32>,
      %add3A_712 = arith.addf %add3A_699, %get3A_711 : vector<16xf32>
      %get3A_713 = arith.index_cast %add3A_703 : i32 to index
      %get3A_714 = tpu.vector_load %arg15[%get3A_713] {strides = array<i32>} : memref<8208xf32, #tpu.memory_space<vmem>>, vector<16xf32>,
      %add3A_715 = arith.addf %add3A_712, %get3A_714 : vector<16xf32>
      %mul3A_716 = arith.constant 16 : i32
      %mul3A_717 = arith.muli %scan3A_473, %mul3A_716 : i32
      %add3A_718 = arith.constant 7695 : i32
      %add3A_719 = arith.addi %add3A_718, %mul3A_717 : i32
      %get3A_720 = arith.index_cast %add3A_719 : i32 to index
      %get3A_721 = tpu.vector_load %arg12[%get3A_720] {strides = array<i32>} : memref<8208xf32, #tpu.memory_space<vmem>>, vector<16xf32>,
      %add3A_722 = arith.addf %add3A_709, %get3A_721 : vector<16xf32>
      %get3A_723 = arith.index_cast %add3A_719 : i32 to index
      %get3A_724 = tpu.vector_load %arg13[%get3A_723] {strides = array<i32>} : memref<8208xf32, #tpu.memory_space<vmem>>, vector<16xf32>,
      %add3A_725 = arith.addf %add3A_722, %get3A_724 : vector<16xf32>
      %get3A_726 = arith.index_cast %add3A_719 : i32 to index
      %get3A_727 = tpu.vector_load %arg14[%get3A_726] {strides = array<i32>} : memref<8208xf32, #tpu.memory_space<vmem>>, vector<16xf32>,
      %add3A_728 = arith.addf %add3A_715, %get3A_727 : vector<16xf32>
      %get3A_729 = arith.index_cast %add3A_719 : i32 to index
      %get3A_730 = tpu.vector_load %arg15[%get3A_729] {strides = array<i32>} : memref<8208xf32, #tpu.memory_space<vmem>>, vector<16xf32>,
      %add3A_731 = arith.addf %add3A_728, %get3A_730 : vector<16xf32>
      %mul3A_732 = arith.constant 16 : i32
      %mul3A_733 = arith.muli %scan3A_473, %mul3A_732 : i32
      %swap3A_734 = arith.index_cast %mul3A_733 : i32 to index
      %swap3A_735 = tpu.vector_load %arg16[%swap3A_734] {strides = array<i32>} : memref<512xf32, #tpu.memory_space<vmem>>, vector<16xf32>,
      tpu.vector_store %arg16[%swap3A_734], %add3A_725 {strides = array<i32>} : memref<512xf32, #tpu.memory_space<vmem>>, vector<16xf32>,
      %mul3A_736 = arith.constant 16 : i32
      %mul3A_737 = arith.muli %scan3A_473, %mul3A_736 : i32
      %swap3A_738 = arith.index_cast %mul3A_737 : i32 to index
      %swap3A_739 = tpu.vector_load %arg17[%swap3A_738] {strides = array<i32>} : memref<512xf32, #tpu.memory_space<vmem>>, vector<16xf32>,
      tpu.vector_store %arg17[%swap3A_738], %add3A_731 {strides = array<i32>} : memref<512xf32, #tpu.memory_space<vmem>>, vector<16xf32>,
      %scan3A_740 = arith.constant 0 : i32
      scf.yield %scan3A_740 : i32
    }
    %scan3A_471 = arith.constant 32 : i32
    %swap3A = arith.constant 0 : index
    %swap3A_472 = tpu.vector_load %arg18[%swap3A] {strides = array<i32>} : memref<16xf32, #tpu.memory_space<vmem>>, vector<16xf32>,
    tpu.vector_store %arg18[%swap3A], %scan3A_463 {strides = array<i32>} : memref<16xf32, #tpu.memory_space<vmem>>, vector<16xf32>,
    "tpu.region"() ({
      %run_scoped3A = tpu.sem_alloc : memref<!tpu.dma_semaphore, #tpu.memory_space<semaphore_mem>>
      %dma_start3A_473 = arith.constant 0 : i32
      %dma_start3A_474 = tpu.memref_slice %arg5[%add3A, %dma_start3A_473] : memref<32x512xf32, #tpu.memory_space<hbm>> -> memref<1x512xf32, #tpu.memory_space<hbm>>
      %dma_start3A_475 = tpu.memref_squeeze %dma_start3A_474 : memref<1x512xf32, #tpu.memory_space<hbm>> -> memref<512xf32, #tpu.memory_space<hbm>>
      %dma_start3A_476 = arith.constant 0 : i32
      %dma_start3A_477 = tpu.memref_slice %arg5[%add3A, %dma_start3A_476] : memref<32x512xf32, #tpu.memory_space<hbm>> -> memref<1x512xf32, #tpu.memory_space<hbm>>
      %dma_start3A_478 = tpu.memref_squeeze %dma_start3A_477 : memref<1x512xf32, #tpu.memory_space<hbm>> -> memref<512xf32, #tpu.memory_space<hbm>>
      tpu.enqueue_dma source(%arg16 : memref<512xf32, #tpu.memory_space<vmem>>) target(%dma_start3A_478 : memref<512xf32, #tpu.memory_space<hbm>>) target_semaphore(%run_scoped3A : memref<!tpu.dma_semaphore, #tpu.memory_space<semaphore_mem>>)
      %dma_wait3A_479 = arith.constant 0 : i32
      %dma_wait3A_480 = tpu.memref_slice %arg5[%add3A, %dma_wait3A_479] : memref<32x512xf32, #tpu.memory_space<hbm>> -> memref<1x512xf32, #tpu.memory_space<hbm>>
      %dma_wait3A_481 = tpu.memref_squeeze %dma_wait3A_480 : memref<1x512xf32, #tpu.memory_space<hbm>> -> memref<512xf32, #tpu.memory_space<hbm>>
      %dma_wait3A_482 = arith.constant 0 : i32
      %dma_wait3A_483 = tpu.memref_slice %arg5[%add3A, %dma_wait3A_482] : memref<32x512xf32, #tpu.memory_space<hbm>> -> memref<1x512xf32, #tpu.memory_space<hbm>>
      %dma_wait3A_484 = tpu.memref_squeeze %dma_wait3A_483 : memref<1x512xf32, #tpu.memory_space<hbm>> -> memref<512xf32, #tpu.memory_space<hbm>>
      tpu.wait_dma2 semaphore(%run_scoped3A : memref<!tpu.dma_semaphore, #tpu.memory_space<semaphore_mem>>) src(%arg16 : memref<512xf32, #tpu.memory_space<vmem>>) dst(%dma_wait3A_484 : memref<512xf32, #tpu.memory_space<hbm>>)
      tpu.yield
    }) : () -> ()
    "tpu.region"() ({
      %run_scoped3A = tpu.sem_alloc : memref<!tpu.dma_semaphore, #tpu.memory_space<semaphore_mem>>
      %dma_start3A_473 = arith.constant 0 : i32
      %dma_start3A_474 = tpu.memref_slice %arg6[%add3A, %dma_start3A_473] : memref<32x512xf32, #tpu.memory_space<hbm>> -> memref<1x512xf32, #tpu.memory_space<hbm>>
      %dma_start3A_475 = tpu.memref_squeeze %dma_start3A_474 : memref<1x512xf32, #tpu.memory_space<hbm>> -> memref<512xf32, #tpu.memory_space<hbm>>
      %dma_start3A_476 = arith.constant 0 : i32
      %dma_start3A_477 = tpu.memref_slice %arg6[%add3A, %dma_start3A_476] : memref<32x512xf32, #tpu.memory_space<hbm>> -> memref<1x512xf32, #tpu.memory_space<hbm>>
      %dma_start3A_478 = tpu.memref_squeeze %dma_start3A_477 : memref<1x512xf32, #tpu.memory_space<hbm>> -> memref<512xf32, #tpu.memory_space<hbm>>
      tpu.enqueue_dma source(%arg17 : memref<512xf32, #tpu.memory_space<vmem>>) target(%dma_start3A_478 : memref<512xf32, #tpu.memory_space<hbm>>) target_semaphore(%run_scoped3A : memref<!tpu.dma_semaphore, #tpu.memory_space<semaphore_mem>>)
      %dma_wait3A_479 = arith.constant 0 : i32
      %dma_wait3A_480 = tpu.memref_slice %arg6[%add3A, %dma_wait3A_479] : memref<32x512xf32, #tpu.memory_space<hbm>> -> memref<1x512xf32, #tpu.memory_space<hbm>>
      %dma_wait3A_481 = tpu.memref_squeeze %dma_wait3A_480 : memref<1x512xf32, #tpu.memory_space<hbm>> -> memref<512xf32, #tpu.memory_space<hbm>>
      %dma_wait3A_482 = arith.constant 0 : i32
      %dma_wait3A_483 = tpu.memref_slice %arg6[%add3A, %dma_wait3A_482] : memref<32x512xf32, #tpu.memory_space<hbm>> -> memref<1x512xf32, #tpu.memory_space<hbm>>
      %dma_wait3A_484 = tpu.memref_squeeze %dma_wait3A_483 : memref<1x512xf32, #tpu.memory_space<hbm>> -> memref<512xf32, #tpu.memory_space<hbm>>
      tpu.wait_dma2 semaphore(%run_scoped3A : memref<!tpu.dma_semaphore, #tpu.memory_space<semaphore_mem>>) src(%arg17 : memref<512xf32, #tpu.memory_space<vmem>>) dst(%dma_wait3A_484 : memref<512xf32, #tpu.memory_space<hbm>>)
      tpu.yield
    }) : () -> ()
    "tpu.region"() ({
      %run_scoped3A = tpu.sem_alloc : memref<!tpu.dma_semaphore, #tpu.memory_space<semaphore_mem>>
      %dma_start3A_473 = arith.constant 0 : i32
      %dma_start3A_474 = tpu.memref_slice %arg7[%add3A, %dma_start3A_473] : memref<32x16xf32, #tpu.memory_space<hbm>> -> memref<1x16xf32, #tpu.memory_space<hbm>>
      %dma_start3A_475 = tpu.memref_squeeze %dma_start3A_474 : memref<1x16xf32, #tpu.memory_space<hbm>> -> memref<16xf32, #tpu.memory_space<hbm>>
      %dma_start3A_476 = arith.constant 0 : i32
      %dma_start3A_477 = tpu.memref_slice %arg7[%add3A, %dma_start3A_476] : memref<32x16xf32, #tpu.memory_space<hbm>> -> memref<1x16xf32, #tpu.memory_space<hbm>>
      %dma_start3A_478 = tpu.memref_squeeze %dma_start3A_477 : memref<1x16xf32, #tpu.memory_space<hbm>> -> memref<16xf32, #tpu.memory_space<hbm>>
      tpu.enqueue_dma source(%arg18 : memref<16xf32, #tpu.memory_space<vmem>>) target(%dma_start3A_478 : memref<16xf32, #tpu.memory_space<hbm>>) target_semaphore(%run_scoped3A : memref<!tpu.dma_semaphore, #tpu.memory_space<semaphore_mem>>)
      %dma_wait3A_479 = arith.constant 0 : i32
      %dma_wait3A_480 = tpu.memref_slice %arg7[%add3A, %dma_wait3A_479] : memref<32x16xf32, #tpu.memory_space<hbm>> -> memref<1x16xf32, #tpu.memory_space<hbm>>
      %dma_wait3A_481 = tpu.memref_squeeze %dma_wait3A_480 : memref<1x16xf32, #tpu.memory_space<hbm>> -> memref<16xf32, #tpu.memory_space<hbm>>
      %dma_wait3A_482 = arith.constant 0 : i32
      %dma_wait3A_483 = tpu.memref_slice %arg7[%add3A, %dma_wait3A_482] : memref<32x16xf32, #tpu.memory_space<hbm>> -> memref<1x16xf32, #tpu.memory_space<hbm>>
      %dma_wait3A_484 = tpu.memref_squeeze %dma_wait3A_483 : memref<1x16xf32, #tpu.memory_space<hbm>> -> memref<16xf32, #tpu.memory_space<hbm>>
      tpu.wait_dma2 semaphore(%run_scoped3A : memref<!tpu.dma_semaphore, #tpu.memory_space<semaphore_mem>>) src(%arg18 : memref<16xf32, #tpu.memory_space<vmem>>) dst(%dma_wait3A_484 : memref<16xf32, #tpu.memory_space<hbm>>)
      tpu.yield
    }) : () -> ()
    return
  }
}

module attributes {stable_mosaic.version = 14 : i64} {
  func.func @_finalize_body(%arg0: memref<32x512xf32, #tpu.memory_space<vmem>>, %arg1: memref<32x512xf32, #tpu.memory_space<vmem>>, %arg2: memref<32x16xf32, #tpu.memory_space<vmem>>, %arg3: memref<8x128xf32, #tpu.memory_space<vmem>>) attributes {dimension_semantics = [], scalar_prefetch = 0 : i64, scratch_operands = 0 : i64, tpu.core_type = #tpu.core_type<tc>} {
    %iota3A = tpu.iota {dimensions = array<i32: 0>} : vector<128x128xi32>
    %iota3A_0 = tpu.iota {dimensions = array<i32: 1>} : vector<128x128xi32>
    %ge3A = arith.cmpi sge, %iota3A, %iota3A_0 : vector<128x128xi32>
    %convert_element_type3A = arith.extui %ge3A : vector<128x128xi1> to vector<128x128xi32>
    %convert_element_type3A_1 = arith.sitofp %convert_element_type3A : vector<128x128xi32> to vector<128x128xf32>
    %iota3A_2 = tpu.iota {dimensions = array<i32: 0>} : vector<4x4xi32>
    %iota3A_3 = tpu.iota {dimensions = array<i32: 1>} : vector<4x4xi32>
    %gt3A = arith.cmpi sgt, %iota3A_3, %iota3A_2 : vector<4x4xi32>
    %convert_element_type3A_4 = arith.extui %gt3A : vector<4x4xi1> to vector<4x4xi32>
    %convert_element_type3A_5 = arith.sitofp %convert_element_type3A_4 : vector<4x4xi32> to vector<4x4xf32>
    %iota3A_6 = tpu.iota {dimensions = array<i32: 0>} : vector<4x128xi32>
    %iota3A_7 = tpu.iota {dimensions = array<i32: 1>} : vector<4x128xi32>
    %mul3A = arith.constant 128 : i32
    %mul3A_8 = vector.broadcast %mul3A : i32 to vector<4x128xi32>
    %mul3A_9 = arith.muli %iota3A_6, %mul3A_8 : vector<4x128xi32>
    %add3A = arith.addi %mul3A_9, %iota3A_7 : vector<4x128xi32>
    %get3A = arith.constant 0 : index
    %get3A_10 = arith.constant 0 : index
    %get3A_11 = vector.load %arg0[%get3A, %get3A_10] : memref<32x512xf32, #tpu.memory_space<vmem>>, vector<16x512xf32>
    %get3A_12 = arith.constant 0 : index
    %get3A_13 = arith.constant 0 : index
    %get3A_14 = vector.load %arg1[%get3A_12, %get3A_13] : memref<32x512xf32, #tpu.memory_space<vmem>>, vector<16x512xf32>
    %get3A_15 = arith.constant 0 : index
    %get3A_16 = arith.constant 0 : index
    %get3A_17 = vector.load %arg2[%get3A_15, %get3A_16] : memref<32x16xf32, #tpu.memory_space<vmem>>, vector<16x16xf32>
    %reduce_sum3A = arith.constant dense<0.000000e+00> : vector<512xf32>
    %reduce_sum3A_18 = vector.multi_reduction <add>, %get3A_11, %reduce_sum3A [0] : vector<16x512xf32> to vector<512xf32>
    %reshape3A = vector.shape_cast %reduce_sum3A_18 : vector<512xf32> to vector<4x128xf32>
    %reduce_sum3A_19 = arith.constant dense<0.000000e+00> : vector<512xf32>
    %reduce_sum3A_20 = vector.multi_reduction <add>, %get3A_14, %reduce_sum3A_19 [0] : vector<16x512xf32> to vector<512xf32>
    %reshape3A_21 = vector.shape_cast %reduce_sum3A_20 : vector<512xf32> to vector<4x128xf32>
    %reduce_sum3A_22 = vector.shape_cast %reshape3A : vector<4x128xf32> to vector<1x4x128xf32>
    %reduce_sum3A_23 = arith.constant dense<0.000000e+00> : vector<1xf32>
    %reduce_sum3A_24 = vector.multi_reduction <add>, %reduce_sum3A_22, %reduce_sum3A_23 [1, 2] : vector<1x4x128xf32> to vector<1xf32>
    %reduce_sum3A_25 = vector.shape_cast %reduce_sum3A_24 : vector<1xf32> to vector<1x1x1xf32>
    %reduce_sum3A_26 = vector.extract %reduce_sum3A_25[0, 0, 0] : f32 from vector<1x1x1xf32>
    %sub3A = arith.constant 0x49900000 : f32
    %sub3A_27 = arith.subf %sub3A, %reduce_sum3A_26 : f32
    %reduce_sum3A_28 = vector.shape_cast %get3A_17 : vector<16x16xf32> to vector<1x16x16xf32>
    %reduce_sum3A_29 = arith.constant dense<0.000000e+00> : vector<1xf32>
    %reduce_sum3A_30 = vector.multi_reduction <add>, %reduce_sum3A_28, %reduce_sum3A_29 [1, 2] : vector<1x16x16xf32> to vector<1xf32>
    %reduce_sum3A_31 = vector.shape_cast %reduce_sum3A_30 : vector<1xf32> to vector<1x1x1xf32>
    %reduce_sum3A_32 = vector.extract %reduce_sum3A_31[0, 0, 0] : f32 from vector<1x1x1xf32>
    %reduce_sum3A_33 = vector.shape_cast %reshape3A_21 : vector<4x128xf32> to vector<1x4x128xf32>
    %reduce_sum3A_34 = arith.constant dense<0.000000e+00> : vector<1xf32>
    %reduce_sum3A_35 = vector.multi_reduction <add>, %reduce_sum3A_33, %reduce_sum3A_34 [1, 2] : vector<1x4x128xf32> to vector<1xf32>
    %reduce_sum3A_36 = vector.shape_cast %reduce_sum3A_35 : vector<1xf32> to vector<1x1x1xf32>
    %reduce_sum3A_37 = vector.extract %reduce_sum3A_36[0, 0, 0] : f32 from vector<1x1x1xf32>
    %sub3A_38 = arith.subf %reduce_sum3A_32, %reduce_sum3A_37 : f32
    %mul3A_39 = arith.constant 4.000000e+00 : f32
    %mul3A_40 = arith.mulf %mul3A_39, %sub3A_27 : f32
    %min3A = arith.constant 1.000000e+03 : f32
    %min3A_41 = arith.minimumf %min3A, %mul3A_40 : f32
    %min3A_42 = arith.minimumf %min3A_41, %reduce_sum3A_26 : f32
    %dot_general3A = arith.constant dense<0.000000e+00> : vector<4x128xf32>
    %dot_general3A_43 = tpu.matmul %reshape3A, %convert_element_type3A_1, %dot_general3A {dimension_numbers = #tpu.dot_dimension_numbers<[1], [0], [0], [1], [0, 0, 1, 1], [], []>, transpose_lhs_hint = false} : vector<4x128xf32>, vector<128x128xf32>, vector<4x128xf32> -> vector<4x128xf32>
    %dot_general3A_44 = arith.constant dense<0.000000e+00> : vector<4x128xf32>
    %dot_general3A_45 = tpu.matmul %reshape3A_21, %convert_element_type3A_1, %dot_general3A_44 {dimension_numbers = #tpu.dot_dimension_numbers<[1], [0], [0], [1], [0, 0, 1, 1], [], []>, transpose_lhs_hint = false} : vector<4x128xf32>, vector<128x128xf32>, vector<4x128xf32> -> vector<4x128xf32>
    %slice3A = vector.extract_strided_slice %dot_general3A_43 {offsets = [0, 0], sizes = [4, 1], strides = [1, 1]} : vector<4x128xf32> to vector<4x1xf32>
    %slice3A_46 = vector.extract_strided_slice %dot_general3A_45 {offsets = [0, 0], sizes = [4, 1], strides = [1, 1]} : vector<4x128xf32> to vector<4x1xf32>
    %dot_general3A_47 = arith.constant dense<0.000000e+00> : vector<4x1xf32>
    %dot_general3A_48 = tpu.matmul %convert_element_type3A_5, %slice3A, %dot_general3A_47 {dimension_numbers = #tpu.dot_dimension_numbers<[1], [0], [0], [1], [0, 0, 1, 1], [], []>, transpose_lhs_hint = false} : vector<4x4xf32>, vector<4x1xf32>, vector<4x1xf32> -> vector<4x1xf32>
    %dot_general3A_49 = arith.constant dense<0.000000e+00> : vector<4x1xf32>
    %dot_general3A_50 = tpu.matmul %convert_element_type3A_5, %slice3A_46, %dot_general3A_49 {dimension_numbers = #tpu.dot_dimension_numbers<[1], [0], [0], [1], [0, 0, 1, 1], [], []>, transpose_lhs_hint = false} : vector<4x4xf32>, vector<4x1xf32>, vector<4x1xf32> -> vector<4x1xf32>
    %add3A_51 = vector.broadcast %dot_general3A_48 : vector<4x1xf32> to vector<4x128xf32>
    %add3A_52 = arith.addf %dot_general3A_43, %add3A_51 : vector<4x128xf32>
    %add3A_53 = vector.broadcast %dot_general3A_50 : vector<4x1xf32> to vector<4x128xf32>
    %add3A_54 = arith.addf %dot_general3A_45, %add3A_53 : vector<4x128xf32>
    %ge3A_55 = vector.broadcast %min3A_42 : f32 to vector<4x128xf32>
    %ge3A_56 = arith.cmpf oge, %add3A_52, %ge3A_55 : vector<4x128xf32>
    %convert_element_type3A_57 = arith.extui %ge3A_56 : vector<4x128xi1> to vector<4x128xi32>
    %reduce_sum3A_58 = vector.shape_cast %convert_element_type3A_57 : vector<4x128xi32> to vector<1x4x128xi32>
    %reduce_sum3A_59 = arith.constant dense<0> : vector<1xi32>
    %reduce_sum3A_60 = vector.multi_reduction <add>, %reduce_sum3A_58, %reduce_sum3A_59 [1, 2] : vector<1x4x128xi32> to vector<1xi32>
    %reduce_sum3A_61 = vector.shape_cast %reduce_sum3A_60 : vector<1xi32> to vector<1x1x1xi32>
    %reduce_sum3A_62 = vector.extract %reduce_sum3A_61[0, 0, 0] : i32 from vector<1x1x1xi32>
    %sub3A_63 = arith.constant 1 : i32
    %sub3A_64 = arith.subi %reduce_sum3A_62, %sub3A_63 : i32
    %eq3A = vector.broadcast %sub3A_64 : i32 to vector<4x128xi32>
    %eq3A_65 = arith.cmpi eq, %add3A, %eq3A : vector<4x128xi32>
    %convert_element_type3A_66 = arith.extui %eq3A_65 : vector<4x128xi1> to vector<4x128xi32>
    %convert_element_type3A_67 = arith.sitofp %convert_element_type3A_66 : vector<4x128xi32> to vector<4x128xf32>
    %mul3A_68 = arith.mulf %convert_element_type3A_67, %reshape3A : vector<4x128xf32>
    %reduce_sum3A_69 = vector.shape_cast %mul3A_68 : vector<4x128xf32> to vector<1x4x128xf32>
    %reduce_sum3A_70 = arith.constant dense<0.000000e+00> : vector<1xf32>
    %reduce_sum3A_71 = vector.multi_reduction <add>, %reduce_sum3A_69, %reduce_sum3A_70 [1, 2] : vector<1x4x128xf32> to vector<1xf32>
    %reduce_sum3A_72 = vector.shape_cast %reduce_sum3A_71 : vector<1xf32> to vector<1x1x1xf32>
    %reduce_sum3A_73 = vector.extract %reduce_sum3A_72[0, 0, 0] : f32 from vector<1x1x1xf32>
    %mul3A_74 = arith.mulf %convert_element_type3A_67, %reshape3A_21 : vector<4x128xf32>
    %reduce_sum3A_75 = vector.shape_cast %mul3A_74 : vector<4x128xf32> to vector<1x4x128xf32>
    %reduce_sum3A_76 = arith.constant dense<0.000000e+00> : vector<1xf32>
    %reduce_sum3A_77 = vector.multi_reduction <add>, %reduce_sum3A_75, %reduce_sum3A_76 [1, 2] : vector<1x4x128xf32> to vector<1xf32>
    %reduce_sum3A_78 = vector.shape_cast %reduce_sum3A_77 : vector<1xf32> to vector<1x1x1xf32>
    %reduce_sum3A_79 = vector.extract %reduce_sum3A_78[0, 0, 0] : f32 from vector<1x1x1xf32>
    %mul3A_80 = arith.mulf %convert_element_type3A_67, %add3A_52 : vector<4x128xf32>
    %reduce_sum3A_81 = vector.shape_cast %mul3A_80 : vector<4x128xf32> to vector<1x4x128xf32>
    %reduce_sum3A_82 = arith.constant dense<0.000000e+00> : vector<1xf32>
    %reduce_sum3A_83 = vector.multi_reduction <add>, %reduce_sum3A_81, %reduce_sum3A_82 [1, 2] : vector<1x4x128xf32> to vector<1xf32>
    %reduce_sum3A_84 = vector.shape_cast %reduce_sum3A_83 : vector<1xf32> to vector<1x1x1xf32>
    %reduce_sum3A_85 = vector.extract %reduce_sum3A_84[0, 0, 0] : f32 from vector<1x1x1xf32>
    %mul3A_86 = arith.mulf %convert_element_type3A_67, %add3A_54 : vector<4x128xf32>
    %reduce_sum3A_87 = vector.shape_cast %mul3A_86 : vector<4x128xf32> to vector<1x4x128xf32>
    %reduce_sum3A_88 = arith.constant dense<0.000000e+00> : vector<1xf32>
    %reduce_sum3A_89 = vector.multi_reduction <add>, %reduce_sum3A_87, %reduce_sum3A_88 [1, 2] : vector<1x4x128xf32> to vector<1xf32>
    %reduce_sum3A_90 = vector.shape_cast %reduce_sum3A_89 : vector<1xf32> to vector<1x1x1xf32>
    %reduce_sum3A_91 = vector.extract %reduce_sum3A_90[0, 0, 0] : f32 from vector<1x1x1xf32>
    %sub3A_92 = arith.subf %reduce_sum3A_85, %reduce_sum3A_73 : f32
    %max3A = arith.constant 1.000000e+00 : f32
    %max3A_93 = arith.maximumf %reduce_sum3A_73, %max3A : f32
    %div3A = arith.divf %reduce_sum3A_79, %max3A_93 : f32
    %sub3A_94 = arith.subf %reduce_sum3A_91, %reduce_sum3A_79 : f32
    %sub3A_95 = arith.subf %min3A_42, %sub3A_92 : f32
    %mul3A_96 = arith.mulf %sub3A_95, %div3A : f32
    %add3A_97 = arith.addf %sub3A_94, %mul3A_96 : f32
    %add3A_98 = arith.addf %sub3A_38, %add3A_97 : f32
    %add3A_99 = arith.addf %sub3A_27, %min3A_42 : f32
    %div3A_100 = arith.divf %add3A_98, %add3A_99 : f32
    %add3A_101 = arith.constant 0.000000e+00 : f32
    %add3A_102 = arith.addf %add3A_101, %div3A_100 : f32
    %get3A_103 = arith.constant 16 : index
    %get3A_104 = arith.constant 0 : index
    %get3A_105 = vector.load %arg0[%get3A_103, %get3A_104] : memref<32x512xf32, #tpu.memory_space<vmem>>, vector<16x512xf32>
    %get3A_106 = arith.constant 16 : index
    %get3A_107 = arith.constant 0 : index
    %get3A_108 = vector.load %arg1[%get3A_106, %get3A_107] : memref<32x512xf32, #tpu.memory_space<vmem>>, vector<16x512xf32>
    %get3A_109 = arith.constant 16 : index
    %get3A_110 = arith.constant 0 : index
    %get3A_111 = vector.load %arg2[%get3A_109, %get3A_110] : memref<32x16xf32, #tpu.memory_space<vmem>>, vector<16x16xf32>
    %reduce_sum3A_112 = arith.constant dense<0.000000e+00> : vector<512xf32>
    %reduce_sum3A_113 = vector.multi_reduction <add>, %get3A_105, %reduce_sum3A_112 [0] : vector<16x512xf32> to vector<512xf32>
    %reshape3A_114 = vector.shape_cast %reduce_sum3A_113 : vector<512xf32> to vector<4x128xf32>
    %reduce_sum3A_115 = arith.constant dense<0.000000e+00> : vector<512xf32>
    %reduce_sum3A_116 = vector.multi_reduction <add>, %get3A_108, %reduce_sum3A_115 [0] : vector<16x512xf32> to vector<512xf32>
    %reshape3A_117 = vector.shape_cast %reduce_sum3A_116 : vector<512xf32> to vector<4x128xf32>
    %reduce_sum3A_118 = vector.shape_cast %reshape3A_114 : vector<4x128xf32> to vector<1x4x128xf32>
    %reduce_sum3A_119 = arith.constant dense<0.000000e+00> : vector<1xf32>
    %reduce_sum3A_120 = vector.multi_reduction <add>, %reduce_sum3A_118, %reduce_sum3A_119 [1, 2] : vector<1x4x128xf32> to vector<1xf32>
    %reduce_sum3A_121 = vector.shape_cast %reduce_sum3A_120 : vector<1xf32> to vector<1x1x1xf32>
    %reduce_sum3A_122 = vector.extract %reduce_sum3A_121[0, 0, 0] : f32 from vector<1x1x1xf32>
    %sub3A_123 = arith.constant 0x49900000 : f32
    %sub3A_124 = arith.subf %sub3A_123, %reduce_sum3A_122 : f32
    %reduce_sum3A_125 = vector.shape_cast %get3A_111 : vector<16x16xf32> to vector<1x16x16xf32>
    %reduce_sum3A_126 = arith.constant dense<0.000000e+00> : vector<1xf32>
    %reduce_sum3A_127 = vector.multi_reduction <add>, %reduce_sum3A_125, %reduce_sum3A_126 [1, 2] : vector<1x16x16xf32> to vector<1xf32>
    %reduce_sum3A_128 = vector.shape_cast %reduce_sum3A_127 : vector<1xf32> to vector<1x1x1xf32>
    %reduce_sum3A_129 = vector.extract %reduce_sum3A_128[0, 0, 0] : f32 from vector<1x1x1xf32>
    %reduce_sum3A_130 = vector.shape_cast %reshape3A_117 : vector<4x128xf32> to vector<1x4x128xf32>
    %reduce_sum3A_131 = arith.constant dense<0.000000e+00> : vector<1xf32>
    %reduce_sum3A_132 = vector.multi_reduction <add>, %reduce_sum3A_130, %reduce_sum3A_131 [1, 2] : vector<1x4x128xf32> to vector<1xf32>
    %reduce_sum3A_133 = vector.shape_cast %reduce_sum3A_132 : vector<1xf32> to vector<1x1x1xf32>
    %reduce_sum3A_134 = vector.extract %reduce_sum3A_133[0, 0, 0] : f32 from vector<1x1x1xf32>
    %sub3A_135 = arith.subf %reduce_sum3A_129, %reduce_sum3A_134 : f32
    %mul3A_136 = arith.constant 4.000000e+00 : f32
    %mul3A_137 = arith.mulf %mul3A_136, %sub3A_124 : f32
    %min3A_138 = arith.constant 1.000000e+03 : f32
    %min3A_139 = arith.minimumf %min3A_138, %mul3A_137 : f32
    %min3A_140 = arith.minimumf %min3A_139, %reduce_sum3A_122 : f32
    %dot_general3A_141 = arith.constant dense<0.000000e+00> : vector<4x128xf32>
    %dot_general3A_142 = tpu.matmul %reshape3A_114, %convert_element_type3A_1, %dot_general3A_141 {dimension_numbers = #tpu.dot_dimension_numbers<[1], [0], [0], [1], [0, 0, 1, 1], [], []>, transpose_lhs_hint = false} : vector<4x128xf32>, vector<128x128xf32>, vector<4x128xf32> -> vector<4x128xf32>
    %dot_general3A_143 = arith.constant dense<0.000000e+00> : vector<4x128xf32>
    %dot_general3A_144 = tpu.matmul %reshape3A_117, %convert_element_type3A_1, %dot_general3A_143 {dimension_numbers = #tpu.dot_dimension_numbers<[1], [0], [0], [1], [0, 0, 1, 1], [], []>, transpose_lhs_hint = false} : vector<4x128xf32>, vector<128x128xf32>, vector<4x128xf32> -> vector<4x128xf32>
    %slice3A_145 = vector.extract_strided_slice %dot_general3A_142 {offsets = [0, 0], sizes = [4, 1], strides = [1, 1]} : vector<4x128xf32> to vector<4x1xf32>
    %slice3A_146 = vector.extract_strided_slice %dot_general3A_144 {offsets = [0, 0], sizes = [4, 1], strides = [1, 1]} : vector<4x128xf32> to vector<4x1xf32>
    %dot_general3A_147 = arith.constant dense<0.000000e+00> : vector<4x1xf32>
    %dot_general3A_148 = tpu.matmul %convert_element_type3A_5, %slice3A_145, %dot_general3A_147 {dimension_numbers = #tpu.dot_dimension_numbers<[1], [0], [0], [1], [0, 0, 1, 1], [], []>, transpose_lhs_hint = false} : vector<4x4xf32>, vector<4x1xf32>, vector<4x1xf32> -> vector<4x1xf32>
    %dot_general3A_149 = arith.constant dense<0.000000e+00> : vector<4x1xf32>
    %dot_general3A_150 = tpu.matmul %convert_element_type3A_5, %slice3A_146, %dot_general3A_149 {dimension_numbers = #tpu.dot_dimension_numbers<[1], [0], [0], [1], [0, 0, 1, 1], [], []>, transpose_lhs_hint = false} : vector<4x4xf32>, vector<4x1xf32>, vector<4x1xf32> -> vector<4x1xf32>
    %add3A_151 = vector.broadcast %dot_general3A_148 : vector<4x1xf32> to vector<4x128xf32>
    %add3A_152 = arith.addf %dot_general3A_142, %add3A_151 : vector<4x128xf32>
    %add3A_153 = vector.broadcast %dot_general3A_150 : vector<4x1xf32> to vector<4x128xf32>
    %add3A_154 = arith.addf %dot_general3A_144, %add3A_153 : vector<4x128xf32>
    %ge3A_155 = vector.broadcast %min3A_140 : f32 to vector<4x128xf32>
    %ge3A_156 = arith.cmpf oge, %add3A_152, %ge3A_155 : vector<4x128xf32>
    %convert_element_type3A_157 = arith.extui %ge3A_156 : vector<4x128xi1> to vector<4x128xi32>
    %reduce_sum3A_158 = vector.shape_cast %convert_element_type3A_157 : vector<4x128xi32> to vector<1x4x128xi32>
    %reduce_sum3A_159 = arith.constant dense<0> : vector<1xi32>
    %reduce_sum3A_160 = vector.multi_reduction <add>, %reduce_sum3A_158, %reduce_sum3A_159 [1, 2] : vector<1x4x128xi32> to vector<1xi32>
    %reduce_sum3A_161 = vector.shape_cast %reduce_sum3A_160 : vector<1xi32> to vector<1x1x1xi32>
    %reduce_sum3A_162 = vector.extract %reduce_sum3A_161[0, 0, 0] : i32 from vector<1x1x1xi32>
    %sub3A_163 = arith.constant 1 : i32
    %sub3A_164 = arith.subi %reduce_sum3A_162, %sub3A_163 : i32
    %eq3A_165 = vector.broadcast %sub3A_164 : i32 to vector<4x128xi32>
    %eq3A_166 = arith.cmpi eq, %add3A, %eq3A_165 : vector<4x128xi32>
    %convert_element_type3A_167 = arith.extui %eq3A_166 : vector<4x128xi1> to vector<4x128xi32>
    %convert_element_type3A_168 = arith.sitofp %convert_element_type3A_167 : vector<4x128xi32> to vector<4x128xf32>
    %mul3A_169 = arith.mulf %convert_element_type3A_168, %reshape3A_114 : vector<4x128xf32>
    %reduce_sum3A_170 = vector.shape_cast %mul3A_169 : vector<4x128xf32> to vector<1x4x128xf32>
    %reduce_sum3A_171 = arith.constant dense<0.000000e+00> : vector<1xf32>
    %reduce_sum3A_172 = vector.multi_reduction <add>, %reduce_sum3A_170, %reduce_sum3A_171 [1, 2] : vector<1x4x128xf32> to vector<1xf32>
    %reduce_sum3A_173 = vector.shape_cast %reduce_sum3A_172 : vector<1xf32> to vector<1x1x1xf32>
    %reduce_sum3A_174 = vector.extract %reduce_sum3A_173[0, 0, 0] : f32 from vector<1x1x1xf32>
    %mul3A_175 = arith.mulf %convert_element_type3A_168, %reshape3A_117 : vector<4x128xf32>
    %reduce_sum3A_176 = vector.shape_cast %mul3A_175 : vector<4x128xf32> to vector<1x4x128xf32>
    %reduce_sum3A_177 = arith.constant dense<0.000000e+00> : vector<1xf32>
    %reduce_sum3A_178 = vector.multi_reduction <add>, %reduce_sum3A_176, %reduce_sum3A_177 [1, 2] : vector<1x4x128xf32> to vector<1xf32>
    %reduce_sum3A_179 = vector.shape_cast %reduce_sum3A_178 : vector<1xf32> to vector<1x1x1xf32>
    %reduce_sum3A_180 = vector.extract %reduce_sum3A_179[0, 0, 0] : f32 from vector<1x1x1xf32>
    %mul3A_181 = arith.mulf %convert_element_type3A_168, %add3A_152 : vector<4x128xf32>
    %reduce_sum3A_182 = vector.shape_cast %mul3A_181 : vector<4x128xf32> to vector<1x4x128xf32>
    %reduce_sum3A_183 = arith.constant dense<0.000000e+00> : vector<1xf32>
    %reduce_sum3A_184 = vector.multi_reduction <add>, %reduce_sum3A_182, %reduce_sum3A_183 [1, 2] : vector<1x4x128xf32> to vector<1xf32>
    %reduce_sum3A_185 = vector.shape_cast %reduce_sum3A_184 : vector<1xf32> to vector<1x1x1xf32>
    %reduce_sum3A_186 = vector.extract %reduce_sum3A_185[0, 0, 0] : f32 from vector<1x1x1xf32>
    %mul3A_187 = arith.mulf %convert_element_type3A_168, %add3A_154 : vector<4x128xf32>
    %reduce_sum3A_188 = vector.shape_cast %mul3A_187 : vector<4x128xf32> to vector<1x4x128xf32>
    %reduce_sum3A_189 = arith.constant dense<0.000000e+00> : vector<1xf32>
    %reduce_sum3A_190 = vector.multi_reduction <add>, %reduce_sum3A_188, %reduce_sum3A_189 [1, 2] : vector<1x4x128xf32> to vector<1xf32>
    %reduce_sum3A_191 = vector.shape_cast %reduce_sum3A_190 : vector<1xf32> to vector<1x1x1xf32>
    %reduce_sum3A_192 = vector.extract %reduce_sum3A_191[0, 0, 0] : f32 from vector<1x1x1xf32>
    %sub3A_193 = arith.subf %reduce_sum3A_186, %reduce_sum3A_174 : f32
    %max3A_194 = arith.constant 1.000000e+00 : f32
    %max3A_195 = arith.maximumf %reduce_sum3A_174, %max3A_194 : f32
    %div3A_196 = arith.divf %reduce_sum3A_180, %max3A_195 : f32
    %sub3A_197 = arith.subf %reduce_sum3A_192, %reduce_sum3A_180 : f32
    %sub3A_198 = arith.subf %min3A_140, %sub3A_193 : f32
    %mul3A_199 = arith.mulf %sub3A_198, %div3A_196 : f32
    %add3A_200 = arith.addf %sub3A_197, %mul3A_199 : f32
    %add3A_201 = arith.addf %sub3A_135, %add3A_200 : f32
    %add3A_202 = arith.addf %sub3A_124, %min3A_140 : f32
    %div3A_203 = arith.divf %add3A_201, %add3A_202 : f32
    %add3A_204 = arith.addf %add3A_102, %div3A_203 : f32
    %broadcast_in_dim3A = vector.broadcast %add3A_204 : f32 to vector<8x128xf32>
    %swap3A = arith.constant 0 : index
    %swap3A_205 = arith.constant 0 : index
    %swap3A_206 = vector.load %arg3[%swap3A, %swap3A_205] : memref<8x128xf32, #tpu.memory_space<vmem>>, vector<8x128xf32>
    tpu.vector_store %arg3[%swap3A, %swap3A_205], %broadcast_in_dim3A {strides = array<i32>} : memref<8x128xf32, #tpu.memory_space<vmem>>, vector<8x128xf32>,
    return
  }
}

</mosaic_0001>

<sc_bundles>
// kernel: kernel.4.cloned.1.call-start
scs
__scs_entry_jumppad:
0x0: {  	(pc) =	sbr.rel $0x88, $3  }
0x1: {  	(tag) =	ssettag $0x0;
	lr =	simm.s32 $0x1  }
0x2: {  	[smem:$0x3F9E] =	sst lr;
	_ =	strace $0xD0000000  }
0x3: {  	_ = 	snop  }
0x4: {  	_ = 	snop  }
0x5: {  	_ = 	snop  }
0x6: {  	_ = 	snop  }
0x7: {  	_ = 	snop  }
__scs_overlays_trampoline_lowered:
0x8: {  	[smem:$0x3FAD] =	sst s0  }
0x9: {  	[smem:$0x3FAE] =	sst s1  }
0xa: {  	[smem:$0x3FAF] =	sst s2  }
0xb: {  	[smem:$0x3FB0] =	sst s3  }
0xc: {  	[smem:$0x3FB1] =	sst s4  }
0xd: {  	[smem:$0x3FB2] =	sst s5  }
0xe: {  	[smem:$0x3FB3] =	sst s6  }
0xf: {  	[smem:$0x3FB4] =	sst s7  }
0x10: {  	[smem:$0x3FB5] =	sst s8  }
0x11: {  	[smem:$0x3FB6] =	sst s9;
	s0 =	simm.s32 @!p0 $0x0  }
0x12: {  	s1 =	sld [smem:$0x3F9C];
	s0 =	simm.s32 @p0 $0x1  }
0x13: {  	[smem:$0x3FB7] =	sst s0;
	s0 =	simm.s32 @!p1 $0x0  }
0x14: {  	s2 =	sld [smem:$0x3F9B];
	s0 =	simm.s32 @p1 $0x1  }
0x15: {  	[smem:$0x3FB8] =	sst s0;
	s0 =	simm.s32 @!p2 $0x0  }
0x16: {  	s3 =	sld [smem:$0x3FDB];
	s0 =	simm.s32 @p2 $0x1  }
0x17: {  	s4 =	simm.s32 $0x1BF5;
	[smem:$0x3FBA] =	sst s0  }
0x18: {  	s0 =	sld [smem:$0x3F9D];
	_ =	swait.ge [sflag:s4], $0x0  }
0x19: {  	s7 =	sld [smem:$0x3F9E]  }
0x1a: {  	s8 =	sadd.s32 $0xFFFFE003, lr  }
0x1b: {  	s9 =	sadd.s32 $0xFFFFFEF7, lr;
	s5 =	simm.s32 $0xFFFFFFFF;
	p2 =	slt.u32 s8, $0xFFFFF086  }
0x1c: {  	p1 =	slt.u32 s9, $0xF7A;
	s5 =	simm.s32 @!p2 $0x0  }
0x1d: {  	s5 =	simm.s32 @p1 $0x1;
	p0 =	seq.s32 s7, s2  }
0x1e: {  	s7 =	smul.u32 @!p0 $0xF7A, s2;
	p2 =	seq.s32 @!p0 s5, $0x0  }
0x1f: {  	s9 =	smul.u32 $0xF7A, s1;
	s8 =	simm.s32 @!p0 $0x1BF5;
	p2 =	por !p2, p0  }
0x20: {  	[sflag:s8] =	ssyncset.s32 @!p0 $0xFFFFF086;
	s6 =	sadd.s32 @!p0 s3, s7;
	s7 =	simm.s32 @!p0 $0x108  }
0x21: {  	s3 =	sadd.s32 s3, s9;
	s6 =	sadd.s32 @!p0 $0x88, s6;
	s7 =	simm.s32 @p2 $0x1082  }
0x22: {  	[simem:s7], [sflag:s8] =	dma.local @!p0 [hbm:s6], $0xF7A  }
0x23: {  	s9 =	sor.u32 $0xD0000000, s2;
	s6 =	simm.s32 $0x108;
	_ =	swait.ge @!p0 [sflag:s8], $0x0  }
0x24: {  	s3 =	sadd.s32 $0x88, s3;
	s6 =	simm.s32 @!p1 $0x1082;
	[sflag:s4] =	ssyncset.s32 $0xFFFFF086  }
0x25: {  	[simem:s6], [sflag:s4] =	dma.local [hbm:s3], $0xF7A  }
0x26: {  	[smem:$0x3F9E] =	sst s1;
	(tag) =	ssettag s2;
	_ =	strace s9  }
0x27: {  	s1 =	sld [smem:$0x3FAE]  }
0x28: {  	s2 =	sld [smem:$0x3FAF]  }
0x29: {  	s4 =	sld [smem:$0x3FB1]  }
0x2a: {  	p0 =	seq.s32 s5, $0x0;
	s5 =	sld [smem:$0x3FB2]  }
0x2b: {  	s6 =	sld [smem:$0x3FB3]  }
0x2c: {  	s7 =	sld [smem:$0x3FB4]  }
0x2d: {  	s3 =	simm.s32 $0x108;
	s8 =	sld [smem:$0x3FB5]  }
0x2e: {  	s3 =	simm.s32 @!p0 $0x1082;
	s9 =	sld [smem:$0x3FB6]  }
0x2f: {  	lr =	sadd.s32 s0, s3;
	s0 =	sld [smem:$0x3FAD]  }
0x30: {  	s3 =	sld [smem:$0x3FB0]  }
0x31: {  	[smem:$0x3FB9] =	sst s10  }
0x32: {  	s10 =	sld [smem:$0x3FB7];
	_ =	sdelay $0x3  }
0x33: {  	p0 =	seq.s32 s10, $0x1;
	s10 =	sld [smem:$0x3FB9];
	_ =	sdelay $0x3  }
0x34: {  	[smem:$0x3FB9] =	sst s10  }
0x35: {  	s10 =	sld [smem:$0x3FB8];
	_ =	sdelay $0x3  }
0x36: {  	p1 =	seq.s32 s10, $0x1;
	s10 =	sld [smem:$0x3FB9];
	_ =	sdelay $0x3  }
0x37: {  	[smem:$0x3FB9] =	sst s10  }
0x38: {  	s10 =	sld [smem:$0x3FBA]  }
0x39: {  	_ = 	snop;
	(pc) =	sbr.ind lr, $3  }
0x3a: {  	_ = 	snop  }
0x3b: {  	_ = 	snop  }
0x3c: {  	p2 =	seq.s32 s10, $0x1;
	s10 =	sld [smem:$0x3FB9]  }
0x3d: {  	_ =	shalt  }
0x3e: {  	_ =	shalt  }
0x3f: {  	_ =	shalt  }
0x40: {  	_ =	shalt  }
0x41: {  	_ =	shalt  }
0x42: {  	_ =	shalt  }
0x43: {  	_ =	shalt  }
0x44: {  	_ =	shalt  }
0x45: {  	_ =	shalt  }
0x46: {  	_ =	shalt  }
0x47: {  	_ =	shalt  }
0x48: {  	_ =	shalt  }
0x49: {  	_ =	shalt  }
0x4a: {  	_ =	shalt  }
0x4b: {  	_ =	shalt  }
0x4c: {  	_ =	shalt  }
0x4d: {  	_ =	shalt  }
0x4e: {  	_ =	shalt  }
0x4f: {  	_ =	shalt  }
0x50: {  	_ =	shalt  }
0x51: {  	_ =	shalt  }
0x52: {  	_ =	shalt  }
0x53: {  	_ =	shalt  }
0x54: {  	_ =	shalt  }
0x55: {  	_ =	shalt  }
0x56: {  	_ =	shalt  }
0x57: {  	_ =	shalt  }
0x58: {  	_ =	shalt  }
0x59: {  	_ =	shalt  }
0x5a: {  	_ =	shalt  }
0x5b: {  	_ =	shalt  }
0x5c: {  	_ =	shalt  }
0x5d: {  	_ =	shalt  }
0x5e: {  	_ =	shalt  }
0x5f: {  	_ =	shalt  }
0x60: {  	_ =	shalt  }
0x61: {  	_ =	shalt  }
0x62: {  	_ =	shalt  }
0x63: {  	_ =	shalt  }
0x64: {  	_ =	shalt  }
0x65: {  	_ =	shalt  }
0x66: {  	_ =	shalt  }
0x67: {  	_ =	shalt  }
0x68: {  	_ =	shalt  }
0x69: {  	_ =	shalt  }
0x6a: {  	_ =	shalt  }
0x6b: {  	_ =	shalt  }
0x6c: {  	_ =	shalt  }
0x6d: {  	_ =	shalt  }
0x6e: {  	_ =	shalt  }
0x6f: {  	_ =	shalt  }
0x70: {  	_ =	shalt  }
0x71: {  	_ =	shalt  }
0x72: {  	_ =	shalt  }
0x73: {  	_ =	shalt  }
0x74: {  	_ =	shalt  }
0x75: {  	_ =	shalt  }
0x76: {  	_ =	shalt  }
0x77: {  	_ =	shalt  }
0x78: {  	_ =	shalt  }
0x79: {  	_ =	shalt  }
0x7a: {  	_ =	shalt  }
0x7b: {  	_ =	shalt  }
0x7c: {  	_ =	shalt  }
0x7d: {  	_ =	shalt  }
0x7e: {  	_ =	shalt  }
0x7f: {  	_ =	shalt  }
0x80: {  	_ =	shalt  }
0x81: {  	_ =	shalt  }
0x82: {  	_ =	shalt  }
0x83: {  	_ =	shalt  }
0x84: {  	_ =	shalt  }
0x85: {  	_ =	shalt  }
0x86: {  	_ =	shalt  }
0x87: {  	_ =	shalt  }
.Lfunc_end0:
.L_simem_size_0:
called_computation_lowered:
.L_overlay_start_0:
0x88: {  	s2 =	sld [smem:$0x3FD9]  }
0x89: {  	s3 =	sld [smem:$0x3FFE];
	_ =	sdelay $0x1  }
0x8a: {  	s1 =	srdreg.scid  }
0x8b: {  	s0 =	sand.u32 $0x1, s1  }
0x8c: {  	s16 =	sshll.u32 s0, $0xA;
	s2 =	sadd.s32 s3, s2  }
0x8d: {  	s2 =	sadd.s32 s2, s16  }
0x8e: {  	[smem:$0x3FC5] =	sst s2  }
0x8f: {  	_ = 	snop  }
0x90: {  	(tm) =	ssettm $0x1  }
0x91: {  	s17 =	sld [smem:$0x3FFB];
	_ =	sdelay $0x3  }
0x92: {  	_ =	strace s17  }
0x93: {  	s2 =	sld [smem:$0x3FFC];
	_ =	sdelay $0x3  }
0x94: {  	_ =	strace s2  }
0x95: {  	s2 =	sld [smem:$0x3FFD];
	_ =	sdelay $0x3  }
0x96: {  	_ =	strace s2  }
0x97: {  	_ =	strace $0x8FFFFFFF  }
0x98: {  	s18 =	sld [smem:$0x3FDB];
	_ =	sdelay $0x1  }
0x99: {  	s19 =	simm.s32 $_scs_section_size  }
0x9a: {  	s4 =	simm.s32 $_size__tile_overlayer_lowered;
	s5 =	simm.s32 $_tile_overlayer_lowered  }
0x9b: {  	s22 =	simm.s32 $0x1BFF;
	s21 =	sshll.u32 s5, $0x1;
	s2 =	sadd.s32 s19, s18  }
0x9c: {  	s6 =	simm.s32 $0x0;
	s20 =	sshll.u32 s4, $0x1;
	s4 =	sadd.s32 s21, s2  }
0x9d: {  	[timem:s6], [sflag:s22] =	dma.local [hbm:s4], s20  }
0x9e: {  	_ =	swait.ge [sflag:s22], s20  }
0x9f: {  	s3 =	ssub.s32 $0x0, s20;
	[sflag:s22] =	ssyncset.done $0x0  }
0xa0: {  	[sflag:s22] =	ssyncadd.s32 s3;
	_ =	sdelay $0x1  }
0xa1: {  	s23 =	simm.s32 $0x1B8B  }
0xa2: {  	_ =	swait.ge [sflag:s23], $0x1  }
0xa3: {  	[sflag:s23] =	ssyncset.done $0x0  }
0xa4: {  	s25 =	simm.s32 $0x1B8E;
	s24 =	sld [smem:$0x3FFE];
	[sflag:s23] =	ssyncadd.s32 $0xFFFFFFFF  }
0xa5: {  	s26 =	simm.s32 $execute0_lowered;
	[smem:$0x3FD2] =	sst s25  }
0xa6: {  	s4 =	sshll.u32 s26, $0x1;
	_ =	strace $0x80000046;
	[dreg:$0x1] =	wrdreg $0xFFFFFFFF  }
0xa7: {  	s28 =	simm.s32 $_size_execute0_lowered;
	s2 =	sadd.s32 s2, s4;
	[dreg:$0x0] =	wrdreg $0x0  }
0xa8: {  	s4 =	sshll.u32 s28, $0x1;
	[dreg:$0x2] =	wrdreg s2  }
0xa9: {  	[dreg:$0x3] =	wrdreg s4  }
0xaa: {  	[dreg:$0x4] =	wrdreg $0xC0  }
0xab: {  	_ =	task [dreg:s6], $0x5FFFF  }
0xac: {  	[dreg:$0x1] =	wrdreg $0xFFFFFFFF  }
0xad: {  	[dreg:$0x0] =	wrdreg $0x60  }
0xae: {  	[dreg:$0x2] =	wrdreg s24  }
0xaf: {  	[dreg:$0x3] =	wrdreg $0x9  }
0xb0: {  	_ =	task.clear_ibuf [dreg:s6], $0x4FFFF;
	_ =	strace $0x90000046  }
0xb1: {  	s29 =	simm.s32 $0x9;
	_ =	strace $0x80000048  }
0xb2: {  	_ =	swait.ge [sflag:s29], $0x1  }
0xb3: {  	[sflag:s29] =	ssyncadd.s32 $0xFFFFFFFF  }
0xb4: {  	_ =	strace $0x90000048  }
0xb5: {  	_ =	sfence  }
0xb6: {  	s30 =	sld [smem:$0x0];
	_ =	sdelay $0x2  }
0xb7: {  	s31 =	sshll.u32 s1, $0xD;
	s1 =	sshrl.u32 s1, $0x2  }
0xb8: {  	s3 =	sand.u32 $0x4000, s31;
	s1 =	sadd.s32 s1, s30  }
0xb9: {  	s0 =	sor.u32 s3, s0;
	s1 =	sshll.u32 s1, $0x11  }
0xba: {  	s0 =	sor.u32 s1, s0  }
0xbb: {  	s0 =	sadd.s32 $0x8F2B, s0  }
0xbc: {  	[sflag:s0] =	ssyncadd.remote.s32 $0x1  }
0xbd: {  	_ =	sfence.sel $0xFFFF  }
0xbe: {  	[dreg:$0x0] =	wrdreg $0xFFFFFFFF;
	(pc) =	sbr.abs _section_cstart, $3  }
0xbf: {  	[dreg:$0x1] =	wrdreg $0xFFFFFFFF  }
0xc0: {  	_ =	task.clear_ibuf [dreg:s6], $0x2FFFF;
	_ =	strace $0x9FFFFFFF  }
0xc1: {  	(tm) =	ssettm $0x7FFFFFFF  }
tec
execute0_lowered:
.L_overlay_start_1:
0x0: {  	(tag) =	ssettag $0x1  }
0x1: {  	s7 =	stileid.u32  }
0x2: {  	s1 =	srdreg.scid;
	s2 =	sshrl.u32 s7, $0x1  }
0x3: {  	s1 =	sand.u32 $0x1, s1;
	s2 =	smul.u32 $0x48000, s2  }
0x4: {  	s0 =	rddreg [dreg:$0x0];
	s4 =	sand.u32 $0x1, s7;
	s21 =	smul.u32 $0x24000, s1  }
0x5: {  	s3 =	simm.s32 $0x0;
	p0 =	seq.s32 s4, $0x1;
	s4 =	simm.s32 $0x12000  }
0x6: {  	[smem:$0x7FF] =	sst s3;
	s4 =	simm.s32 @!p0 $0x0;
	s2 =	sadd.s32 s21, s2  }
0x7: {  	s23 =	sshll.u32 s7, $0x7;
	_ =	strace $0x80000047;
	s2 =	sadd.s32 s4, s2  }
0x8: {  	s5 =	sshll.u32 s1, $0x4;
	s25 =	ssub.s32 $0x2, s1;
	s2 =	sshrl.u32 s2, $0x3  }
0x9: {  	s22 =	sor.u32 s7, s5;
	s6 =	sshrl.u32 s25, $0x1;
	s2 =	sadd.s32 s2, s0  }
0xa: {  	s7 =	smul.u32 $0x12000, s7;
	p0 =	seq.s32 s1, $0x0;
	s26 =	sadd.s32 $0x49A00, s2  }
0xb: {  	s3 =	sshrl.u32 s22, $0x3;
	s9 =	sadd.s32 $0x49C40, s2;
	[dreg:$0x2] =	wrdreg s26  }
0xc: {  	s4 =	sand.u32 $0x380, s23;
	s10 =	sadd.s32 $0x49E80, s2;
	[dreg:$0x3] =	wrdreg s9  }
0xd: {  	s24 =	sshll.u32 s3, $0xC;
	s11 =	sadd.s32 $0x4A0C0, s2;
	[dreg:$0x4] =	wrdreg s10  }
0xe: {  	s3 =	sshll.u32 s3, $0xA;
	s12 =	sadd.s32 $0x4A300, s2;
	[dreg:$0x5] =	wrdreg s11  }
0xf: {  	s8 =	sshrl.u32 s7, $0x3;
	s13 =	sadd.s32 $0x4A540, s2;
	[dreg:$0x6] =	wrdreg s12  }
0x10: {  	s5 =	sor.u32 s4, s24;
	s14 =	sadd.s32 $0x4A780, s2;
	[dreg:$0x7] =	wrdreg s13  }
0x11: {  	s3 =	sor.u32 s4, s3;
	s15 =	sadd.s32 $0x4A9C0, s2;
	[dreg:$0x8] =	wrdreg s14  }
0x12: {  	s4 =	ssub.s32 s25, s6;
	s16 =	sadd.s32 $0x4AC00, s2;
	[dreg:$0x9] =	wrdreg s15  }
0x13: {  	s6 =	simm.s32 $0x1A00;
	s17 =	sadd.s32 $0x4AE40, s2;
	[dreg:$0xa] =	wrdreg s16  }
0x14: {  	s5 =	sshrl.u32 s5, $0x3;
	s18 =	sadd.s32 $0x4B080, s2;
	[dreg:$0xb] =	wrdreg s17  }
0x15: {  	s3 =	sshrl.u32 s3, $0x3;
	s19 =	sadd.s32 $0x4B2C0, s2;
	[dreg:$0xc] =	wrdreg s18  }
0x16: {  	s6 =	simm.s32 @!p0 $0x25A00;
	s20 =	sadd.s32 $0x4B500, s2;
	[dreg:$0xd] =	wrdreg s19  }
0x17: {  	s5 =	sadd.s32 s5, s0;
	s21 =	sadd.s32 $0x4B740, s2;
	[dreg:$0xe] =	wrdreg s20  }
0x18: {  	s3 =	sadd.s32 s3, s0;
	s22 =	sadd.s32 $0x4B980, s2;
	[dreg:$0xf] =	wrdreg s21  }
0x19: {  	s2 =	sadd.s32 $0x4BBC0, s2;
	s0 =	sadd.s32 s6, s0;
	[dreg:$0x10] =	wrdreg s22  }
0x1a: {  	[dreg:$0x11] =	wrdreg s2;
	s23 =	sadd.s32 $0x91A00, s5;
	s24 =	sadd.s32 $0x92200, s5  }
0x1b: {  	s21 =	sadd.s32 s0, s8;
	s25 =	sadd.s32 $0x92A00, s3;
	s26 =	smax.u32 s4, $0x1  }
0x1c: {  	s8 =	simm.s32 $0x2400;
	s9 =	simm.s32 $0x1;
	s10 =	simm.s32 $0x1200  }
0x1d: {  	s11 =	simm.s32 $0x3600;
	s12 =	simm.s32 $0x4800;
	[dreg:$0x12] =	wrdreg s23  }
0x1e: {  	s13 =	simm.s32 $0x6880;
	s14 =	simm.s32 $0x8900;
	[dreg:$0x13] =	wrdreg s24  }
0x1f: {  	s15 =	simm.s32 $0xA980;
	s16 =	simm.s32 $0x2;
	[dreg:$0x14] =	wrdreg s25  }
0x20: {  	s19 =	simm.s32 $0x3;
	s17 =	simm.s32 $0x0;
	[dreg:$0x15] =	wrdreg s26  }
0x21: {  	s24 =	sadd.s32 $0x240, s21;
	s25 =	sadd.s32 $0x480, s21;
	s26 =	sadd.s32 $0x6C0, s21  }
0x22: {  	s28 =	sadd.s32 $0x900, s21;
	s29 =	sadd.s32 $0xB40, s21;
	s30 =	sadd.s32 $0xD80, s21  }
0x23: {  	s31 =	sadd.s32 $0xFC0, s21;
	s0 =	sadd.s32 $0x1200, s21;
	s1 =	sadd.s32 $0x1440, s21  }
0x24: {  	v1 =	vlaneseq.u32;
	s2 =	sadd.s32 $0x1680, s21;
	s3 =	sadd.s32 $0x18C0, s21;
	s4 =	sadd.s32 $0x1B00, s21  }
0x25: {  	v0 =	vimm.f32 $0.0e+00;
	v1 =	vmul.u32 $0x201, v1;
	s5 =	sadd.s32 $0x1D40, s21;
	s6 =	sadd.s32 $0x1F80, s21;
	s7 =	sadd.s32 $0x21C0, s21  }
.LBB2_1:
0x26: {  	s20 =	simm.s32 $0x40;
	s18 =	simm.s32 $0x0  }
.LBB2_2:
0x27: {  	p0 =	sne.s32 s20, $0x8000;
	[tilespmem:s18+$0xA980] =	vst v0;
	s22 =	smov.u32 s20;
	s20 =	sadd.s32 $0x40, s20  }
.Ltmp0:
0x28: {  	[tilespmem:s18+$0x8900] =	vst v0;
	(pc) =	sbr.rel @p0 .LBB2_2-.Ltmp0, $3  }
0x29: {  	[tilespmem:s18+$0x4800] =	vst v0  }
0x2a: {  	[tilespmem:s18+$0x6880] =	vst v0;
	_ =	sdelay $0x1  }
0x2b: {  	s18 =	sshra.s32 s22, $0x2  }
0x2c: {  	[tilespmem:s18+$0xA980] =	vst v0  }
0x2d: {  	[tilespmem:s18+$0x8900] =	vst v0  }
0x2e: {  	[tilespmem:s18+$0x4800] =	vst v0  }
0x2f: {  	[tilespmem:s18+$0x6880] =	vst v0;
	s23 =	simm.s32 $0x0;
	s20 =	rddreg [dreg:$0x2]  }
0x30: {  	[tilespmem:s23], [sflag:$0x1] =	stream.linear.gather [hbm4b:s20+s23], $0x1200, $0x38;
	[tilespmem:$0xCE80] =	vst v63  }
0x31: {  	_ = 	snop  }
0x32: {  	[tilespmem:s8], [sflag:$0x1] =	stream.linear.gather [hbm4b:s21+s23], $0x1200, $0x38;
	[tilespmem:$0xCE80] =	vst v63  }
0x33: {  	_ =	swait.ge [sflag:s9], $0x1200  }
0x34: {  	[sflag:s9] =	ssyncset.done $0x0  }
0x35: {  	[sflag:s9] =	ssyncadd.s32 $0xFFFFEE00  }
0x36: {  	_ =	swait.ge [sflag:s9], $0x1200  }
0x37: {  	[sflag:s9] =	ssyncset.done $0x0  }
0x38: {  	s22 =	rddreg [dreg:$0x3];
	[sflag:s9] =	ssyncadd.s32 $0xFFFFEE00  }
0x39: {  	[tilespmem:s10], [sflag:$0x2] =	stream.linear.gather [hbm4b:s22+s23], $0x1200, $0x38;
	[tilespmem:$0xCE80] =	vst v63  }
0x3a: {  	_ = 	snop  }
0x3b: {  	[tilespmem:s11], [sflag:$0x2] =	stream.linear.gather [hbm4b:s24+s23], $0x1200, $0x38;
	[tilespmem:$0xCE80] =	vst v63  }
0x3c: {  	s23 =	simm.s32 $0x0  }
0x3d: {  	v3 =	vld [tilespmem:s23+$0x2410]  }
0x3e: {  	v4 =	vld [tilespmem:s23+$0x2400]  }
0x3f: {  	v6 =	vld [tilespmem:s23+$0x0]  }
0x40: {  	v5 =	vld [tilespmem:s23+$0x10]  }
0x41: {  	v2 =	vimm.f32 $0.0e+00;
	s18 =	simm.s32 $0x80  }
.LBB2_4:
0x42: {  	p0 =	sne.s32 s18, $0x4780;
	_ =	sdelay $0x1  }
0x43: {  	v6 =	vsub.f32 v6, v4  }
0x44: {  	v5 =	vsub.f32 v5, v3  }
0x45: {  	v6 =	vmul.f32 v6, v6  }
0x46: {  	v5 =	vmul.f32 v5, v5  }
0x47: {  	v2 =	vadd.f32 v6, v2;
	v7 =	vshra.s32 v6, $0x16  }
0x48: {  	v8 =	vshra.s32 v5, $0x16;
	v7 =	vadd.s32 v1, v7  }
0x49: {  	v8 =	vadd.s32 v1, v8;
	v2 =	vadd.f32 v5, v2;
	_ =	sdelay $0x1  }
0x4a: {  	v4 =	vsub.f32 $1.000000000e+00, v4  }
0x4b: {  	v3 =	vsub.f32 $1.000000000e+00, v3  }
0x4c: {  	[tilespmem:v7+s12+$0x0] =	vst.idx.add.f32.msk $0xffff, v4;
	v4 =	vmul.f32 v6, v4  }
0x4d: {  	[tilespmem:v8+s13+$0x0] =	vst.idx.add.f32.msk $0xffff, v3;
	v3 =	vmul.f32 v5, v3  }
0x4e: {  	[tilespmem:v7+s14+$0x0] =	vst.idx.add.f32.msk $0xffff, v4  }
0x4f: {  	s20 =	sshra.s32 s18, $0x2;
	[tilespmem:v8+s15+$0x0] =	vst.idx.add.f32.msk $0xffff, v3  }
0x50: {  	v3 =	vld [tilespmem:s20+$0x2410]  }
.Ltmp1:
0x51: {  	v4 =	vld [tilespmem:s20+$0x2400];
	(pc) =	sbr.rel @p0 .LBB2_4-.Ltmp1, $3  }
0x52: {  	v5 =	vld [tilespmem:s20+$0x10]  }
0x53: {  	v6 =	vld [tilespmem:s20+$0x0];
	_ =	sdelay $0x1  }
0x54: {  	s18 =	sadd.s32 $0x80, s18  }
0x55: {  	_ =	sdelay $0x1  }
0x56: {  	v6 =	vsub.f32 v6, v4  }
0x57: {  	v5 =	vsub.f32 v5, v3  }
0x58: {  	v6 =	vmul.f32 v6, v6  }
0x59: {  	v7 =	vmul.f32 v5, v5  }
0x5a: {  	v5 =	vshra.s32 v6, $0x16  }
0x5b: {  	v8 =	vshra.s32 v7, $0x16;
	v5 =	vadd.s32 v1, v5  }
0x5c: {  	v8 =	vadd.s32 v1, v8;
	_ =	sdelay $0x1  }
0x5d: {  	v4 =	vsub.f32 $1.000000000e+00, v4  }
0x5e: {  	v3 =	vsub.f32 $1.000000000e+00, v3  }
0x5f: {  	[tilespmem:v5+s12+$0x0] =	vst.idx.add.f32.msk $0xffff, v4;
	v4 =	vmul.f32 v6, v4  }
0x60: {  	[tilespmem:v8+s13+$0x0] =	vst.idx.add.f32.msk $0xffff, v3;
	v3 =	vmul.f32 v7, v3  }
0x61: {  	[tilespmem:v5+s14+$0x0] =	vst.idx.add.f32.msk $0xffff, v4  }
0x62: {  	[tilespmem:v8+s15+$0x0] =	vst.idx.add.f32.msk $0xffff, v3  }
0x63: {  	_ =	swait.ge [sflag:s16], $0x1200  }
0x64: {  	[sflag:s16] =	ssyncset.done $0x0  }
0x65: {  	[sflag:s16] =	ssyncadd.s32 $0xFFFFEE00  }
0x66: {  	_ =	swait.ge [sflag:s16], $0x1200  }
0x67: {  	[sflag:s16] =	ssyncset.done $0x0  }
0x68: {  	s18 =	simm.s32 $0x0;
	s20 =	rddreg [dreg:$0x4];
	[sflag:s16] =	ssyncadd.s32 $0xFFFFEE00  }
0x69: {  	[tilespmem:s18], [sflag:$0x1] =	stream.linear.gather [hbm4b:s20+s18], $0x1200, $0x38;
	[tilespmem:$0xCE80] =	vst v63  }
0x6a: {  	s23 =	simm.s32 $0x0  }
0x6b: {  	[tilespmem:s8], [sflag:$0x1] =	stream.linear.gather [hbm4b:s25+s18], $0x1200, $0x38;
	[tilespmem:$0xCE80] =	vst v63  }
0x6c: {  	v3 =	vld [tilespmem:s23+$0x3610]  }
0x6d: {  	v4 =	vld [tilespmem:s23+$0x3600]  }
0x6e: {  	v2 =	vadd.f32 v6, v2;
	v6 =	vld [tilespmem:s23+$0x1200]  }
0x6f: {  	v5 =	vld [tilespmem:s23+$0x1210]  }
0x70: {  	v2 =	vadd.f32 v7, v2;
	s18 =	simm.s32 $0x80  }
.LBB2_6:
0x71: {  	p0 =	sne.s32 s18, $0x4780;
	_ =	sdelay $0x1  }
0x72: {  	v6 =	vsub.f32 v6, v4  }
0x73: {  	v5 =	vsub.f32 v5, v3  }
0x74: {  	v6 =	vmul.f32 v6, v6  }
0x75: {  	v5 =	vmul.f32 v5, v5  }
0x76: {  	v2 =	vadd.f32 v6, v2;
	v7 =	vshra.s32 v6, $0x16  }
0x77: {  	v8 =	vshra.s32 v5, $0x16;
	v7 =	vadd.s32 v1, v7  }
0x78: {  	v8 =	vadd.s32 v1, v8;
	v2 =	vadd.f32 v5, v2;
	_ =	sdelay $0x1  }
0x79: {  	v4 =	vsub.f32 $1.000000000e+00, v4  }
0x7a: {  	v3 =	vsub.f32 $1.000000000e+00, v3  }
0x7b: {  	[tilespmem:v7+s12+$0x0] =	vst.idx.add.f32.msk $0xffff, v4;
	v4 =	vmul.f32 v6, v4  }
0x7c: {  	[tilespmem:v8+s13+$0x0] =	vst.idx.add.f32.msk $0xffff, v3;
	v3 =	vmul.f32 v5, v3  }
0x7d: {  	[tilespmem:v7+s14+$0x0] =	vst.idx.add.f32.msk $0xffff, v4  }
0x7e: {  	s20 =	sshra.s32 s18, $0x2;
	[tilespmem:v8+s15+$0x0] =	vst.idx.add.f32.msk $0xffff, v3  }
0x7f: {  	v3 =	vld [tilespmem:s20+$0x3610]  }
.Ltmp2:
0x80: {  	v4 =	vld [tilespmem:s20+$0x3600];
	(pc) =	sbr.rel @p0 .LBB2_6-.Ltmp2, $3  }
0x81: {  	v5 =	vld [tilespmem:s20+$0x1210]  }
0x82: {  	v6 =	vld [tilespmem:s20+$0x1200];
	_ =	sdelay $0x1  }
0x83: {  	s18 =	sadd.s32 $0x80, s18  }
0x84: {  	_ =	sdelay $0x1  }
0x85: {  	v6 =	vsub.f32 v6, v4  }
0x86: {  	v5 =	vsub.f32 v5, v3  }
0x87: {  	v6 =	vmul.f32 v6, v6  }
0x88: {  	v7 =	vmul.f32 v5, v5  }
0x89: {  	v5 =	vshra.s32 v6, $0x16  }
0x8a: {  	v8 =	vshra.s32 v7, $0x16;
	v5 =	vadd.s32 v1, v5  }
0x8b: {  	v8 =	vadd.s32 v1, v8;
	_ =	sdelay $0x1  }
0x8c: {  	v4 =	vsub.f32 $1.000000000e+00, v4  }
0x8d: {  	v3 =	vsub.f32 $1.000000000e+00, v3  }
0x8e: {  	[tilespmem:v5+s12+$0x0] =	vst.idx.add.f32.msk $0xffff, v4;
	v4 =	vmul.f32 v6, v4  }
0x8f: {  	[tilespmem:v8+s13+$0x0] =	vst.idx.add.f32.msk $0xffff, v3;
	v3 =	vmul.f32 v7, v3  }
0x90: {  	[tilespmem:v5+s14+$0x0] =	vst.idx.add.f32.msk $0xffff, v4  }
0x91: {  	[tilespmem:v8+s15+$0x0] =	vst.idx.add.f32.msk $0xffff, v3  }
0x92: {  	_ =	swait.ge [sflag:s9], $0x1200  }
0x93: {  	[sflag:s9] =	ssyncset.done $0x0  }
0x94: {  	[sflag:s9] =	ssyncadd.s32 $0xFFFFEE00  }
0x95: {  	_ =	swait.ge [sflag:s9], $0x1200  }
0x96: {  	[sflag:s9] =	ssyncset.done $0x0  }
0x97: {  	s18 =	simm.s32 $0x0;
	s20 =	rddreg [dreg:$0x5];
	[sflag:s9] =	ssyncadd.s32 $0xFFFFEE00  }
0x98: {  	[tilespmem:s10], [sflag:$0x2] =	stream.linear.gather [hbm4b:s20+s18], $0x1200, $0x38;
	[tilespmem:$0xCE80] =	vst v63  }
0x99: {  	s23 =	simm.s32 $0x0  }
0x9a: {  	[tilespmem:s11], [sflag:$0x2] =	stream.linear.gather [hbm4b:s26+s18], $0x1200, $0x38;
	[tilespmem:$0xCE80] =	vst v63  }
0x9b: {  	v3 =	vld [tilespmem:s23+$0x2410]  }
0x9c: {  	v4 =	vld [tilespmem:s23+$0x2400]  }
0x9d: {  	v2 =	vadd.f32 v6, v2;
	v6 =	vld [tilespmem:s23+$0x0]  }
0x9e: {  	v5 =	vld [tilespmem:s23+$0x10]  }
0x9f: {  	v2 =	vadd.f32 v7, v2;
	s18 =	simm.s32 $0x80  }
.LBB2_8:
0xa0: {  	p0 =	sne.s32 s18, $0x4780;
	_ =	sdelay $0x1  }
0xa1: {  	v6 =	vsub.f32 v6, v4  }
0xa2: {  	v5 =	vsub.f32 v5, v3  }
0xa3: {  	v6 =	vmul.f32 v6, v6  }
0xa4: {  	v5 =	vmul.f32 v5, v5  }
0xa5: {  	v2 =	vadd.f32 v6, v2;
	v7 =	vshra.s32 v6, $0x16  }
0xa6: {  	v8 =	vshra.s32 v5, $0x16;
	v7 =	vadd.s32 v1, v7  }
0xa7: {  	v8 =	vadd.s32 v1, v8;
	v2 =	vadd.f32 v5, v2;
	_ =	sdelay $0x1  }
0xa8: {  	v4 =	vsub.f32 $1.000000000e+00, v4  }
0xa9: {  	v3 =	vsub.f32 $1.000000000e+00, v3  }
0xaa: {  	[tilespmem:v7+s12+$0x0] =	vst.idx.add.f32.msk $0xffff, v4;
	v4 =	vmul.f32 v6, v4  }
0xab: {  	[tilespmem:v8+s13+$0x0] =	vst.idx.add.f32.msk $0xffff, v3;
	v3 =	vmul.f32 v5, v3  }
0xac: {  	[tilespmem:v7+s14+$0x0] =	vst.idx.add.f32.msk $0xffff, v4  }
0xad: {  	s20 =	sshra.s32 s18, $0x2;
	[tilespmem:v8+s15+$0x0] =	vst.idx.add.f32.msk $0xffff, v3  }
0xae: {  	v3 =	vld [tilespmem:s20+$0x2410]  }
.Ltmp3:
0xaf: {  	v4 =	vld [tilespmem:s20+$0x2400];
	(pc) =	sbr.rel @p0 .LBB2_8-.Ltmp3, $3  }
0xb0: {  	v5 =	vld [tilespmem:s20+$0x10]  }
0xb1: {  	v6 =	vld [tilespmem:s20+$0x0];
	_ =	sdelay $0x1  }
0xb2: {  	s18 =	sadd.s32 $0x80, s18  }
0xb3: {  	_ =	sdelay $0x1  }
0xb4: {  	v6 =	vsub.f32 v6, v4  }
0xb5: {  	v5 =	vsub.f32 v5, v3  }
0xb6: {  	v6 =	vmul.f32 v6, v6  }
0xb7: {  	v7 =	vmul.f32 v5, v5  }
0xb8: {  	v5 =	vshra.s32 v6, $0x16  }
0xb9: {  	v8 =	vshra.s32 v7, $0x16;
	v5 =	vadd.s32 v1, v5  }
0xba: {  	v8 =	vadd.s32 v1, v8;
	_ =	sdelay $0x1  }
0xbb: {  	v4 =	vsub.f32 $1.000000000e+00, v4  }
0xbc: {  	v3 =	vsub.f32 $1.000000000e+00, v3  }
0xbd: {  	[tilespmem:v5+s12+$0x0] =	vst.idx.add.f32.msk $0xffff, v4;
	v4 =	vmul.f32 v6, v4  }
0xbe: {  	[tilespmem:v8+s13+$0x0] =	vst.idx.add.f32.msk $0xffff, v3;
	v3 =	vmul.f32 v7, v3  }
0xbf: {  	[tilespmem:v5+s14+$0x0] =	vst.idx.add.f32.msk $0xffff, v4  }
0xc0: {  	[tilespmem:v8+s15+$0x0] =	vst.idx.add.f32.msk $0xffff, v3  }
0xc1: {  	_ =	swait.ge [sflag:s16], $0x1200  }
0xc2: {  	[sflag:s16] =	ssyncset.done $0x0  }
0xc3: {  	[sflag:s16] =	ssyncadd.s32 $0xFFFFEE00  }
0xc4: {  	_ =	swait.ge [sflag:s16], $0x1200  }
0xc5: {  	[sflag:s16] =	ssyncset.done $0x0  }
0xc6: {  	s18 =	simm.s32 $0x0;
	s20 =	rddreg [dreg:$0x6];
	[sflag:s16] =	ssyncadd.s32 $0xFFFFEE00  }
0xc7: {  	[tilespmem:s18], [sflag:$0x1] =	stream.linear.gather [hbm4b:s20+s18], $0x1200, $0x38;
	[tilespmem:$0xCE80] =	vst v63  }
0xc8: {  	s23 =	simm.s32 $0x0  }
0xc9: {  	[tilespmem:s8], [sflag:$0x1] =	stream.linear.gather [hbm4b:s28+s18], $0x1200, $0x38;
	[tilespmem:$0xCE80] =	vst v63  }
0xca: {  	v3 =	vld [tilespmem:s23+$0x3610]  }
0xcb: {  	v4 =	vld [tilespmem:s23+$0x3600]  }
0xcc: {  	v2 =	vadd.f32 v6, v2;
	v6 =	vld [tilespmem:s23+$0x1200]  }
0xcd: {  	v5 =	vld [tilespmem:s23+$0x1210]  }
0xce: {  	v2 =	vadd.f32 v7, v2;
	s18 =	simm.s32 $0x80  }
.LBB2_10:
0xcf: {  	p0 =	sne.s32 s18, $0x4780;
	_ =	sdelay $0x1  }
0xd0: {  	v6 =	vsub.f32 v6, v4  }
0xd1: {  	v5 =	vsub.f32 v5, v3  }
0xd2: {  	v6 =	vmul.f32 v6, v6  }
0xd3: {  	v5 =	vmul.f32 v5, v5  }
0xd4: {  	v2 =	vadd.f32 v6, v2;
	v7 =	vshra.s32 v6, $0x16  }
0xd5: {  	v8 =	vshra.s32 v5, $0x16;
	v7 =	vadd.s32 v1, v7  }
0xd6: {  	v8 =	vadd.s32 v1, v8;
	v2 =	vadd.f32 v5, v2;
	_ =	sdelay $0x1  }
0xd7: {  	v4 =	vsub.f32 $1.000000000e+00, v4  }
0xd8: {  	v3 =	vsub.f32 $1.000000000e+00, v3  }
0xd9: {  	[tilespmem:v7+s12+$0x0] =	vst.idx.add.f32.msk $0xffff, v4;
	v4 =	vmul.f32 v6, v4  }
0xda: {  	[tilespmem:v8+s13+$0x0] =	vst.idx.add.f32.msk $0xffff, v3;
	v3 =	vmul.f32 v5, v3  }
0xdb: {  	[tilespmem:v7+s14+$0x0] =	vst.idx.add.f32.msk $0xffff, v4  }
0xdc: {  	s20 =	sshra.s32 s18, $0x2;
	[tilespmem:v8+s15+$0x0] =	vst.idx.add.f32.msk $0xffff, v3  }
0xdd: {  	v3 =	vld [tilespmem:s20+$0x3610]  }
.Ltmp4:
0xde: {  	v4 =	vld [tilespmem:s20+$0x3600];
	(pc) =	sbr.rel @p0 .LBB2_10-.Ltmp4, $3  }
0xdf: {  	v5 =	vld [tilespmem:s20+$0x1210]  }
0xe0: {  	v6 =	vld [tilespmem:s20+$0x1200];
	_ =	sdelay $0x1  }
0xe1: {  	s18 =	sadd.s32 $0x80, s18  }
0xe2: {  	_ =	sdelay $0x1  }
0xe3: {  	v6 =	vsub.f32 v6, v4  }
0xe4: {  	v5 =	vsub.f32 v5, v3  }
0xe5: {  	v6 =	vmul.f32 v6, v6  }
0xe6: {  	v7 =	vmul.f32 v5, v5  }
0xe7: {  	v5 =	vshra.s32 v6, $0x16  }
0xe8: {  	v8 =	vshra.s32 v7, $0x16;
	v5 =	vadd.s32 v1, v5  }
0xe9: {  	v8 =	vadd.s32 v1, v8;
	_ =	sdelay $0x1  }
0xea: {  	v4 =	vsub.f32 $1.000000000e+00, v4  }
0xeb: {  	v3 =	vsub.f32 $1.000000000e+00, v3  }
0xec: {  	[tilespmem:v5+s12+$0x0] =	vst.idx.add.f32.msk $0xffff, v4;
	v4 =	vmul.f32 v6, v4  }
0xed: {  	[tilespmem:v8+s13+$0x0] =	vst.idx.add.f32.msk $0xffff, v3;
	v3 =	vmul.f32 v7, v3  }
0xee: {  	[tilespmem:v5+s14+$0x0] =	vst.idx.add.f32.msk $0xffff, v4  }
0xef: {  	[tilespmem:v8+s15+$0x0] =	vst.idx.add.f32.msk $0xffff, v3  }
0xf0: {  	_ =	swait.ge [sflag:s9], $0x1200  }
0xf1: {  	[sflag:s9] =	ssyncset.done $0x0  }
0xf2: {  	[sflag:s9] =	ssyncadd.s32 $0xFFFFEE00  }
0xf3: {  	_ =	swait.ge [sflag:s9], $0x1200  }
0xf4: {  	[sflag:s9] =	ssyncset.done $0x0  }
0xf5: {  	s18 =	simm.s32 $0x0;
	s20 =	rddreg [dreg:$0x7];
	[sflag:s9] =	ssyncadd.s32 $0xFFFFEE00  }
0xf6: {  	[tilespmem:s10], [sflag:$0x2] =	stream.linear.gather [hbm4b:s20+s18], $0x1200, $0x38;
	[tilespmem:$0xCE80] =	vst v63  }
0xf7: {  	s23 =	simm.s32 $0x0  }
0xf8: {  	[tilespmem:s11], [sflag:$0x2] =	stream.linear.gather [hbm4b:s29+s18], $0x1200, $0x38;
	[tilespmem:$0xCE80] =	vst v63  }
0xf9: {  	v3 =	vld [tilespmem:s23+$0x2410]  }
0xfa: {  	v4 =	vld [tilespmem:s23+$0x2400]  }
0xfb: {  	v2 =	vadd.f32 v6, v2;
	v6 =	vld [tilespmem:s23+$0x0]  }
0xfc: {  	v5 =	vld [tilespmem:s23+$0x10]  }
0xfd: {  	v2 =	vadd.f32 v7, v2;
	s18 =	simm.s32 $0x80  }
.LBB2_12:
0xfe: {  	p0 =	sne.s32 s18, $0x4780;
	_ =	sdelay $0x1  }
0xff: {  	v6 =	vsub.f32 v6, v4  }
0x100: {  	v5 =	vsub.f32 v5, v3  }
0x101: {  	v6 =	vmul.f32 v6, v6  }
0x102: {  	v5 =	vmul.f32 v5, v5  }
0x103: {  	v2 =	vadd.f32 v6, v2;
	v7 =	vshra.s32 v6, $0x16  }
0x104: {  	v8 =	vshra.s32 v5, $0x16;
	v7 =	vadd.s32 v1, v7  }
0x105: {  	v8 =	vadd.s32 v1, v8;
	v2 =	vadd.f32 v5, v2;
	_ =	sdelay $0x1  }
0x106: {  	v4 =	vsub.f32 $1.000000000e+00, v4  }
0x107: {  	v3 =	vsub.f32 $1.000000000e+00, v3  }
0x108: {  	[tilespmem:v7+s12+$0x0] =	vst.idx.add.f32.msk $0xffff, v4;
	v4 =	vmul.f32 v6, v4  }
0x109: {  	[tilespmem:v8+s13+$0x0] =	vst.idx.add.f32.msk $0xffff, v3;
	v3 =	vmul.f32 v5, v3  }
0x10a: {  	[tilespmem:v7+s14+$0x0] =	vst.idx.add.f32.msk $0xffff, v4  }
0x10b: {  	s20 =	sshra.s32 s18, $0x2;
	[tilespmem:v8+s15+$0x0] =	vst.idx.add.f32.msk $0xffff, v3  }
0x10c: {  	v3 =	vld [tilespmem:s20+$0x2410]  }
.Ltmp5:
0x10d: {  	v4 =	vld [tilespmem:s20+$0x2400];
	(pc) =	sbr.rel @p0 .LBB2_12-.Ltmp5, $3  }
0x10e: {  	v5 =	vld [tilespmem:s20+$0x10]  }
0x10f: {  	v6 =	vld [tilespmem:s20+$0x0];
	_ =	sdelay $0x1  }
0x110: {  	s18 =	sadd.s32 $0x80, s18  }
0x111: {  	_ =	sdelay $0x1  }
0x112: {  	v6 =	vsub.f32 v6, v4  }
0x113: {  	v5 =	vsub.f32 v5, v3  }
0x114: {  	v6 =	vmul.f32 v6, v6  }
0x115: {  	v7 =	vmul.f32 v5, v5  }
0x116: {  	v5 =	vshra.s32 v6, $0x16  }
0x117: {  	v8 =	vshra.s32 v7, $0x16;
	v5 =	vadd.s32 v1, v5  }
0x118: {  	v8 =	vadd.s32 v1, v8;
	_ =	sdelay $0x1  }
0x119: {  	v4 =	vsub.f32 $1.000000000e+00, v4  }
0x11a: {  	v3 =	vsub.f32 $1.000000000e+00, v3  }
0x11b: {  	[tilespmem:v5+s12+$0x0] =	vst.idx.add.f32.msk $0xffff, v4;
	v4 =	vmul.f32 v6, v4  }
0x11c: {  	[tilespmem:v8+s13+$0x0] =	vst.idx.add.f32.msk $0xffff, v3;
	v3 =	vmul.f32 v7, v3  }
0x11d: {  	[tilespmem:v5+s14+$0x0] =	vst.idx.add.f32.msk $0xffff, v4  }
0x11e: {  	[tilespmem:v8+s15+$0x0] =	vst.idx.add.f32.msk $0xffff, v3  }
0x11f: {  	_ =	swait.ge [sflag:s16], $0x1200  }
0x120: {  	[sflag:s16] =	ssyncset.done $0x0  }
0x121: {  	[sflag:s16] =	ssyncadd.s32 $0xFFFFEE00  }
0x122: {  	_ =	swait.ge [sflag:s16], $0x1200  }
0x123: {  	[sflag:s16] =	ssyncset.done $0x0  }
0x124: {  	s18 =	simm.s32 $0x0;
	s20 =	rddreg [dreg:$0x8];
	[sflag:s16] =	ssyncadd.s32 $0xFFFFEE00  }
0x125: {  	[tilespmem:s18], [sflag:$0x1] =	stream.linear.gather [hbm4b:s20+s18], $0x1200, $0x38;
	[tilespmem:$0xCE80] =	vst v63  }
0x126: {  	s23 =	simm.s32 $0x0  }
0x127: {  	[tilespmem:s8], [sflag:$0x1] =	stream.linear.gather [hbm4b:s30+s18], $0x1200, $0x38;
	[tilespmem:$0xCE80] =	vst v63  }
0x128: {  	v3 =	vld [tilespmem:s23+$0x3610]  }
0x129: {  	v4 =	vld [tilespmem:s23+$0x3600]  }
0x12a: {  	v2 =	vadd.f32 v6, v2;
	v6 =	vld [tilespmem:s23+$0x1200]  }
0x12b: {  	v5 =	vld [tilespmem:s23+$0x1210]  }
0x12c: {  	v2 =	vadd.f32 v7, v2;
	s18 =	simm.s32 $0x80  }
.LBB2_14:
0x12d: {  	p0 =	sne.s32 s18, $0x4780;
	_ =	sdelay $0x1  }
0x12e: {  	v6 =	vsub.f32 v6, v4  }
0x12f: {  	v5 =	vsub.f32 v5, v3  }
0x130: {  	v6 =	vmul.f32 v6, v6  }
0x131: {  	v5 =	vmul.f32 v5, v5  }
0x132: {  	v2 =	vadd.f32 v6, v2;
	v7 =	vshra.s32 v6, $0x16  }
0x133: {  	v8 =	vshra.s32 v5, $0x16;
	v7 =	vadd.s32 v1, v7  }
0x134: {  	v8 =	vadd.s32 v1, v8;
	v2 =	vadd.f32 v5, v2;
	_ =	sdelay $0x1  }
0x135: {  	v4 =	vsub.f32 $1.000000000e+00, v4  }
0x136: {  	v3 =	vsub.f32 $1.000000000e+00, v3  }
0x137: {  	[tilespmem:v7+s12+$0x0] =	vst.idx.add.f32.msk $0xffff, v4;
	v4 =	vmul.f32 v6, v4  }
0x138: {  	[tilespmem:v8+s13+$0x0] =	vst.idx.add.f32.msk $0xffff, v3;
	v3 =	vmul.f32 v5, v3  }
0x139: {  	[tilespmem:v7+s14+$0x0] =	vst.idx.add.f32.msk $0xffff, v4  }
0x13a: {  	s20 =	sshra.s32 s18, $0x2;
	[tilespmem:v8+s15+$0x0] =	vst.idx.add.f32.msk $0xffff, v3  }
0x13b: {  	v3 =	vld [tilespmem:s20+$0x3610]  }
.Ltmp6:
0x13c: {  	v4 =	vld [tilespmem:s20+$0x3600];
	(pc) =	sbr.rel @p0 .LBB2_14-.Ltmp6, $3  }
0x13d: {  	v5 =	vld [tilespmem:s20+$0x1210]  }
0x13e: {  	v6 =	vld [tilespmem:s20+$0x1200];
	_ =	sdelay $0x1  }
0x13f: {  	s18 =	sadd.s32 $0x80, s18  }
0x140: {  	_ =	sdelay $0x1  }
0x141: {  	v6 =	vsub.f32 v6, v4  }
0x142: {  	v5 =	vsub.f32 v5, v3  }
0x143: {  	v6 =	vmul.f32 v6, v6  }
0x144: {  	v7 =	vmul.f32 v5, v5  }
0x145: {  	v5 =	vshra.s32 v6, $0x16  }
0x146: {  	v8 =	vshra.s32 v7, $0x16;
	v5 =	vadd.s32 v1, v5  }
0x147: {  	v8 =	vadd.s32 v1, v8;
	_ =	sdelay $0x1  }
0x148: {  	v4 =	vsub.f32 $1.000000000e+00, v4  }
0x149: {  	v3 =	vsub.f32 $1.000000000e+00, v3  }
0x14a: {  	[tilespmem:v5+s12+$0x0] =	vst.idx.add.f32.msk $0xffff, v4;
	v4 =	vmul.f32 v6, v4  }
0x14b: {  	[tilespmem:v8+s13+$0x0] =	vst.idx.add.f32.msk $0xffff, v3;
	v3 =	vmul.f32 v7, v3  }
0x14c: {  	[tilespmem:v5+s14+$0x0] =	vst.idx.add.f32.msk $0xffff, v4  }
0x14d: {  	[tilespmem:v8+s15+$0x0] =	vst.idx.add.f32.msk $0xffff, v3  }
0x14e: {  	_ =	swait.ge [sflag:s9], $0x1200  }
0x14f: {  	[sflag:s9] =	ssyncset.done $0x0  }
0x150: {  	[sflag:s9] =	ssyncadd.s32 $0xFFFFEE00  }
0x151: {  	_ =	swait.ge [sflag:s9], $0x1200  }
0x152: {  	[sflag:s9] =	ssyncset.done $0x0  }
0x153: {  	s18 =	simm.s32 $0x0;
	s20 =	rddreg [dreg:$0x9];
	[sflag:s9] =	ssyncadd.s32 $0xFFFFEE00  }
0x154: {  	[tilespmem:s10], [sflag:$0x2] =	stream.linear.gather [hbm4b:s20+s18], $0x1200, $0x38;
	[tilespmem:$0xCE80] =	vst v63  }
0x155: {  	s23 =	simm.s32 $0x0  }
0x156: {  	[tilespmem:s11], [sflag:$0x2] =	stream.linear.gather [hbm4b:s31+s18], $0x1200, $0x38;
	[tilespmem:$0xCE80] =	vst v63  }
0x157: {  	v3 =	vld [tilespmem:s23+$0x2410]  }
0x158: {  	v4 =	vld [tilespmem:s23+$0x2400]  }
0x159: {  	v2 =	vadd.f32 v6, v2;
	v6 =	vld [tilespmem:s23+$0x0]  }
0x15a: {  	v5 =	vld [tilespmem:s23+$0x10]  }
0x15b: {  	v2 =	vadd.f32 v7, v2;
	s18 =	simm.s32 $0x80  }
.LBB2_16:
0x15c: {  	p0 =	sne.s32 s18, $0x4780;
	_ =	sdelay $0x1  }
0x15d: {  	v6 =	vsub.f32 v6, v4  }
0x15e: {  	v5 =	vsub.f32 v5, v3  }
0x15f: {  	v6 =	vmul.f32 v6, v6  }
0x160: {  	v5 =	vmul.f32 v5, v5  }
0x161: {  	v2 =	vadd.f32 v6, v2;
	v7 =	vshra.s32 v6, $0x16  }
0x162: {  	v8 =	vshra.s32 v5, $0x16;
	v7 =	vadd.s32 v1, v7  }
0x163: {  	v8 =	vadd.s32 v1, v8;
	v2 =	vadd.f32 v5, v2;
	_ =	sdelay $0x1  }
0x164: {  	v4 =	vsub.f32 $1.000000000e+00, v4  }
0x165: {  	v3 =	vsub.f32 $1.000000000e+00, v3  }
0x166: {  	[tilespmem:v7+s12+$0x0] =	vst.idx.add.f32.msk $0xffff, v4;
	v4 =	vmul.f32 v6, v4  }
0x167: {  	[tilespmem:v8+s13+$0x0] =	vst.idx.add.f32.msk $0xffff, v3;
	v3 =	vmul.f32 v5, v3  }
0x168: {  	[tilespmem:v7+s14+$0x0] =	vst.idx.add.f32.msk $0xffff, v4  }
0x169: {  	s20 =	sshra.s32 s18, $0x2;
	[tilespmem:v8+s15+$0x0] =	vst.idx.add.f32.msk $0xffff, v3  }
0x16a: {  	v3 =	vld [tilespmem:s20+$0x2410]  }
.Ltmp7:
0x16b: {  	v4 =	vld [tilespmem:s20+$0x2400];
	(pc) =	sbr.rel @p0 .LBB2_16-.Ltmp7, $3  }
0x16c: {  	v5 =	vld [tilespmem:s20+$0x10]  }
0x16d: {  	v6 =	vld [tilespmem:s20+$0x0];
	_ =	sdelay $0x1  }
0x16e: {  	s18 =	sadd.s32 $0x80, s18  }
0x16f: {  	_ =	sdelay $0x1  }
0x170: {  	v6 =	vsub.f32 v6, v4  }
0x171: {  	v5 =	vsub.f32 v5, v3  }
0x172: {  	v6 =	vmul.f32 v6, v6  }
0x173: {  	v7 =	vmul.f32 v5, v5  }
0x174: {  	v5 =	vshra.s32 v6, $0x16  }
0x175: {  	v8 =	vshra.s32 v7, $0x16;
	v5 =	vadd.s32 v1, v5  }
0x176: {  	v8 =	vadd.s32 v1, v8;
	_ =	sdelay $0x1  }
0x177: {  	v4 =	vsub.f32 $1.000000000e+00, v4  }
0x178: {  	v3 =	vsub.f32 $1.000000000e+00, v3  }
0x179: {  	[tilespmem:v5+s12+$0x0] =	vst.idx.add.f32.msk $0xffff, v4;
	v4 =	vmul.f32 v6, v4  }
0x17a: {  	[tilespmem:v8+s13+$0x0] =	vst.idx.add.f32.msk $0xffff, v3;
	v3 =	vmul.f32 v7, v3  }
0x17b: {  	[tilespmem:v5+s14+$0x0] =	vst.idx.add.f32.msk $0xffff, v4  }
0x17c: {  	[tilespmem:v8+s15+$0x0] =	vst.idx.add.f32.msk $0xffff, v3  }
0x17d: {  	_ =	swait.ge [sflag:s16], $0x1200  }
0x17e: {  	[sflag:s16] =	ssyncset.done $0x0  }
0x17f: {  	[sflag:s16] =	ssyncadd.s32 $0xFFFFEE00  }
0x180: {  	_ =	swait.ge [sflag:s16], $0x1200  }
0x181: {  	[sflag:s16] =	ssyncset.done $0x0  }
0x182: {  	s18 =	simm.s32 $0x0;
	s20 =	rddreg [dreg:$0xa];
	[sflag:s16] =	ssyncadd.s32 $0xFFFFEE00  }
0x183: {  	[tilespmem:s18], [sflag:$0x1] =	stream.linear.gather [hbm4b:s20+s18], $0x1200, $0x38;
	[tilespmem:$0xCE80] =	vst v63  }
0x184: {  	s23 =	simm.s32 $0x0  }
0x185: {  	[tilespmem:s8], [sflag:$0x1] =	stream.linear.gather [hbm4b:s0+s18], $0x1200, $0x38;
	[tilespmem:$0xCE80] =	vst v63  }
0x186: {  	v3 =	vld [tilespmem:s23+$0x3610]  }
0x187: {  	v4 =	vld [tilespmem:s23+$0x3600]  }
0x188: {  	v2 =	vadd.f32 v6, v2;
	v6 =	vld [tilespmem:s23+$0x1200]  }
0x189: {  	v5 =	vld [tilespmem:s23+$0x1210]  }
0x18a: {  	v2 =	vadd.f32 v7, v2;
	s18 =	simm.s32 $0x80  }
.LBB2_18:
0x18b: {  	p0 =	sne.s32 s18, $0x4780;
	_ =	sdelay $0x1  }
0x18c: {  	v6 =	vsub.f32 v6, v4  }
0x18d: {  	v5 =	vsub.f32 v5, v3  }
0x18e: {  	v6 =	vmul.f32 v6, v6  }
0x18f: {  	v5 =	vmul.f32 v5, v5  }
0x190: {  	v2 =	vadd.f32 v6, v2;
	v7 =	vshra.s32 v6, $0x16  }
0x191: {  	v8 =	vshra.s32 v5, $0x16;
	v7 =	vadd.s32 v1, v7  }
0x192: {  	v8 =	vadd.s32 v1, v8;
	v2 =	vadd.f32 v5, v2;
	_ =	sdelay $0x1  }
0x193: {  	v4 =	vsub.f32 $1.000000000e+00, v4  }
0x194: {  	v3 =	vsub.f32 $1.000000000e+00, v3  }
0x195: {  	[tilespmem:v7+s12+$0x0] =	vst.idx.add.f32.msk $0xffff, v4;
	v4 =	vmul.f32 v6, v4  }
0x196: {  	[tilespmem:v8+s13+$0x0] =	vst.idx.add.f32.msk $0xffff, v3;
	v3 =	vmul.f32 v5, v3  }
0x197: {  	[tilespmem:v7+s14+$0x0] =	vst.idx.add.f32.msk $0xffff, v4  }
0x198: {  	s20 =	sshra.s32 s18, $0x2;
	[tilespmem:v8+s15+$0x0] =	vst.idx.add.f32.msk $0xffff, v3  }
0x199: {  	v3 =	vld [tilespmem:s20+$0x3610]  }
.Ltmp8:
0x19a: {  	v4 =	vld [tilespmem:s20+$0x3600];
	(pc) =	sbr.rel @p0 .LBB2_18-.Ltmp8, $3  }
0x19b: {  	v5 =	vld [tilespmem:s20+$0x1210]  }
0x19c: {  	v6 =	vld [tilespmem:s20+$0x1200];
	_ =	sdelay $0x1  }
0x19d: {  	s18 =	sadd.s32 $0x80, s18  }
0x19e: {  	_ =	sdelay $0x1  }
0x19f: {  	v6 =	vsub.f32 v6, v4  }
0x1a0: {  	v5 =	vsub.f32 v5, v3  }
0x1a1: {  	v6 =	vmul.f32 v6, v6  }
0x1a2: {  	v7 =	vmul.f32 v5, v5  }
0x1a3: {  	v5 =	vshra.s32 v6, $0x16  }
0x1a4: {  	v8 =	vshra.s32 v7, $0x16;
	v5 =	vadd.s32 v1, v5  }
0x1a5: {  	v8 =	vadd.s32 v1, v8;
	_ =	sdelay $0x1  }
0x1a6: {  	v4 =	vsub.f32 $1.000000000e+00, v4  }
0x1a7: {  	v3 =	vsub.f32 $1.000000000e+00, v3  }
0x1a8: {  	[tilespmem:v5+s12+$0x0] =	vst.idx.add.f32.msk $0xffff, v4;
	v4 =	vmul.f32 v6, v4  }
0x1a9: {  	[tilespmem:v8+s13+$0x0] =	vst.idx.add.f32.msk $0xffff, v3;
	v3 =	vmul.f32 v7, v3  }
0x1aa: {  	[tilespmem:v5+s14+$0x0] =	vst.idx.add.f32.msk $0xffff, v4  }
0x1ab: {  	[tilespmem:v8+s15+$0x0] =	vst.idx.add.f32.msk $0xffff, v3  }
0x1ac: {  	_ =	swait.ge [sflag:s9], $0x1200  }
0x1ad: {  	[sflag:s9] =	ssyncset.done $0x0  }
0x1ae: {  	[sflag:s9] =	ssyncadd.s32 $0xFFFFEE00  }
0x1af: {  	_ =	swait.ge [sflag:s9], $0x1200  }
0x1b0: {  	[sflag:s9] =	ssyncset.done $0x0  }
0x1b1: {  	s18 =	simm.s32 $0x0;
	s20 =	rddreg [dreg:$0xb];
	[sflag:s9] =	ssyncadd.s32 $0xFFFFEE00  }
0x1b2: {  	[tilespmem:s10], [sflag:$0x2] =	stream.linear.gather [hbm4b:s20+s18], $0x1200, $0x38;
	[tilespmem:$0xCE80] =	vst v63  }
0x1b3: {  	s23 =	simm.s32 $0x0  }
0x1b4: {  	[tilespmem:s11], [sflag:$0x2] =	stream.linear.gather [hbm4b:s1+s18], $0x1200, $0x38;
	[tilespmem:$0xCE80] =	vst v63  }
0x1b5: {  	v3 =	vld [tilespmem:s23+$0x2410]  }
0x1b6: {  	v4 =	vld [tilespmem:s23+$0x2400]  }
0x1b7: {  	v2 =	vadd.f32 v6, v2;
	v6 =	vld [tilespmem:s23+$0x0]  }
0x1b8: {  	v5 =	vld [tilespmem:s23+$0x10]  }
0x1b9: {  	v2 =	vadd.f32 v7, v2;
	s18 =	simm.s32 $0x80  }
.LBB2_20:
0x1ba: {  	p0 =	sne.s32 s18, $0x4780;
	_ =	sdelay $0x1  }
0x1bb: {  	v6 =	vsub.f32 v6, v4  }
0x1bc: {  	v5 =	vsub.f32 v5, v3  }
0x1bd: {  	v6 =	vmul.f32 v6, v6  }
0x1be: {  	v5 =	vmul.f32 v5, v5  }
0x1bf: {  	v2 =	vadd.f32 v6, v2;
	v7 =	vshra.s32 v6, $0x16  }
0x1c0: {  	v8 =	vshra.s32 v5, $0x16;
	v7 =	vadd.s32 v1, v7  }
0x1c1: {  	v8 =	vadd.s32 v1, v8;
	v2 =	vadd.f32 v5, v2;
	_ =	sdelay $0x1  }
0x1c2: {  	v4 =	vsub.f32 $1.000000000e+00, v4  }
0x1c3: {  	v3 =	vsub.f32 $1.000000000e+00, v3  }
0x1c4: {  	[tilespmem:v7+s12+$0x0] =	vst.idx.add.f32.msk $0xffff, v4;
	v4 =	vmul.f32 v6, v4  }
0x1c5: {  	[tilespmem:v8+s13+$0x0] =	vst.idx.add.f32.msk $0xffff, v3;
	v3 =	vmul.f32 v5, v3  }
0x1c6: {  	[tilespmem:v7+s14+$0x0] =	vst.idx.add.f32.msk $0xffff, v4  }
0x1c7: {  	s20 =	sshra.s32 s18, $0x2;
	[tilespmem:v8+s15+$0x0] =	vst.idx.add.f32.msk $0xffff, v3  }
0x1c8: {  	v3 =	vld [tilespmem:s20+$0x2410]  }
.Ltmp9:
0x1c9: {  	v4 =	vld [tilespmem:s20+$0x2400];
	(pc) =	sbr.rel @p0 .LBB2_20-.Ltmp9, $3  }
0x1ca: {  	v5 =	vld [tilespmem:s20+$0x10]  }
0x1cb: {  	v6 =	vld [tilespmem:s20+$0x0];
	_ =	sdelay $0x1  }
0x1cc: {  	s18 =	sadd.s32 $0x80, s18  }
0x1cd: {  	_ =	sdelay $0x1  }
0x1ce: {  	v6 =	vsub.f32 v6, v4  }
0x1cf: {  	v5 =	vsub.f32 v5, v3  }
0x1d0: {  	v6 =	vmul.f32 v6, v6  }
0x1d1: {  	v7 =	vmul.f32 v5, v5  }
0x1d2: {  	v5 =	vshra.s32 v6, $0x16  }
0x1d3: {  	v8 =	vshra.s32 v7, $0x16;
	v5 =	vadd.s32 v1, v5  }
0x1d4: {  	v8 =	vadd.s32 v1, v8;
	_ =	sdelay $0x1  }
0x1d5: {  	v4 =	vsub.f32 $1.000000000e+00, v4  }
0x1d6: {  	v3 =	vsub.f32 $1.000000000e+00, v3  }
0x1d7: {  	[tilespmem:v5+s12+$0x0] =	vst.idx.add.f32.msk $0xffff, v4;
	v4 =	vmul.f32 v6, v4  }
0x1d8: {  	[tilespmem:v8+s13+$0x0] =	vst.idx.add.f32.msk $0xffff, v3;
	v3 =	vmul.f32 v7, v3  }
0x1d9: {  	[tilespmem:v5+s14+$0x0] =	vst.idx.add.f32.msk $0xffff, v4  }
0x1da: {  	[tilespmem:v8+s15+$0x0] =	vst.idx.add.f32.msk $0xffff, v3  }
0x1db: {  	_ =	swait.ge [sflag:s16], $0x1200  }
0x1dc: {  	[sflag:s16] =	ssyncset.done $0x0  }
0x1dd: {  	[sflag:s16] =	ssyncadd.s32 $0xFFFFEE00  }
0x1de: {  	_ =	swait.ge [sflag:s16], $0x1200  }
0x1df: {  	[sflag:s16] =	ssyncset.done $0x0  }
0x1e0: {  	s18 =	simm.s32 $0x0;
	s20 =	rddreg [dreg:$0xc];
	[sflag:s16] =	ssyncadd.s32 $0xFFFFEE00  }
0x1e1: {  	[tilespmem:s18], [sflag:$0x1] =	stream.linear.gather [hbm4b:s20+s18], $0x1200, $0x38;
	[tilespmem:$0xCE80] =	vst v63  }
0x1e2: {  	s23 =	simm.s32 $0x0  }
0x1e3: {  	[tilespmem:s8], [sflag:$0x1] =	stream.linear.gather [hbm4b:s2+s18], $0x1200, $0x38;
	[tilespmem:$0xCE80] =	vst v63  }
0x1e4: {  	v3 =	vld [tilespmem:s23+$0x3610]  }
0x1e5: {  	v4 =	vld [tilespmem:s23+$0x3600]  }
0x1e6: {  	v2 =	vadd.f32 v6, v2;
	v6 =	vld [tilespmem:s23+$0x1200]  }
0x1e7: {  	v5 =	vld [tilespmem:s23+$0x1210]  }
0x1e8: {  	v2 =	vadd.f32 v7, v2;
	s18 =	simm.s32 $0x80  }
.LBB2_22:
0x1e9: {  	p0 =	sne.s32 s18, $0x4780;
	_ =	sdelay $0x1  }
0x1ea: {  	v6 =	vsub.f32 v6, v4  }
0x1eb: {  	v5 =	vsub.f32 v5, v3  }
0x1ec: {  	v6 =	vmul.f32 v6, v6  }
0x1ed: {  	v5 =	vmul.f32 v5, v5  }
0x1ee: {  	v2 =	vadd.f32 v6, v2;
	v7 =	vshra.s32 v6, $0x16  }
0x1ef: {  	v8 =	vshra.s32 v5, $0x16;
	v7 =	vadd.s32 v1, v7  }
0x1f0: {  	v8 =	vadd.s32 v1, v8;
	v2 =	vadd.f32 v5, v2;
	_ =	sdelay $0x1  }
0x1f1: {  	v4 =	vsub.f32 $1.000000000e+00, v4  }
0x1f2: {  	v3 =	vsub.f32 $1.000000000e+00, v3  }
0x1f3: {  	[tilespmem:v7+s12+$0x0] =	vst.idx.add.f32.msk $0xffff, v4;
	v4 =	vmul.f32 v6, v4  }
0x1f4: {  	[tilespmem:v8+s13+$0x0] =	vst.idx.add.f32.msk $0xffff, v3;
	v3 =	vmul.f32 v5, v3  }
0x1f5: {  	[tilespmem:v7+s14+$0x0] =	vst.idx.add.f32.msk $0xffff, v4  }
0x1f6: {  	s20 =	sshra.s32 s18, $0x2;
	[tilespmem:v8+s15+$0x0] =	vst.idx.add.f32.msk $0xffff, v3  }
0x1f7: {  	v3 =	vld [tilespmem:s20+$0x3610]  }
.Ltmp10:
0x1f8: {  	v4 =	vld [tilespmem:s20+$0x3600];
	(pc) =	sbr.rel @p0 .LBB2_22-.Ltmp10, $3  }
0x1f9: {  	v5 =	vld [tilespmem:s20+$0x1210]  }
0x1fa: {  	v6 =	vld [tilespmem:s20+$0x1200];
	_ =	sdelay $0x1  }
0x1fb: {  	s18 =	sadd.s32 $0x80, s18  }
0x1fc: {  	_ =	sdelay $0x1  }
0x1fd: {  	v6 =	vsub.f32 v6, v4  }
0x1fe: {  	v5 =	vsub.f32 v5, v3  }
0x1ff: {  	v6 =	vmul.f32 v6, v6  }
0x200: {  	v7 =	vmul.f32 v5, v5  }
0x201: {  	v5 =	vshra.s32 v6, $0x16  }
0x202: {  	v8 =	vshra.s32 v7, $0x16;
	v5 =	vadd.s32 v1, v5  }
0x203: {  	v8 =	vadd.s32 v1, v8;
	_ =	sdelay $0x1  }
0x204: {  	v4 =	vsub.f32 $1.000000000e+00, v4  }
0x205: {  	v3 =	vsub.f32 $1.000000000e+00, v3  }
0x206: {  	[tilespmem:v5+s12+$0x0] =	vst.idx.add.f32.msk $0xffff, v4;
	v4 =	vmul.f32 v6, v4  }
0x207: {  	[tilespmem:v8+s13+$0x0] =	vst.idx.add.f32.msk $0xffff, v3;
	v3 =	vmul.f32 v7, v3  }
0x208: {  	[tilespmem:v5+s14+$0x0] =	vst.idx.add.f32.msk $0xffff, v4  }
0x209: {  	[tilespmem:v8+s15+$0x0] =	vst.idx.add.f32.msk $0xffff, v3  }
0x20a: {  	_ =	swait.ge [sflag:s9], $0x1200  }
0x20b: {  	[sflag:s9] =	ssyncset.done $0x0  }
0x20c: {  	[sflag:s9] =	ssyncadd.s32 $0xFFFFEE00  }
0x20d: {  	_ =	swait.ge [sflag:s9], $0x1200  }
0x20e: {  	[sflag:s9] =	ssyncset.done $0x0  }
0x20f: {  	s18 =	simm.s32 $0x0;
	s20 =	rddreg [dreg:$0xd];
	[sflag:s9] =	ssyncadd.s32 $0xFFFFEE00  }
0x210: {  	[tilespmem:s10], [sflag:$0x2] =	stream.linear.gather [hbm4b:s20+s18], $0x1200, $0x38;
	[tilespmem:$0xCE80] =	vst v63  }
0x211: {  	s23 =	simm.s32 $0x0  }
0x212: {  	[tilespmem:s11], [sflag:$0x2] =	stream.linear.gather [hbm4b:s3+s18], $0x1200, $0x38;
	[tilespmem:$0xCE80] =	vst v63  }
0x213: {  	v3 =	vld [tilespmem:s23+$0x2410]  }
0x214: {  	v4 =	vld [tilespmem:s23+$0x2400]  }
0x215: {  	v2 =	vadd.f32 v6, v2;
	v6 =	vld [tilespmem:s23+$0x0]  }
0x216: {  	v5 =	vld [tilespmem:s23+$0x10]  }
0x217: {  	v2 =	vadd.f32 v7, v2;
	s18 =	simm.s32 $0x80  }
.LBB2_24:
0x218: {  	p0 =	sne.s32 s18, $0x4780;
	_ =	sdelay $0x1  }
0x219: {  	v6 =	vsub.f32 v6, v4  }
0x21a: {  	v5 =	vsub.f32 v5, v3  }
0x21b: {  	v6 =	vmul.f32 v6, v6  }
0x21c: {  	v5 =	vmul.f32 v5, v5  }
0x21d: {  	v2 =	vadd.f32 v6, v2;
	v7 =	vshra.s32 v6, $0x16  }
0x21e: {  	v8 =	vshra.s32 v5, $0x16;
	v7 =	vadd.s32 v1, v7  }
0x21f: {  	v8 =	vadd.s32 v1, v8;
	v2 =	vadd.f32 v5, v2;
	_ =	sdelay $0x1  }
0x220: {  	v4 =	vsub.f32 $1.000000000e+00, v4  }
0x221: {  	v3 =	vsub.f32 $1.000000000e+00, v3  }
0x222: {  	[tilespmem:v7+s12+$0x0] =	vst.idx.add.f32.msk $0xffff, v4;
	v4 =	vmul.f32 v6, v4  }
0x223: {  	[tilespmem:v8+s13+$0x0] =	vst.idx.add.f32.msk $0xffff, v3;
	v3 =	vmul.f32 v5, v3  }
0x224: {  	[tilespmem:v7+s14+$0x0] =	vst.idx.add.f32.msk $0xffff, v4  }
0x225: {  	s20 =	sshra.s32 s18, $0x2;
	[tilespmem:v8+s15+$0x0] =	vst.idx.add.f32.msk $0xffff, v3  }
0x226: {  	v3 =	vld [tilespmem:s20+$0x2410]  }
.Ltmp11:
0x227: {  	v4 =	vld [tilespmem:s20+$0x2400];
	(pc) =	sbr.rel @p0 .LBB2_24-.Ltmp11, $3  }
0x228: {  	v5 =	vld [tilespmem:s20+$0x10]  }
0x229: {  	v6 =	vld [tilespmem:s20+$0x0];
	_ =	sdelay $0x1  }
0x22a: {  	s18 =	sadd.s32 $0x80, s18  }
0x22b: {  	_ =	sdelay $0x1  }
0x22c: {  	v6 =	vsub.f32 v6, v4  }
0x22d: {  	v5 =	vsub.f32 v5, v3  }
0x22e: {  	v6 =	vmul.f32 v6, v6  }
0x22f: {  	v7 =	vmul.f32 v5, v5  }
0x230: {  	v5 =	vshra.s32 v6, $0x16  }
0x231: {  	v8 =	vshra.s32 v7, $0x16;
	v5 =	vadd.s32 v1, v5  }
0x232: {  	v8 =	vadd.s32 v1, v8;
	_ =	sdelay $0x1  }
0x233: {  	v4 =	vsub.f32 $1.000000000e+00, v4  }
0x234: {  	v3 =	vsub.f32 $1.000000000e+00, v3  }
0x235: {  	[tilespmem:v5+s12+$0x0] =	vst.idx.add.f32.msk $0xffff, v4;
	v4 =	vmul.f32 v6, v4  }
0x236: {  	[tilespmem:v8+s13+$0x0] =	vst.idx.add.f32.msk $0xffff, v3;
	v3 =	vmul.f32 v7, v3  }
0x237: {  	[tilespmem:v5+s14+$0x0] =	vst.idx.add.f32.msk $0xffff, v4  }
0x238: {  	[tilespmem:v8+s15+$0x0] =	vst.idx.add.f32.msk $0xffff, v3  }
0x239: {  	_ =	swait.ge [sflag:s16], $0x1200  }
0x23a: {  	[sflag:s16] =	ssyncset.done $0x0  }
0x23b: {  	[sflag:s16] =	ssyncadd.s32 $0xFFFFEE00  }
0x23c: {  	_ =	swait.ge [sflag:s16], $0x1200  }
0x23d: {  	[sflag:s16] =	ssyncset.done $0x0  }
0x23e: {  	s18 =	simm.s32 $0x0;
	s20 =	rddreg [dreg:$0xe];
	[sflag:s16] =	ssyncadd.s32 $0xFFFFEE00  }
0x23f: {  	[tilespmem:s18], [sflag:$0x1] =	stream.linear.gather [hbm4b:s20+s18], $0x1200, $0x38;
	[tilespmem:$0xCE80] =	vst v63  }
0x240: {  	s23 =	simm.s32 $0x0  }
0x241: {  	[tilespmem:s8], [sflag:$0x1] =	stream.linear.gather [hbm4b:s4+s18], $0x1200, $0x38;
	[tilespmem:$0xCE80] =	vst v63  }
0x242: {  	v3 =	vld [tilespmem:s23+$0x3610]  }
0x243: {  	v4 =	vld [tilespmem:s23+$0x3600]  }
0x244: {  	v2 =	vadd.f32 v6, v2;
	v6 =	vld [tilespmem:s23+$0x1200]  }
0x245: {  	v5 =	vld [tilespmem:s23+$0x1210]  }
0x246: {  	v2 =	vadd.f32 v7, v2;
	s18 =	simm.s32 $0x80  }
.LBB2_26:
0x247: {  	p0 =	sne.s32 s18, $0x4780;
	_ =	sdelay $0x1  }
0x248: {  	v6 =	vsub.f32 v6, v4  }
0x249: {  	v5 =	vsub.f32 v5, v3  }
0x24a: {  	v6 =	vmul.f32 v6, v6  }
0x24b: {  	v5 =	vmul.f32 v5, v5  }
0x24c: {  	v2 =	vadd.f32 v6, v2;
	v7 =	vshra.s32 v6, $0x16  }
0x24d: {  	v8 =	vshra.s32 v5, $0x16;
	v7 =	vadd.s32 v1, v7  }
0x24e: {  	v8 =	vadd.s32 v1, v8;
	v2 =	vadd.f32 v5, v2;
	_ =	sdelay $0x1  }
0x24f: {  	v4 =	vsub.f32 $1.000000000e+00, v4  }
0x250: {  	v3 =	vsub.f32 $1.000000000e+00, v3  }
0x251: {  	[tilespmem:v7+s12+$0x0] =	vst.idx.add.f32.msk $0xffff, v4;
	v4 =	vmul.f32 v6, v4  }
0x252: {  	[tilespmem:v8+s13+$0x0] =	vst.idx.add.f32.msk $0xffff, v3;
	v3 =	vmul.f32 v5, v3  }
0x253: {  	[tilespmem:v7+s14+$0x0] =	vst.idx.add.f32.msk $0xffff, v4  }
0x254: {  	s20 =	sshra.s32 s18, $0x2;
	[tilespmem:v8+s15+$0x0] =	vst.idx.add.f32.msk $0xffff, v3  }
0x255: {  	v3 =	vld [tilespmem:s20+$0x3610]  }
.Ltmp12:
0x256: {  	v4 =	vld [tilespmem:s20+$0x3600];
	(pc) =	sbr.rel @p0 .LBB2_26-.Ltmp12, $3  }
0x257: {  	v5 =	vld [tilespmem:s20+$0x1210]  }
0x258: {  	v6 =	vld [tilespmem:s20+$0x1200];
	_ =	sdelay $0x1  }
0x259: {  	s18 =	sadd.s32 $0x80, s18  }
0x25a: {  	_ =	sdelay $0x1  }
0x25b: {  	v6 =	vsub.f32 v6, v4  }
0x25c: {  	v5 =	vsub.f32 v5, v3  }
0x25d: {  	v6 =	vmul.f32 v6, v6  }
0x25e: {  	v7 =	vmul.f32 v5, v5  }
0x25f: {  	v5 =	vshra.s32 v6, $0x16  }
0x260: {  	v8 =	vshra.s32 v7, $0x16;
	v5 =	vadd.s32 v1, v5  }
0x261: {  	v8 =	vadd.s32 v1, v8;
	_ =	sdelay $0x1  }
0x262: {  	v4 =	vsub.f32 $1.000000000e+00, v4  }
0x263: {  	v3 =	vsub.f32 $1.000000000e+00, v3  }
0x264: {  	[tilespmem:v5+s12+$0x0] =	vst.idx.add.f32.msk $0xffff, v4;
	v4 =	vmul.f32 v6, v4  }
0x265: {  	[tilespmem:v8+s13+$0x0] =	vst.idx.add.f32.msk $0xffff, v3;
	v3 =	vmul.f32 v7, v3  }
0x266: {  	[tilespmem:v5+s14+$0x0] =	vst.idx.add.f32.msk $0xffff, v4  }
0x267: {  	[tilespmem:v8+s15+$0x0] =	vst.idx.add.f32.msk $0xffff, v3  }
0x268: {  	_ =	swait.ge [sflag:s9], $0x1200  }
0x269: {  	[sflag:s9] =	ssyncset.done $0x0  }
0x26a: {  	[sflag:s9] =	ssyncadd.s32 $0xFFFFEE00  }
0x26b: {  	_ =	swait.ge [sflag:s9], $0x1200  }
0x26c: {  	[sflag:s9] =	ssyncset.done $0x0  }
0x26d: {  	s18 =	simm.s32 $0x0;
	s20 =	rddreg [dreg:$0xf];
	[sflag:s9] =	ssyncadd.s32 $0xFFFFEE00  }
0x26e: {  	[tilespmem:s10], [sflag:$0x2] =	stream.linear.gather [hbm4b:s20+s18], $0x1200, $0x38;
	[tilespmem:$0xCE80] =	vst v63  }
0x26f: {  	s23 =	simm.s32 $0x0  }
0x270: {  	[tilespmem:s11], [sflag:$0x2] =	stream.linear.gather [hbm4b:s5+s18], $0x1200, $0x38;
	[tilespmem:$0xCE80] =	vst v63  }
0x271: {  	v3 =	vld [tilespmem:s23+$0x2410]  }
0x272: {  	v4 =	vld [tilespmem:s23+$0x2400]  }
0x273: {  	v2 =	vadd.f32 v6, v2;
	v6 =	vld [tilespmem:s23+$0x0]  }
0x274: {  	v5 =	vld [tilespmem:s23+$0x10]  }
0x275: {  	v2 =	vadd.f32 v7, v2;
	s18 =	simm.s32 $0x80  }
.LBB2_28:
0x276: {  	p0 =	sne.s32 s18, $0x4780;
	_ =	sdelay $0x1  }
0x277: {  	v6 =	vsub.f32 v6, v4  }
0x278: {  	v5 =	vsub.f32 v5, v3  }
0x279: {  	v6 =	vmul.f32 v6, v6  }
0x27a: {  	v5 =	vmul.f32 v5, v5  }
0x27b: {  	v2 =	vadd.f32 v6, v2;
	v7 =	vshra.s32 v6, $0x16  }
0x27c: {  	v8 =	vshra.s32 v5, $0x16;
	v7 =	vadd.s32 v1, v7  }
0x27d: {  	v8 =	vadd.s32 v1, v8;
	v2 =	vadd.f32 v5, v2;
	_ =	sdelay $0x1  }
0x27e: {  	v4 =	vsub.f32 $1.000000000e+00, v4  }
0x27f: {  	v3 =	vsub.f32 $1.000000000e+00, v3  }
0x280: {  	[tilespmem:v7+s12+$0x0] =	vst.idx.add.f32.msk $0xffff, v4;
	v4 =	vmul.f32 v6, v4  }
0x281: {  	[tilespmem:v8+s13+$0x0] =	vst.idx.add.f32.msk $0xffff, v3;
	v3 =	vmul.f32 v5, v3  }
0x282: {  	[tilespmem:v7+s14+$0x0] =	vst.idx.add.f32.msk $0xffff, v4  }
0x283: {  	s20 =	sshra.s32 s18, $0x2;
	[tilespmem:v8+s15+$0x0] =	vst.idx.add.f32.msk $0xffff, v3  }
0x284: {  	v3 =	vld [tilespmem:s20+$0x2410]  }
.Ltmp13:
0x285: {  	v4 =	vld [tilespmem:s20+$0x2400];
	(pc) =	sbr.rel @p0 .LBB2_28-.Ltmp13, $3  }
0x286: {  	v5 =	vld [tilespmem:s20+$0x10]  }
0x287: {  	v6 =	vld [tilespmem:s20+$0x0];
	_ =	sdelay $0x1  }
0x288: {  	s18 =	sadd.s32 $0x80, s18  }
0x289: {  	_ =	sdelay $0x1  }
0x28a: {  	v6 =	vsub.f32 v6, v4  }
0x28b: {  	v5 =	vsub.f32 v5, v3  }
0x28c: {  	v6 =	vmul.f32 v6, v6  }
0x28d: {  	v7 =	vmul.f32 v5, v5  }
0x28e: {  	v5 =	vshra.s32 v6, $0x16  }
0x28f: {  	v8 =	vshra.s32 v7, $0x16;
	v5 =	vadd.s32 v1, v5  }
0x290: {  	v8 =	vadd.s32 v1, v8;
	_ =	sdelay $0x1  }
0x291: {  	v4 =	vsub.f32 $1.000000000e+00, v4  }
0x292: {  	v3 =	vsub.f32 $1.000000000e+00, v3  }
0x293: {  	[tilespmem:v5+s12+$0x0] =	vst.idx.add.f32.msk $0xffff, v4;
	v4 =	vmul.f32 v6, v4  }
0x294: {  	[tilespmem:v8+s13+$0x0] =	vst.idx.add.f32.msk $0xffff, v3;
	v3 =	vmul.f32 v7, v3  }
0x295: {  	[tilespmem:v5+s14+$0x0] =	vst.idx.add.f32.msk $0xffff, v4  }
0x296: {  	[tilespmem:v8+s15+$0x0] =	vst.idx.add.f32.msk $0xffff, v3  }
0x297: {  	_ =	swait.ge [sflag:s16], $0x1200  }
0x298: {  	[sflag:s16] =	ssyncset.done $0x0  }
0x299: {  	[sflag:s16] =	ssyncadd.s32 $0xFFFFEE00  }
0x29a: {  	_ =	swait.ge [sflag:s16], $0x1200  }
0x29b: {  	[sflag:s16] =	ssyncset.done $0x0  }
0x29c: {  	s18 =	simm.s32 $0x0;
	s20 =	rddreg [dreg:$0x10];
	[sflag:s16] =	ssyncadd.s32 $0xFFFFEE00  }
0x29d: {  	[tilespmem:s18], [sflag:$0x1] =	stream.linear.gather [hbm4b:s20+s18], $0x1200, $0x38;
	[tilespmem:$0xCE80] =	vst v63  }
0x29e: {  	s23 =	simm.s32 $0x0  }
0x29f: {  	[tilespmem:s8], [sflag:$0x1] =	stream.linear.gather [hbm4b:s6+s18], $0x1200, $0x38;
	[tilespmem:$0xCE80] =	vst v63  }
0x2a0: {  	v3 =	vld [tilespmem:s23+$0x3610]  }
0x2a1: {  	v4 =	vld [tilespmem:s23+$0x3600]  }
0x2a2: {  	v2 =	vadd.f32 v6, v2;
	v6 =	vld [tilespmem:s23+$0x1200]  }
0x2a3: {  	v5 =	vld [tilespmem:s23+$0x1210]  }
0x2a4: {  	v2 =	vadd.f32 v7, v2;
	s18 =	simm.s32 $0x80  }
.LBB2_30:
0x2a5: {  	p0 =	sne.s32 s18, $0x4780;
	_ =	sdelay $0x1  }
0x2a6: {  	v6 =	vsub.f32 v6, v4  }
0x2a7: {  	v5 =	vsub.f32 v5, v3  }
0x2a8: {  	v6 =	vmul.f32 v6, v6  }
0x2a9: {  	v5 =	vmul.f32 v5, v5  }
0x2aa: {  	v2 =	vadd.f32 v6, v2;
	v7 =	vshra.s32 v6, $0x16  }
0x2ab: {  	v8 =	vshra.s32 v5, $0x16;
	v7 =	vadd.s32 v1, v7  }
0x2ac: {  	v8 =	vadd.s32 v1, v8;
	v2 =	vadd.f32 v5, v2;
	_ =	sdelay $0x1  }
0x2ad: {  	v4 =	vsub.f32 $1.000000000e+00, v4  }
0x2ae: {  	v3 =	vsub.f32 $1.000000000e+00, v3  }
0x2af: {  	[tilespmem:v7+s12+$0x0] =	vst.idx.add.f32.msk $0xffff, v4;
	v4 =	vmul.f32 v6, v4  }
0x2b0: {  	[tilespmem:v8+s13+$0x0] =	vst.idx.add.f32.msk $0xffff, v3;
	v3 =	vmul.f32 v5, v3  }
0x2b1: {  	[tilespmem:v7+s14+$0x0] =	vst.idx.add.f32.msk $0xffff, v4  }
0x2b2: {  	s20 =	sshra.s32 s18, $0x2;
	[tilespmem:v8+s15+$0x0] =	vst.idx.add.f32.msk $0xffff, v3  }
0x2b3: {  	v3 =	vld [tilespmem:s20+$0x3610]  }
.Ltmp14:
0x2b4: {  	v4 =	vld [tilespmem:s20+$0x3600];
	(pc) =	sbr.rel @p0 .LBB2_30-.Ltmp14, $3  }
0x2b5: {  	v5 =	vld [tilespmem:s20+$0x1210]  }
0x2b6: {  	v6 =	vld [tilespmem:s20+$0x1200];
	_ =	sdelay $0x1  }
0x2b7: {  	s18 =	sadd.s32 $0x80, s18  }
0x2b8: {  	_ =	sdelay $0x1  }
0x2b9: {  	v6 =	vsub.f32 v6, v4  }
0x2ba: {  	v5 =	vsub.f32 v5, v3  }
0x2bb: {  	v6 =	vmul.f32 v6, v6  }
0x2bc: {  	v7 =	vmul.f32 v5, v5  }
0x2bd: {  	v5 =	vshra.s32 v6, $0x16  }
0x2be: {  	v8 =	vshra.s32 v7, $0x16;
	v5 =	vadd.s32 v1, v5  }
0x2bf: {  	v8 =	vadd.s32 v1, v8;
	_ =	sdelay $0x1  }
0x2c0: {  	v4 =	vsub.f32 $1.000000000e+00, v4  }
0x2c1: {  	v3 =	vsub.f32 $1.000000000e+00, v3  }
0x2c2: {  	[tilespmem:v5+s12+$0x0] =	vst.idx.add.f32.msk $0xffff, v4;
	v4 =	vmul.f32 v6, v4  }
0x2c3: {  	[tilespmem:v8+s13+$0x0] =	vst.idx.add.f32.msk $0xffff, v3;
	v3 =	vmul.f32 v7, v3  }
0x2c4: {  	[tilespmem:v5+s14+$0x0] =	vst.idx.add.f32.msk $0xffff, v4  }
0x2c5: {  	[tilespmem:v8+s15+$0x0] =	vst.idx.add.f32.msk $0xffff, v3  }
0x2c6: {  	_ =	swait.ge [sflag:s9], $0x1200  }
0x2c7: {  	[sflag:s9] =	ssyncset.done $0x0  }
0x2c8: {  	[sflag:s9] =	ssyncadd.s32 $0xFFFFEE00  }
0x2c9: {  	_ =	swait.ge [sflag:s9], $0x1200  }
0x2ca: {  	[sflag:s9] =	ssyncset.done $0x0  }
0x2cb: {  	s18 =	simm.s32 $0x0;
	s20 =	rddreg [dreg:$0x11];
	[sflag:s9] =	ssyncadd.s32 $0xFFFFEE00  }
0x2cc: {  	[tilespmem:s10], [sflag:$0x2] =	stream.linear.gather [hbm4b:s20+s18], $0x1200, $0x38;
	[tilespmem:$0xCE80] =	vst v63  }
0x2cd: {  	s23 =	simm.s32 $0x0  }
0x2ce: {  	[tilespmem:s11], [sflag:$0x2] =	stream.linear.gather [hbm4b:s7+s18], $0x1200, $0x38;
	[tilespmem:$0xCE80] =	vst v63  }
0x2cf: {  	v3 =	vld [tilespmem:s23+$0x2410]  }
0x2d0: {  	v4 =	vld [tilespmem:s23+$0x2400]  }
0x2d1: {  	v2 =	vadd.f32 v6, v2;
	v6 =	vld [tilespmem:s23+$0x0]  }
0x2d2: {  	v5 =	vld [tilespmem:s23+$0x10]  }
0x2d3: {  	v2 =	vadd.f32 v7, v2;
	s18 =	simm.s32 $0x80  }
.LBB2_32:
0x2d4: {  	p0 =	sne.s32 s18, $0x4780;
	_ =	sdelay $0x1  }
0x2d5: {  	v6 =	vsub.f32 v6, v4  }
0x2d6: {  	v5 =	vsub.f32 v5, v3  }
0x2d7: {  	v6 =	vmul.f32 v6, v6  }
0x2d8: {  	v5 =	vmul.f32 v5, v5  }
0x2d9: {  	v2 =	vadd.f32 v6, v2;
	v7 =	vshra.s32 v6, $0x16  }
0x2da: {  	v8 =	vshra.s32 v5, $0x16;
	v7 =	vadd.s32 v1, v7  }
0x2db: {  	v8 =	vadd.s32 v1, v8;
	v2 =	vadd.f32 v5, v2;
	_ =	sdelay $0x1  }
0x2dc: {  	v4 =	vsub.f32 $1.000000000e+00, v4  }
0x2dd: {  	v3 =	vsub.f32 $1.000000000e+00, v3  }
0x2de: {  	[tilespmem:v7+s12+$0x0] =	vst.idx.add.f32.msk $0xffff, v4;
	v4 =	vmul.f32 v6, v4  }
0x2df: {  	[tilespmem:v8+s13+$0x0] =	vst.idx.add.f32.msk $0xffff, v3;
	v3 =	vmul.f32 v5, v3  }
0x2e0: {  	[tilespmem:v7+s14+$0x0] =	vst.idx.add.f32.msk $0xffff, v4  }
0x2e1: {  	s20 =	sshra.s32 s18, $0x2;
	[tilespmem:v8+s15+$0x0] =	vst.idx.add.f32.msk $0xffff, v3  }
0x2e2: {  	v3 =	vld [tilespmem:s20+$0x2410]  }
.Ltmp15:
0x2e3: {  	v4 =	vld [tilespmem:s20+$0x2400];
	(pc) =	sbr.rel @p0 .LBB2_32-.Ltmp15, $3  }
0x2e4: {  	v5 =	vld [tilespmem:s20+$0x10]  }
0x2e5: {  	v6 =	vld [tilespmem:s20+$0x0];
	_ =	sdelay $0x1  }
0x2e6: {  	s18 =	sadd.s32 $0x80, s18  }
0x2e7: {  	_ =	sdelay $0x1  }
0x2e8: {  	v6 =	vsub.f32 v6, v4  }
0x2e9: {  	v5 =	vsub.f32 v5, v3  }
0x2ea: {  	v6 =	vmul.f32 v6, v6  }
0x2eb: {  	v7 =	vmul.f32 v5, v5  }
0x2ec: {  	v5 =	vshra.s32 v6, $0x16  }
0x2ed: {  	v8 =	vshra.s32 v7, $0x16;
	v5 =	vadd.s32 v1, v5  }
0x2ee: {  	v8 =	vadd.s32 v1, v8;
	_ =	sdelay $0x1  }
0x2ef: {  	v4 =	vsub.f32 $1.000000000e+00, v4  }
0x2f0: {  	v3 =	vsub.f32 $1.000000000e+00, v3  }
0x2f1: {  	[tilespmem:v5+s12+$0x0] =	vst.idx.add.f32.msk $0xffff, v4;
	v4 =	vmul.f32 v6, v4  }
0x2f2: {  	[tilespmem:v8+s13+$0x0] =	vst.idx.add.f32.msk $0xffff, v3;
	v3 =	vmul.f32 v7, v3  }
0x2f3: {  	[tilespmem:v5+s14+$0x0] =	vst.idx.add.f32.msk $0xffff, v4  }
0x2f4: {  	[tilespmem:v8+s15+$0x0] =	vst.idx.add.f32.msk $0xffff, v3  }
0x2f5: {  	_ =	swait.ge [sflag:s16], $0x1200  }
0x2f6: {  	[sflag:s16] =	ssyncset.done $0x0  }
0x2f7: {  	[sflag:s16] =	ssyncadd.s32 $0xFFFFEE00  }
0x2f8: {  	_ =	swait.ge [sflag:s16], $0x1200  }
0x2f9: {  	[sflag:s16] =	ssyncset.done $0x0  }
0x2fa: {  	s20 =	simm.s32 $0x0;
	[sflag:s16] =	ssyncadd.s32 $0xFFFFEE00  }
0x2fb: {  	v5 =	vld [tilespmem:s20+$0x3610]  }
0x2fc: {  	v2 =	vadd.f32 v6, v2;
	v6 =	vld [tilespmem:s20+$0x3600]  }
0x2fd: {  	v4 =	vld [tilespmem:s20+$0x1200]  }
0x2fe: {  	v3 =	vld [tilespmem:s20+$0x1210]  }
0x2ff: {  	s18 =	simm.s32 $0x80;
	v2 =	vadd.f32 v7, v2  }
.LBB2_34:
0x300: {  	p0 =	sne.s32 s18, $0x4780;
	_ =	sdelay $0x1  }
0x301: {  	v4 =	vsub.f32 v4, v6  }
0x302: {  	v3 =	vsub.f32 v3, v5  }
0x303: {  	v4 =	vmul.f32 v4, v4  }
0x304: {  	v3 =	vmul.f32 v3, v3  }
0x305: {  	v2 =	vadd.f32 v4, v2;
	v7 =	vshra.s32 v4, $0x16  }
0x306: {  	v8 =	vshra.s32 v3, $0x16;
	v7 =	vadd.s32 v1, v7  }
0x307: {  	v8 =	vadd.s32 v1, v8;
	v2 =	vadd.f32 v3, v2;
	_ =	sdelay $0x1  }
0x308: {  	v6 =	vsub.f32 $1.000000000e+00, v6  }
0x309: {  	v5 =	vsub.f32 $1.000000000e+00, v5  }
0x30a: {  	v4 =	vmul.f32 v4, v6;
	[tilespmem:v7+s12+$0x0] =	vst.idx.add.f32.msk $0xffff, v6  }
0x30b: {  	v3 =	vmul.f32 v3, v5;
	[tilespmem:v8+s13+$0x0] =	vst.idx.add.f32.msk $0xffff, v5  }
0x30c: {  	[tilespmem:v7+s14+$0x0] =	vst.idx.add.f32.msk $0xffff, v4  }
0x30d: {  	s22 =	sshra.s32 s18, $0x2;
	[tilespmem:v8+s15+$0x0] =	vst.idx.add.f32.msk $0xffff, v3  }
0x30e: {  	v5 =	vld [tilespmem:s22+$0x3610]  }
.Ltmp16:
0x30f: {  	v6 =	vld [tilespmem:s22+$0x3600];
	(pc) =	sbr.rel @p0 .LBB2_34-.Ltmp16, $3  }
0x310: {  	v3 =	vld [tilespmem:s22+$0x1210]  }
0x311: {  	v4 =	vld [tilespmem:s22+$0x1200];
	_ =	sdelay $0x1  }
0x312: {  	s18 =	sadd.s32 $0x80, s18  }
0x313: {  	_ =	sdelay $0x1  }
0x314: {  	v4 =	vsub.f32 v4, v6  }
0x315: {  	v3 =	vsub.f32 v3, v5  }
0x316: {  	v4 =	vmul.f32 v4, v4  }
0x317: {  	v3 =	vmul.f32 v3, v3  }
0x318: {  	v7 =	vshra.s32 v4, $0x16  }
0x319: {  	v8 =	vshra.s32 v3, $0x16;
	v7 =	vadd.s32 v1, v7  }
0x31a: {  	v8 =	vadd.s32 v1, v8;
	_ =	sdelay $0x1  }
0x31b: {  	v6 =	vsub.f32 $1.000000000e+00, v6  }
0x31c: {  	v5 =	vsub.f32 $1.000000000e+00, v5  }
0x31d: {  	[tilespmem:v7+s12+$0x0] =	vst.idx.add.f32.msk $0xffff, v6;
	v6 =	vmul.f32 v4, v6  }
0x31e: {  	[tilespmem:v8+s13+$0x0] =	vst.idx.add.f32.msk $0xffff, v5;
	v5 =	vmul.f32 v3, v5  }
0x31f: {  	[tilespmem:v7+s14+$0x0] =	vst.idx.add.f32.msk $0xffff, v6  }
0x320: {  	[tilespmem:v8+s15+$0x0] =	vst.idx.add.f32.msk $0xffff, v5  }
0x321: {  	v5 =	vld [tilespmem:s20+$0x8900]  }
0x322: {  	v6 =	vld [tilespmem:s20+$0xA980]  }
0x323: {  	v7 =	vld [tilespmem:s20+$0x4800]  }
0x324: {  	v8 =	vld [tilespmem:s20+$0x8B01]  }
0x325: {  	v9 =	vld [tilespmem:s20+$0x6880]  }
0x326: {  	v10 =	vld [tilespmem:s20+$0xAB81]  }
0x327: {  	v5 =	vadd.f32 v6, v5;
	v6 =	vld [tilespmem:s20+$0x4A01]  }
0x328: {  	v11 =	vld [tilespmem:s20+$0x8D02]  }
0x329: {  	v12 =	vld [tilespmem:s20+$0x6A81];
	v5 =	vadd.f32 v8, v5  }
0x32a: {  	v7 =	vadd.f32 v9, v7;
	v8 =	vld [tilespmem:s20+$0xAD82]  }
0x32b: {  	v9 =	vld [tilespmem:s20+$0x4C02];
	v5 =	vadd.f32 v10, v5  }
0x32c: {  	v10 =	vld [tilespmem:s20+$0x8F03];
	v6 =	vadd.f32 v6, v7  }
0x32d: {  	v7 =	vld [tilespmem:s20+$0x6C82];
	v5 =	vadd.f32 v11, v5  }
0x32e: {  	v11 =	vld [tilespmem:s20+$0xAF83];
	v6 =	vadd.f32 v12, v6  }
0x32f: {  	v5 =	vadd.f32 v8, v5;
	v8 =	vld [tilespmem:s20+$0x4E03]  }
0x330: {  	v56 =	vld [tilespmem:s20+$0x9104];
	v6 =	vadd.f32 v9, v6  }
0x331: {  	v9 =	vld [tilespmem:s20+$0x6E83];
	v5 =	vadd.f32 v10, v5  }
0x332: {  	v10 =	vld [tilespmem:s20+$0xB184];
	v6 =	vadd.f32 v7, v6  }
0x333: {  	v7 =	vld [tilespmem:s20+$0x5004];
	v5 =	vadd.f32 v11, v5  }
0x334: {  	v11 =	vld [tilespmem:s20+$0x9305];
	v6 =	vadd.f32 v8, v6  }
0x335: {  	v8 =	vld [tilespmem:s20+$0x7084];
	v5 =	vadd.f32 v56, v5  }
0x336: {  	v57 =	vld [tilespmem:s20+$0xB385];
	v6 =	vadd.f32 v9, v6  }
0x337: {  	v9 =	vld [tilespmem:s20+$0x5205];
	v5 =	vadd.f32 v10, v5  }
0x338: {  	v10 =	vld [tilespmem:s20+$0x9506];
	v6 =	vadd.f32 v7, v6  }
0x339: {  	v7 =	vld [tilespmem:s20+$0x7285];
	v5 =	vadd.f32 v11, v5  }
0x33a: {  	v11 =	vld [tilespmem:s20+$0xB586];
	v6 =	vadd.f32 v8, v6  }
0x33b: {  	v8 =	vld [tilespmem:s20+$0x5406];
	v5 =	vadd.f32 v57, v5  }
0x33c: {  	v58 =	vld [tilespmem:s20+$0x9707];
	v6 =	vadd.f32 v9, v6  }
0x33d: {  	v9 =	vld [tilespmem:s20+$0x7486];
	v5 =	vadd.f32 v10, v5  }
0x33e: {  	v10 =	vld [tilespmem:s20+$0xB787];
	v6 =	vadd.f32 v7, v6  }
0x33f: {  	v7 =	vld [tilespmem:s20+$0x5607];
	v5 =	vadd.f32 v11, v5  }
0x340: {  	v11 =	vld [tilespmem:s20+$0x9908];
	v6 =	vadd.f32 v8, v6  }
0x341: {  	v8 =	vld [tilespmem:s20+$0x7687];
	v5 =	vadd.f32 v58, v5  }
0x342: {  	v59 =	vld [tilespmem:s20+$0xB988];
	v6 =	vadd.f32 v9, v6  }
0x343: {  	v9 =	vld [tilespmem:s20+$0x5808];
	v5 =	vadd.f32 v10, v5  }
0x344: {  	v10 =	vld [tilespmem:s20+$0x9B09];
	v6 =	vadd.f32 v7, v6  }
0x345: {  	v7 =	vld [tilespmem:s20+$0x7888];
	v5 =	vadd.f32 v11, v5  }
0x346: {  	v11 =	vld [tilespmem:s20+$0xBB89];
	v6 =	vadd.f32 v8, v6  }
0x347: {  	v8 =	vld [tilespmem:s20+$0x5A09];
	v5 =	vadd.f32 v59, v5  }
0x348: {  	v60 =	vld [tilespmem:s20+$0x9D0A];
	v6 =	vadd.f32 v9, v6  }
0x349: {  	v9 =	vld [tilespmem:s20+$0x7A89];
	v5 =	vadd.f32 v10, v5  }
0x34a: {  	v10 =	vld [tilespmem:s20+$0xBD8A];
	v6 =	vadd.f32 v7, v6  }
0x34b: {  	v7 =	vld [tilespmem:s20+$0x5C0A];
	v5 =	vadd.f32 v11, v5  }
0x34c: {  	v11 =	vld [tilespmem:s20+$0x9F0B];
	v6 =	vadd.f32 v8, v6  }
0x34d: {  	v8 =	vld [tilespmem:s20+$0x7C8A];
	v5 =	vadd.f32 v60, v5  }
0x34e: {  	v61 =	vld [tilespmem:s20+$0xBF8B];
	v6 =	vadd.f32 v9, v6  }
0x34f: {  	v9 =	vld [tilespmem:s20+$0x5E0B];
	v5 =	vadd.f32 v10, v5  }
0x350: {  	v10 =	vld [tilespmem:s20+$0xA10C];
	v6 =	vadd.f32 v7, v6  }
0x351: {  	v7 =	vld [tilespmem:s20+$0x7E8B];
	v5 =	vadd.f32 v11, v5  }
0x352: {  	v11 =	vld [tilespmem:s20+$0xC18C];
	v6 =	vadd.f32 v8, v6  }
0x353: {  	v8 =	vld [tilespmem:s20+$0x600C];
	v5 =	vadd.f32 v61, v5  }
0x354: {  	v62 =	vld [tilespmem:s20+$0xA30D];
	v6 =	vadd.f32 v9, v6  }
0x355: {  	v9 =	vld [tilespmem:s20+$0x808C];
	v5 =	vadd.f32 v10, v5  }
0x356: {  	v10 =	vld [tilespmem:s20+$0xC38D];
	v6 =	vadd.f32 v7, v6  }
0x357: {  	v7 =	vld [tilespmem:s20+$0x620D];
	v5 =	vadd.f32 v11, v5  }
0x358: {  	v11 =	vld [tilespmem:s20+$0xA50E];
	v6 =	vadd.f32 v8, v6  }
0x359: {  	v8 =	vld [tilespmem:s20+$0x828D];
	v5 =	vadd.f32 v62, v5  }
0x35a: {  	v63 =	vld [tilespmem:s20+$0xC58E];
	v6 =	vadd.f32 v9, v6  }
0x35b: {  	v9 =	vld [tilespmem:s20+$0x640E];
	v5 =	vadd.f32 v10, v5  }
0x35c: {  	v10 =	vld [tilespmem:s20+$0xA70F];
	v7 =	vadd.f32 v7, v6  }
0x35d: {  	v11 =	vadd.f32 v11, v5;
	v5 =	vld [tilespmem:s20+$0x848E]  }
0x35e: {  	v6 =	vld [tilespmem:s20+$0xC78F];
	v8 =	vadd.f32 v8, v7  }
0x35f: {  	v2 =	vadd.f32 v4, v2;
	v7 =	vld [tilespmem:s20+$0x660F];
	v11 =	vadd.f32 v63, v11  }
0x360: {  	s22 =	simm.s32 $0x10;
	v4 =	vld [tilespmem:s20+$0x868F];
	v8 =	vadd.f32 v9, v8  }
0x361: {  	s18 =	simm.s32 $0x80;
	v2 =	vadd.f32 v3, v2;
	v3 =	vld [tilespmem:s22+$0x8900];
	v9 =	vadd.f32 v10, v11  }
.LBB2_36:
0x362: {  	p0 =	sne.s32 s18, $0x7C0;
	v10 =	vld [tilespmem:s22+$0xA980];
	v5 =	vadd.f32 v5, v8  }
0x363: {  	v8 =	vld [tilespmem:s22+$0x4800];
	v6 =	vadd.f32 v6, v9  }
0x364: {  	v9 =	vld [tilespmem:s22+$0x8B01];
	v5 =	vadd.f32 v7, v5  }
0x365: {  	v7 =	vld [tilespmem:s22+$0x6880];
	[tilespmem:s20+$0xCC00] =	vst v6  }
0x366: {  	v6 =	vld [tilespmem:s22+$0xAB81];
	v4 =	vadd.f32 v4, v5  }
0x367: {  	v3 =	vadd.f32 v10, v3;
	v5 =	vld [tilespmem:s22+$0x4A01]  }
0x368: {  	v10 =	vld [tilespmem:s22+$0x8D02];
	[tilespmem:s20+$0xCA00] =	vst v4;
	s20 =	smov.u32 s22  }
0x369: {  	v4 =	vld [tilespmem:s20+$0x6A81];
	v3 =	vadd.f32 v9, v3  }
0x36a: {  	v7 =	vadd.f32 v7, v8;
	v8 =	vld [tilespmem:s20+$0xAD82]  }
0x36b: {  	v3 =	vadd.f32 v6, v3;
	v6 =	vld [tilespmem:s20+$0x4C02]  }
0x36c: {  	v5 =	vadd.f32 v5, v7;
	v7 =	vld [tilespmem:s20+$0x8F03]  }
0x36d: {  	v9 =	vld [tilespmem:s20+$0x6C82];
	v3 =	vadd.f32 v10, v3  }
0x36e: {  	v4 =	vadd.f32 v4, v5;
	v5 =	vld [tilespmem:s20+$0xAF83]  }
0x36f: {  	v3 =	vadd.f32 v8, v3;
	v8 =	vld [tilespmem:s20+$0x4E03]  }
0x370: {  	v4 =	vadd.f32 v6, v4;
	v6 =	vld [tilespmem:s20+$0x9104]  }
0x371: {  	v10 =	vld [tilespmem:s20+$0x6E83];
	v3 =	vadd.f32 v7, v3  }
0x372: {  	v4 =	vadd.f32 v9, v4;
	v7 =	vld [tilespmem:s20+$0xB184]  }
0x373: {  	v3 =	vadd.f32 v5, v3;
	v5 =	vld [tilespmem:s20+$0x5004]  }
0x374: {  	v4 =	vadd.f32 v8, v4;
	v8 =	vld [tilespmem:s20+$0x9305]  }
0x375: {  	v9 =	vld [tilespmem:s20+$0x7084];
	v3 =	vadd.f32 v6, v3  }
0x376: {  	v4 =	vadd.f32 v10, v4;
	v6 =	vld [tilespmem:s20+$0xB385]  }
0x377: {  	v3 =	vadd.f32 v7, v3;
	v7 =	vld [tilespmem:s20+$0x5205]  }
0x378: {  	v4 =	vadd.f32 v5, v4;
	v5 =	vld [tilespmem:s20+$0x9506]  }
0x379: {  	v10 =	vld [tilespmem:s20+$0x7285];
	v3 =	vadd.f32 v8, v3  }
0x37a: {  	v4 =	vadd.f32 v9, v4;
	v8 =	vld [tilespmem:s20+$0xB586]  }
0x37b: {  	v3 =	vadd.f32 v6, v3;
	v6 =	vld [tilespmem:s20+$0x5406]  }
0x37c: {  	v4 =	vadd.f32 v7, v4;
	v7 =	vld [tilespmem:s20+$0x9707]  }
0x37d: {  	v9 =	vld [tilespmem:s20+$0x7486];
	v3 =	vadd.f32 v5, v3  }
0x37e: {  	v4 =	vadd.f32 v10, v4;
	v5 =	vld [tilespmem:s20+$0xB787]  }
0x37f: {  	v3 =	vadd.f32 v8, v3;
	v8 =	vld [tilespmem:s20+$0x5607]  }
0x380: {  	v4 =	vadd.f32 v6, v4;
	v6 =	vld [tilespmem:s20+$0x9908]  }
0x381: {  	v10 =	vld [tilespmem:s20+$0x7687];
	v3 =	vadd.f32 v7, v3  }
0x382: {  	v4 =	vadd.f32 v9, v4;
	v7 =	vld [tilespmem:s20+$0xB988]  }
0x383: {  	v3 =	vadd.f32 v5, v3;
	v5 =	vld [tilespmem:s20+$0x5808]  }
0x384: {  	v4 =	vadd.f32 v8, v4;
	v8 =	vld [tilespmem:s20+$0x9B09]  }
0x385: {  	v9 =	vld [tilespmem:s20+$0x7888];
	v3 =	vadd.f32 v6, v3  }
0x386: {  	v4 =	vadd.f32 v10, v4;
	v6 =	vld [tilespmem:s20+$0xBB89]  }
0x387: {  	v3 =	vadd.f32 v7, v3;
	v7 =	vld [tilespmem:s20+$0x5A09]  }
0x388: {  	v4 =	vadd.f32 v5, v4;
	v5 =	vld [tilespmem:s20+$0x9D0A]  }
0x389: {  	v10 =	vld [tilespmem:s20+$0x7A89];
	v3 =	vadd.f32 v8, v3  }
0x38a: {  	v4 =	vadd.f32 v9, v4;
	v8 =	vld [tilespmem:s20+$0xBD8A]  }
0x38b: {  	v3 =	vadd.f32 v6, v3;
	v6 =	vld [tilespmem:s20+$0x5C0A]  }
0x38c: {  	v4 =	vadd.f32 v7, v4;
	v7 =	vld [tilespmem:s20+$0x9F0B]  }
0x38d: {  	v9 =	vld [tilespmem:s20+$0x7C8A];
	v3 =	vadd.f32 v5, v3  }
0x38e: {  	v4 =	vadd.f32 v10, v4;
	v5 =	vld [tilespmem:s20+$0xBF8B]  }
0x38f: {  	v3 =	vadd.f32 v8, v3;
	v8 =	vld [tilespmem:s20+$0x5E0B]  }
0x390: {  	v4 =	vadd.f32 v6, v4;
	v6 =	vld [tilespmem:s20+$0xA10C]  }
0x391: {  	v10 =	vld [tilespmem:s20+$0x7E8B];
	v3 =	vadd.f32 v7, v3  }
0x392: {  	v4 =	vadd.f32 v9, v4;
	v7 =	vld [tilespmem:s20+$0xC18C]  }
0x393: {  	v3 =	vadd.f32 v5, v3;
	v5 =	vld [tilespmem:s20+$0x600C]  }
0x394: {  	v4 =	vadd.f32 v8, v4;
	v8 =	vld [tilespmem:s20+$0xA30D]  }
0x395: {  	v9 =	vld [tilespmem:s20+$0x808C];
	v3 =	vadd.f32 v6, v3  }
0x396: {  	v4 =	vadd.f32 v10, v4;
	v6 =	vld [tilespmem:s20+$0xC38D]  }
0x397: {  	v3 =	vadd.f32 v7, v3;
	v7 =	vld [tilespmem:s20+$0x620D]  }
0x398: {  	v4 =	vadd.f32 v5, v4;
	v10 =	vld [tilespmem:s20+$0xA50E]  }
0x399: {  	v11 =	vld [tilespmem:s20+$0x828D];
	v3 =	vadd.f32 v8, v3  }
0x39a: {  	v4 =	vadd.f32 v9, v4;
	v8 =	vld [tilespmem:s20+$0xC58E]  }
0x39b: {  	v3 =	vadd.f32 v6, v3;
	v9 =	vld [tilespmem:s20+$0x640E]  }
0x39c: {  	v4 =	vadd.f32 v7, v4;
	v12 =	vld [tilespmem:s20+$0xA70F]  }
.Ltmp17:
0x39d: {  	v5 =	vld [tilespmem:s20+$0x848E];
	v3 =	vadd.f32 v10, v3;
	(pc) =	sbr.rel @p0 .LBB2_36-.Ltmp17, $4  }
0x39e: {  	v4 =	vadd.f32 v11, v4;
	v6 =	vld [tilespmem:s20+$0xC78F]  }
0x39f: {  	v10 =	vadd.f32 v8, v3;
	v7 =	vld [tilespmem:s20+$0x660F]  }
0x3a0: {  	s22 =	sshra.s32 s18, $0x2;
	v8 =	vadd.f32 v9, v4;
	v4 =	vld [tilespmem:s20+$0x868F]  }
0x3a1: {  	s18 =	sadd.s32 $0x40, s18;
	v3 =	vld [tilespmem:s22+$0x8900];
	v9 =	vadd.f32 v12, v10  }
0x3a2: {  	v10 =	vld [tilespmem:s22+$0xA980];
	v5 =	vadd.f32 v5, v8  }
0x3a3: {  	v11 =	vld [tilespmem:s22+$0x4800];
	v6 =	vadd.f32 v6, v9  }
0x3a4: {  	v57 =	vld [tilespmem:s22+$0x8B01];
	v5 =	vadd.f32 v7, v5  }
0x3a5: {  	v58 =	vld [tilespmem:s22+$0x6880];
	[tilespmem:s20+$0xCC00] =	vst v6  }
0x3a6: {  	v6 =	vld [tilespmem:s22+$0xAB81];
	v4 =	vadd.f32 v4, v5  }
0x3a7: {  	v59 =	vld [tilespmem:s22+$0x4A01]  }
0x3a8: {  	v60 =	vld [tilespmem:s22+$0x8D02];
	[tilespmem:s20+$0xCA00] =	vst v4  }
0x3a9: {  	v3 =	vadd.f32 v10, v3;
	v4 =	vld [tilespmem:s22+$0x6A81]  }
0x3aa: {  	v9 =	vadd.f32 v58, v11  }
0x3ab: {  	v3 =	vadd.f32 v57, v3;
	v61 =	vld [tilespmem:s22+$0x4C02]  }
0x3ac: {  	v62 =	vld [tilespmem:s22+$0xAD82];
	v5 =	vadd.f32 v59, v9  }
0x3ad: {  	v63 =	vld [tilespmem:s22+$0x6C82];
	v3 =	vadd.f32 v6, v3  }
0x3ae: {  	v12 =	vld [tilespmem:s22+$0x8F03];
	v4 =	vadd.f32 v4, v5  }
0x3af: {  	v13 =	vld [tilespmem:s22+$0x4E03];
	v3 =	vadd.f32 v60, v3  }
0x3b0: {  	v14 =	vld [tilespmem:s22+$0xAF83];
	v4 =	vadd.f32 v61, v4  }
0x3b1: {  	v15 =	vld [tilespmem:s22+$0x6E83];
	v3 =	vadd.f32 v62, v3  }
0x3b2: {  	v16 =	vld [tilespmem:s22+$0x9104];
	v4 =	vadd.f32 v63, v4  }
0x3b3: {  	v17 =	vld [tilespmem:s22+$0x5004];
	v3 =	vadd.f32 v12, v3  }
0x3b4: {  	v18 =	vld [tilespmem:s22+$0xB184];
	v4 =	vadd.f32 v13, v4  }
0x3b5: {  	v19 =	vld [tilespmem:s22+$0x7084];
	v3 =	vadd.f32 v14, v3  }
0x3b6: {  	v20 =	vld [tilespmem:s22+$0x9305];
	v4 =	vadd.f32 v15, v4  }
0x3b7: {  	v21 =	vld [tilespmem:s22+$0x5205];
	v3 =	vadd.f32 v16, v3  }
0x3b8: {  	v22 =	vld [tilespmem:s22+$0xB385];
	v4 =	vadd.f32 v17, v4  }
0x3b9: {  	v23 =	vld [tilespmem:s22+$0x7285];
	v3 =	vadd.f32 v18, v3  }
0x3ba: {  	v24 =	vld [tilespmem:s22+$0x9506];
	v4 =	vadd.f32 v19, v4  }
0x3bb: {  	v25 =	vld [tilespmem:s22+$0x5406];
	v3 =	vadd.f32 v20, v3  }
0x3bc: {  	v26 =	vld [tilespmem:s22+$0xB586];
	v4 =	vadd.f32 v21, v4  }
0x3bd: {  	v27 =	vld [tilespmem:s22+$0x7486];
	v3 =	vadd.f32 v22, v3  }
0x3be: {  	v28 =	vld [tilespmem:s22+$0x9707];
	v4 =	vadd.f32 v23, v4  }
0x3bf: {  	v29 =	vld [tilespmem:s22+$0x5607];
	v3 =	vadd.f32 v24, v3  }
0x3c0: {  	v30 =	vld [tilespmem:s22+$0xB787];
	v4 =	vadd.f32 v25, v4  }
0x3c1: {  	v31 =	vld [tilespmem:s22+$0x7687];
	v3 =	vadd.f32 v26, v3  }
0x3c2: {  	v32 =	vld [tilespmem:s22+$0x9908];
	v4 =	vadd.f32 v27, v4  }
0x3c3: {  	v33 =	vld [tilespmem:s22+$0x5808];
	v3 =	vadd.f32 v28, v3  }
0x3c4: {  	v34 =	vld [tilespmem:s22+$0xB988];
	v4 =	vadd.f32 v29, v4  }
0x3c5: {  	v35 =	vld [tilespmem:s22+$0x7888];
	v3 =	vadd.f32 v30, v3  }
0x3c6: {  	v36 =	vld [tilespmem:s22+$0x9B09];
	v4 =	vadd.f32 v31, v4  }
0x3c7: {  	v37 =	vld [tilespmem:s22+$0x5A09];
	v3 =	vadd.f32 v32, v3  }
0x3c8: {  	v38 =	vld [tilespmem:s22+$0xBB89];
	v4 =	vadd.f32 v33, v4  }
0x3c9: {  	v39 =	vld [tilespmem:s22+$0x7A89];
	v3 =	vadd.f32 v34, v3  }
0x3ca: {  	v40 =	vld [tilespmem:s22+$0x9D0A];
	v4 =	vadd.f32 v35, v4  }
0x3cb: {  	v41 =	vld [tilespmem:s22+$0x5C0A];
	v3 =	vadd.f32 v36, v3  }
0x3cc: {  	v42 =	vld [tilespmem:s22+$0xBD8A];
	v4 =	vadd.f32 v37, v4  }
0x3cd: {  	v43 =	vld [tilespmem:s22+$0x7C8A];
	v3 =	vadd.f32 v38, v3  }
0x3ce: {  	v44 =	vld [tilespmem:s22+$0x9F0B];
	v4 =	vadd.f32 v39, v4  }
0x3cf: {  	v45 =	vld [tilespmem:s22+$0x5E0B];
	v3 =	vadd.f32 v40, v3  }
0x3d0: {  	v46 =	vld [tilespmem:s22+$0xBF8B];
	v4 =	vadd.f32 v41, v4  }
0x3d1: {  	v47 =	vld [tilespmem:s22+$0x7E8B];
	v3 =	vadd.f32 v42, v3  }
0x3d2: {  	v48 =	vld [tilespmem:s22+$0xA10C];
	v4 =	vadd.f32 v43, v4  }
0x3d3: {  	v49 =	vld [tilespmem:s22+$0x600C];
	v3 =	vadd.f32 v44, v3  }
0x3d4: {  	v50 =	vld [tilespmem:s22+$0xC18C];
	v4 =	vadd.f32 v45, v4  }
0x3d5: {  	v51 =	vld [tilespmem:s22+$0x808C];
	v3 =	vadd.f32 v46, v3  }
0x3d6: {  	v52 =	vld [tilespmem:s22+$0xA30D];
	v4 =	vadd.f32 v47, v4  }
0x3d7: {  	v53 =	vld [tilespmem:s22+$0x620D];
	v3 =	vadd.f32 v48, v3  }
0x3d8: {  	v54 =	vld [tilespmem:s22+$0xC38D];
	v4 =	vadd.f32 v49, v4  }
0x3d9: {  	v55 =	vld [tilespmem:s22+$0x828D];
	v3 =	vadd.f32 v50, v3  }
0x3da: {  	v56 =	vld [tilespmem:s22+$0xA50E];
	v4 =	vadd.f32 v51, v4  }
0x3db: {  	v57 =	vld [tilespmem:s22+$0x640E];
	v3 =	vadd.f32 v52, v3  }
0x3dc: {  	v58 =	vld [tilespmem:s22+$0xC58E];
	v4 =	vadd.f32 v53, v4  }
0x3dd: {  	v59 =	vld [tilespmem:s22+$0x848E];
	v3 =	vadd.f32 v54, v3  }
0x3de: {  	v60 =	vld [tilespmem:s22+$0xA70F];
	v4 =	vadd.f32 v55, v4  }
0x3df: {  	v61 =	vld [tilespmem:s22+$0x660F];
	v3 =	vadd.f32 v56, v3  }
0x3e0: {  	v62 =	vld [tilespmem:s22+$0xC78F];
	v4 =	vadd.f32 v57, v4  }
0x3e1: {  	v63 =	vld [tilespmem:s22+$0x868F];
	v3 =	vadd.f32 v58, v3  }
0x3e2: {  	v4 =	vadd.f32 v59, v4  }
0x3e3: {  	v3 =	vadd.f32 v60, v3  }
0x3e4: {  	v4 =	vadd.f32 v61, v4  }
0x3e5: {  	v3 =	vadd.f32 v62, v3  }
0x3e6: {  	v4 =	vadd.f32 v63, v4  }
0x3e7: {  	[tilespmem:s22+$0xCC00] =	vst v3  }
0x3e8: {  	s18 =	rddreg [dreg:$0x12];
	[tilespmem:s22+$0xCA00] =	vst v4  }
0x3e9: {  	s23 =	simm.s32 $0xCA00;
	s20 =	simm.s32 $0x80;
	s22 =	simm.s32 $0x400;
	[tilespmem:$0xCE00] =	vst v2  }
0x3ea: {  	[hbm4b:s18+s20] =	stream.strided.scatter [tilespmem:s23], [sflag:$0x3], $0x200, s22, s20, $0x38;
	[tilespmem:$0xCE80] =	vst v63  }
0x3eb: {  	_ =	swait.ge [sflag:s19], $0x200  }
0x3ec: {  	[sflag:s19] =	ssyncset.done $0x0  }
0x3ed: {  	s23 =	simm.s32 $0xCC00;
	s18 =	rddreg [dreg:$0x13];
	[sflag:s19] =	ssyncadd.s32 $0xFFFFFE00  }
0x3ee: {  	[hbm4b:s18+s20] =	stream.strided.scatter [tilespmem:s23], [sflag:$0x3], $0x200, s22, s20, $0x38;
	[tilespmem:$0xCE80] =	vst v63  }
0x3ef: {  	_ =	swait.ge [sflag:s19], $0x200  }
0x3f0: {  	s20 =	simm.s32 $0x0;
	[sflag:s19] =	ssyncset.done $0x0  }
0x3f1: {  	s23 =	simm.s32 $0xCE00;
	s22 =	rddreg [dreg:$0x14];
	[sflag:s19] =	ssyncadd.s32 $0xFFFFFE00  }
0x3f2: {  	[hbm4b:s22+s20] =	stream.linear.scatter [tilespmem:s23], [sflag:$0x3], $0x80, $0x38;
	[tilespmem:$0xCE80] =	vst v63  }
0x3f3: {  	_ =	swait.ge [sflag:s19], $0x80  }
0x3f4: {  	s17 =	sadd.s32 $0x1, s17;
	s23 =	rddreg [dreg:$0x15]  }
0x3f5: {  	p0 =	sne.s32 s17, s23  }
.Ltmp18:
0x3f6: {  	_ = 	snop;
	(pc) =	sbr.rel @p0 .LBB2_1-.Ltmp18, $3  }
0x3f7: {  	_ =	sdelay $0x1  }
0x3f8: {  	[sflag:s19] =	ssyncset.done $0x0  }
0x3f9: {  	[sflag:s19] =	ssyncadd.s32 $0xFFFFFF80  }
0x3fa: {  	_ =	sfence.sel $0x180000  }
0x3fb: {  	[bflag:$0x0] =	sbarrier.arrive $0xFFFF  }
0x3fc: {  	_ =	strace $0x90000047  }
0x3fd: {  	s0 =	stileid.u32;
	[bflag:$0x2] =	sbarrier.arrive $0xFFFF  }
0x3fe: {  	p0 =	sne.s32 s0, $0x0;
	s0 =	rddreg [dreg:$0x1]  }
0x3ff: {  	s0 =	sadd.s32 @!p0 $0x100000, s0  }
0x400: {  	[sflag:s0] =	ssyncadd.tile.s32 @!p0 $0x1;
	_ =	shalt  }
.Lfunc_end2:
_tile_overlayer_lowered:
.L_overlay_start_2:
0x401: {  	(tag) =	ssettag $0x2  }
0x402: {  	s0 =	rddreg [dreg:$0x0];
	s2 =	stileid.u32  }
0x403: {  	s1 =	rddreg [dreg:$0x1];
	p0 =	sne.s32 s2, $0x0  }
0x404: {  	s3 =	rddreg [dreg:$0x2];
	[bflag:$0x3] =	sbarrier.arrive $0xFFFF;
	s2 =	simm.s32 @!p0 $0x1C03  }
0x405: {  	[timem:s3], [sflag:s2] =	dma.local @!p0 [hbm:s0], s1  }
0x406: {  	s0 =	simm.s32 @!p0 $0x3  }
0x407: {  	_ =	swait.ge @!p0 [sflag:s0], s1  }
0x408: {  	s1 =	ssub.s32 @!p0 $0x0, s1;
	[sflag:s0] =	ssyncset.done @!p0 $0x0  }
0x409: {  	[sflag:s0] =	ssyncadd.s32 @!p0 s1  }
0x40a: {  	[bflag:$0x3] =	sbarrier.arrive $0xFFFF  }
0x40b: {  	_ =	shalt  }

</sc_bundles>
